<compile_context>
chip_gen: v7x
topology: tpu7x:2x2x1
jax: 0.10.2.dev20260603
libtpu: 0.0.44.dev20260713+nightly
codegen_flags: <defaults>
</compile_context>

<pallas_src>
import functools

import jax
import jax.numpy as jnp
from jax import lax
from jax.experimental import pallas as pl
from jax.experimental.pallas import tpu as pltpu
from jax.experimental.pallas import tpu_sc as plsc

_NC = 2
_NS = 16
_CH = 64
_KI = 40
_KO = 4
_NBUF = 4
_PAD = 64



@functools.cache
def _make_deg(n, e):
    nw = _NC * _NS
    per_tile = e // nw
    nch = per_tile // _CH
    npad = ((n + nw * 16 - 1) // (nw * 16)) * (nw * 16)
    zseg = npad // _NS
    wb = 1000
    nwb = n // wb
    mesh = plsc.VectorSubcoreMesh(core_axis_name="c", subcore_axis_name="s")

    @functools.partial(
        pl.kernel,
        out_type=jax.ShapeDtypeStruct((_NC * n,), jnp.float32),
        mesh=mesh,
        scratch_types=[
            pltpu.VMEM((_KO, _KI, _CH), jnp.int32),
            pltpu.VMEM((_CH,), jnp.float32),
            pltpu.VMEM((zseg,), jnp.float32),
            pltpu.VMEM((wb,), jnp.float32),
            pltpu.VMEM_SHARED((npad,), jnp.float32),
        ],
    )
    def deg(dst_hbm, out_hbm, dst_v, ones_v, zbuf, wbuf, acc):
        c = lax.axis_index("c")
        s = lax.axis_index("s")
        w = s * _NC + c
        for j in range(_CH // 16):
            ones_v[pl.ds(j * 16, 16)] = jnp.ones((16,), jnp.float32)

        def zel(i, carry):
            zbuf[pl.ds(i * 16, 16)] = jnp.zeros((16,), jnp.float32)
            return carry

        lax.fori_loop(0, zseg // 16, zel, 0)
        pltpu.sync_copy(zbuf, acc.at[pl.ds(s * zseg, zseg)])
        plsc.subcore_barrier()
        pltpu.sync_copy(dst_hbm.at[w], dst_v)

        def body(k, carry):
            def inner(j, carry2):
                pltpu.sync_copy(ones_v, acc.at[dst_v.at[k, j]], add=True)
                return carry2

            return lax.fori_loop(0, _KI, inner, carry)

        lax.fori_loop(0, _KO, body, 0)
        plsc.subcore_barrier()

        @pl.when(s < nwb)
        def _():
            pltpu.sync_copy(acc.at[pl.ds(s * wb, wb)], wbuf)
            pltpu.sync_copy(wbuf, out_hbm.at[pl.ds(c * n + s * wb, wb)])

    return deg


@functools.cache
def _make_agg(n, e, f):
    zr = 16
    wb = 1000
    nwb = n // wb
    mesh = plsc.VectorSubcoreMesh(core_axis_name="c", subcore_axis_name="s")

    scratch = [
        pltpu.VMEM((2, _KI, _CH), jnp.int32),
        pltpu.VMEM((1, _KI, _CH), jnp.int32),
    ]
    scratch += [pltpu.VMEM((_CH, f), jnp.float32) for _ in range(_NBUF)]
    scratch += [
        pltpu.VMEM((zr, f), jnp.float32),
        pltpu.VMEM_SHARED((n + _PAD, f), jnp.float32),
    ]
    scratch += [pltpu.SemaphoreType.DMA for _ in range(_NBUF)]

    @functools.partial(
        pl.kernel,
        out_type=jax.ShapeDtypeStruct((_NC, n, f), jnp.float32),
        mesh=mesh,
        scratch_types=scratch,
    )
    def agg(hp_hbm, src_hbm, dst_hbm, out_hbm, src_v, dst_v, r0, r1, r2, r3,
            zbuf, acc, g0, g1, g2, g3):
        rows = (r0, r1, r2, r3)
        gsem = (g0, g1, g2, g3)
        c = lax.axis_index("c")
        s = lax.axis_index("s")
        w = s * _NC + c

        def zrow(r, carry):
            for j in range(f // 16):
                zbuf[r, pl.ds(j * 16, 16)] = jnp.zeros((16,), jnp.float32)
            return carry

        lax.fori_loop(0, zr, zrow, 0)

        nblk = n // zr

        def zcp(i, carry):
            blk_i = s + i * _NS

            @pl.when(blk_i < nblk)
            def _():
                pltpu.sync_copy(zbuf, acc.at[pl.ds(blk_i * zr, zr)])

            return carry

        lax.fori_loop(0, (nblk + _NS - 1) // _NS, zcp, 0)

        ngrp = _KI // _NBUF
        pltpu.sync_copy(src_hbm.at[w, pl.ds(0, 1)], src_v.at[pl.ds(0, 1)])
        for b in range(_NBUF):
            pltpu.async_copy(hp_hbm.at[src_v.at[0, jnp.int32(b)]],
                             rows[b], gsem[b])

        plsc.subcore_barrier()

        def blk(k, carry):
            p = lax.rem(k, 2)
            pltpu.sync_copy(dst_hbm.at[w, pl.ds(k, 1)], dst_v)

            def body(i, carry2):
                for b in range(_NBUF):
                    j = _NBUF * i + b
                    pltpu.make_async_copy(hp_hbm.at[src_v.at[p, j]], rows[b],
                                          gsem[b]).wait()
                    pltpu.sync_copy(rows[b], acc.at[dst_v.at[0, j]], add=True)
                    pltpu.async_copy(hp_hbm.at[src_v.at[p, j + _NBUF]],
                                     rows[b], gsem[b])
                return carry2

            lax.fori_loop(0, ngrp - 1, body, 0)

            @pl.when(k < _KO - 1)
            def _():
                pltpu.sync_copy(src_hbm.at[w, pl.ds(k + 1, 1)],
                                src_v.at[pl.ds(1 - p, 1)])

            for b in range(_NBUF):
                j = jnp.int32(_KI - _NBUF + b)
                pltpu.make_async_copy(hp_hbm.at[src_v.at[p, j]], rows[b],
                                      gsem[b]).wait()
                pltpu.sync_copy(rows[b], acc.at[dst_v.at[0, j]], add=True)

                @pl.when(k < _KO - 1)
                def _():
                    pltpu.async_copy(
                        hp_hbm.at[src_v.at[1 - p, jnp.int32(b)]],
                        rows[b], gsem[b])

            return carry

        lax.fori_loop(0, _KO, blk, 0)

        plsc.subcore_barrier()

        def wcp(i, carry):
            blk_i = s + i * _NS

            @pl.when(blk_i < nblk)
            def _():
                pltpu.sync_copy(acc.at[pl.ds(blk_i * zr, zr)], zbuf)
                pltpu.sync_copy(zbuf, out_hbm.at[c, pl.ds(blk_i * zr, zr)])

            return carry

        lax.fori_loop(0, (nblk + _NS - 1) // _NS, wcp, 0)

    return agg



_BM = 1000


def _tc1(x, w1, d0, d1):
    n, f = x.shape

    def body(x_ref, w_ref, d0_ref, d1_ref, hp_ref, dinv_ref):
        dinv = lax.rsqrt(d0_ref[...] + d1_ref[...] + 1.0)
        h = jnp.dot(x_ref[...], w_ref[...], preferred_element_type=jnp.float32)
        hp_ref[...] = h * dinv
        dinv_ref[...] = dinv

    return pl.pallas_call(
        body,
        grid=(n // _BM,),
        in_specs=[
            pl.BlockSpec((_BM, f), lambda i: (i, 0)),
            pl.BlockSpec((f, f), lambda i: (0, 0)),
            pl.BlockSpec((_BM, 1), lambda i: (i, 0)),
            pl.BlockSpec((_BM, 1), lambda i: (i, 0)),
        ],
        out_specs=[
            pl.BlockSpec((_BM, f), lambda i: (i, 0)),
            pl.BlockSpec((_BM, 1), lambda i: (i, 0)),
        ],
        out_shape=[
            jax.ShapeDtypeStruct((n, f), jnp.float32),
            jax.ShapeDtypeStruct((n, 1), jnp.float32),
        ],
    )(x, w1, d0, d1)


def _tc2(p0, p1, hp1, dinv, b1, w2):
    n, f = hp1.shape

    def body(p0_ref, p1_ref, hp_ref, dinv_ref, b_ref, w_ref, out_ref):
        q = p0_ref[...] + p1_ref[...] + hp_ref[...]
        z = jnp.maximum(dinv_ref[...] * q + b_ref[...], 0.0)
        out_ref[...] = dinv_ref[...] * jnp.dot(
            z, w_ref[...], preferred_element_type=jnp.float32)

    return pl.pallas_call(
        body,
        grid=(n // _BM,),
        in_specs=[
            pl.BlockSpec((_BM, f), lambda i: (i, 0)),
            pl.BlockSpec((_BM, f), lambda i: (i, 0)),
            pl.BlockSpec((_BM, f), lambda i: (i, 0)),
            pl.BlockSpec((_BM, 1), lambda i: (i, 0)),
            pl.BlockSpec((1, f), lambda i: (0, 0)),
            pl.BlockSpec((f, f), lambda i: (0, 0)),
        ],
        out_specs=pl.BlockSpec((_BM, f), lambda i: (i, 0)),
        out_shape=jax.ShapeDtypeStruct((n, f), jnp.float32),
    )(p0, p1, hp1, dinv, b1, w2)


def _tc3(q0, q1, hp2, dinv, b2, bat3, wl, bl):
    n, f = hp2.shape
    g = 64
    out_dim = wl.shape[1]
    nb = n // _BM

    def body(q0_ref, q1_ref, hp_ref, dinv_ref, b2_ref, bat_ref, wl_ref,
             bl_ref, out_ref, pooled, cnt):
        i = pl.program_id(0)

        @pl.when(i == 0)
        def _():
            pooled[...] = jnp.zeros_like(pooled)
            cnt[...] = jnp.zeros_like(cnt)

        dq = dinv_ref[...] * (q0_ref[...] + q1_ref[...] + hp_ref[...])
        b = bat_ref[...].reshape(1, _BM)
        gids = lax.broadcasted_iota(jnp.int32, (g, 1), 0)
        mask = (b == gids).astype(jnp.float32)
        pooled[...] += jnp.dot(mask, dq, preferred_element_type=jnp.float32)
        cnt[...] += jnp.sum(mask, axis=1, keepdims=True)

        @pl.when(i == nb - 1)
        def _():
            pm = pooled[...] / jnp.maximum(cnt[...], 1.0) + b2_ref[...]
            out_ref[...] = jnp.dot(
                pm, wl_ref[...], preferred_element_type=jnp.float32
            ) + bl_ref[...]

    return pl.pallas_call(
        body,
        grid=(nb,),
        in_specs=[
            pl.BlockSpec((_BM, f), lambda i: (i, 0)),
            pl.BlockSpec((_BM, f), lambda i: (i, 0)),
            pl.BlockSpec((_BM, f), lambda i: (i, 0)),
            pl.BlockSpec((_BM, 1), lambda i: (i, 0)),
            pl.BlockSpec((1, f), lambda i: (0, 0)),
            pl.BlockSpec((1, 1, _BM), lambda i: (i, 0, 0)),
            pl.BlockSpec((f, out_dim), lambda i: (0, 0)),
            pl.BlockSpec((1, out_dim), lambda i: (0, 0)),
        ],
        out_specs=pl.BlockSpec((g, out_dim), lambda i: (0, 0)),
        out_shape=jax.ShapeDtypeStruct((g, out_dim), jnp.float32),
        scratch_shapes=[
            pltpu.VMEM((g, f), jnp.float32),
            pltpu.VMEM((g, 1), jnp.float32),
        ],
    )(q0, q1, hp2, dinv, b2, bat3, wl, bl)



def kernel(x, edge_index, batch, W1, b1, W2, b2, Wl, bl):
    n, f = x.shape
    e = edge_index.shape[1]
    nw = _NC * _NS
    ep = nw * _KO * _KI * _CH
    pad_i = jnp.arange(ep - e, dtype=edge_index.dtype) % _PAD
    src_p = jnp.concatenate([edge_index[0], pad_i])
    dst_p = jnp.concatenate([edge_index[1], pad_i + n])
    src2 = src_p.reshape(nw, _KO, _KI, _CH)
    dst2 = dst_p.reshape(nw, _KO, _KI, _CH)

    degp = _make_deg(n, e)(dst2).reshape(_NC, n)
    d0 = degp[0].reshape(n, 1)
    d1 = degp[1].reshape(n, 1)

    hp1, dinv = _tc1(x, W1, d0, d1)
    p = _make_agg(n, e, f)(hp1, src2, dst2)
    hp2 = _tc2(p[0], p[1], hp1, dinv, b1.reshape(1, f), W2)
    q = _make_agg(n, e, f)(hp2, src2, dst2)
    bat3 = batch.reshape(n // _BM, 1, _BM)
    return _tc3(q[0], q[1], hp2, dinv, b2.reshape(1, f),
                bat3, Wl, bl.reshape(1, -1))

# --- scband reference (transcript-rebuilt; emitter-appended) ---
"""Pipeline reference for scband-gnn-80564996538502 (READ-ONLY COPY).

The authoritative reference and input builder live on the scoring server;
editing this copy changes nothing except your own understanding.
"""

import jax, jax.numpy as jnp
import numpy as np

N = 10000
E = 320000
F = 128
H = 128
OUT = 9044
G = 64


def setup_inputs(seed: int = 0) -> dict:
    key = jax.random.key(seed)
    ks = jax.random.split(key, 10)
    x = jax.random.normal(ks[0], (N, F), dtype=jnp.float32)
    edge_index = jax.random.randint(ks[1], (2, E), 0, N, dtype=jnp.int32)
    batch = jnp.sort(jax.random.randint(ks[2], (N,), 0, G, dtype=jnp.int32))
    W1 = jax.random.normal(ks[3], (F, H), dtype=jnp.float32) * 0.05
    b1 = jnp.zeros((H,), dtype=jnp.float32)
    W2 = jax.random.normal(ks[4], (H, H), dtype=jnp.float32) * 0.05
    b2 = jnp.zeros((H,), dtype=jnp.float32)
    Wl = jax.random.normal(ks[5], (H, OUT), dtype=jnp.float32) * 0.05
    bl = jnp.zeros((OUT,), dtype=jnp.float32)
    return {"x": x, "edge_index": edge_index, "batch": batch,
            "W1": W1, "b1": b1, "W2": W2, "b2": b2, "Wl": Wl, "bl": bl}


def _gcn_conv(x, edge_index, W, b):
    n = x.shape[0]
    loop = jnp.arange(n, dtype=edge_index.dtype)
    src = jnp.concatenate([edge_index[0], loop])
    dst = jnp.concatenate([edge_index[1], loop])
    ones = jnp.ones_like(dst, dtype=x.dtype)
    deg = jax.ops.segment_sum(ones, dst, num_segments=n)
    dinv = jax.lax.rsqrt(jnp.maximum(deg, 1.0))
    norm = dinv[src] * dinv[dst]
    h = x @ W
    msgs = h[src] * norm[:, None]
    out = jax.ops.segment_sum(msgs, dst, num_segments=n)
    return out + b


def reference(x, edge_index, batch, W1, b1, W2, b2, Wl, bl):
    h = _gcn_conv(x, edge_index, W1, b1)
    h = jax.nn.relu(h)
    h = _gcn_conv(h, edge_index, W2, b2)
    sums = jax.ops.segment_sum(h, batch, num_segments=G)
    counts = jax.ops.segment_sum(jnp.ones((h.shape[0],), dtype=h.dtype), batch, num_segments=G)
    pooled = sums / jnp.maximum(counts, 1.0)[:, None]
    return pooled @ Wl + bl

if __name__ == "__main__":
    import jax
    _d = setup_inputs()
    print(jax.jit(kernel)(*tuple(_d.values())))

</pallas_src>

<mosaic_0001>
#map = affine_map<(d0, d1) -> (0, 0, 0, 0)>
#map1 = affine_map<(d0, d1) -> (0)>
module attributes {stable_mosaic.version = 14 : i64} {
  func.func @deg(%arg0: i32, %arg1: i32, %arg2: memref<32x4x40x64xi32, #tpu.memory_space<hbm>>, %arg3: memref<20000xf32, #tpu.memory_space<hbm>>, %arg4: memref<4x40x64xi32, #tpu.memory_space<vmem>>, %arg5: memref<64xf32, #tpu.memory_space<vmem>>, %arg6: memref<640xf32, #tpu.memory_space<vmem>>, %arg7: memref<1000xf32, #tpu.memory_space<vmem>>, %arg8: memref<10240xf32, #tpu.memory_space<vmem_shared>>) attributes {dimension_semantics = [#tpu.dimension_semantics<core_parallel>, #tpu.dimension_semantics<subcore_parallel>], iteration_bounds = array<i64: 2, 16>, scalar_prefetch = 0 : i64, scratch_operands = 5 : i64, tpu.core_type = #tpu.core_type<sc_vector_subcore>, window_params = [{transform_indices = #map}, {transform_indices = #map1}]} {
    %mul3A = arith.constant 2 : i32
    %mul3A_0 = arith.muli %arg1, %mul3A : i32
    %add3A = arith.addi %mul3A_0, %arg0 : i32
    %broadcast_in_dim3A = arith.constant 1.000000e+00 : f32
    %broadcast_in_dim3A_1 = vector.broadcast %broadcast_in_dim3A : f32 to vector<16xf32>
    %swap3A = arith.constant 0 : index
    %swap3A_2 = tpu.vector_load %arg5[%swap3A] {strides = array<i32>} : memref<64xf32, #tpu.memory_space<vmem>>, vector<16xf32>,
    %swap3A_3 = vector.shape_cast %swap3A_2 : vector<16xf32> to vector<16xf32>
    %swap3A_4 = vector.shape_cast %broadcast_in_dim3A_1 : vector<16xf32> to vector<16xf32>
    tpu.vector_store %arg5[%swap3A], %swap3A_4 {strides = array<i32>} : memref<64xf32, #tpu.memory_space<vmem>>, vector<16xf32>,
    %broadcast_in_dim3A_5 = arith.constant 1.000000e+00 : f32
    %broadcast_in_dim3A_6 = vector.broadcast %broadcast_in_dim3A_5 : f32 to vector<16xf32>
    %swap3A_7 = arith.constant 16 : index
    %swap3A_8 = tpu.vector_load %arg5[%swap3A_7] {strides = array<i32>} : memref<64xf32, #tpu.memory_space<vmem>>, vector<16xf32>,
    %swap3A_9 = vector.shape_cast %swap3A_8 : vector<16xf32> to vector<16xf32>
    %swap3A_10 = vector.shape_cast %broadcast_in_dim3A_6 : vector<16xf32> to vector<16xf32>
    tpu.vector_store %arg5[%swap3A_7], %swap3A_10 {strides = array<i32>} : memref<64xf32, #tpu.memory_space<vmem>>, vector<16xf32>,
    %broadcast_in_dim3A_11 = arith.constant 1.000000e+00 : f32
    %broadcast_in_dim3A_12 = vector.broadcast %broadcast_in_dim3A_11 : f32 to vector<16xf32>
    %swap3A_13 = arith.constant 32 : index
    %swap3A_14 = tpu.vector_load %arg5[%swap3A_13] {strides = array<i32>} : memref<64xf32, #tpu.memory_space<vmem>>, vector<16xf32>,
    %swap3A_15 = vector.shape_cast %swap3A_14 : vector<16xf32> to vector<16xf32>
    %swap3A_16 = vector.shape_cast %broadcast_in_dim3A_12 : vector<16xf32> to vector<16xf32>
    tpu.vector_store %arg5[%swap3A_13], %swap3A_16 {strides = array<i32>} : memref<64xf32, #tpu.memory_space<vmem>>, vector<16xf32>,
    %broadcast_in_dim3A_17 = arith.constant 1.000000e+00 : f32
    %broadcast_in_dim3A_18 = vector.broadcast %broadcast_in_dim3A_17 : f32 to vector<16xf32>
    %swap3A_19 = arith.constant 48 : index
    %swap3A_20 = tpu.vector_load %arg5[%swap3A_19] {strides = array<i32>} : memref<64xf32, #tpu.memory_space<vmem>>, vector<16xf32>,
    %swap3A_21 = vector.shape_cast %swap3A_20 : vector<16xf32> to vector<16xf32>
    %swap3A_22 = vector.shape_cast %broadcast_in_dim3A_18 : vector<16xf32> to vector<16xf32>
    tpu.vector_store %arg5[%swap3A_19], %swap3A_22 {strides = array<i32>} : memref<64xf32, #tpu.memory_space<vmem>>, vector<16xf32>,
    %scan3A = arith.constant 0 : i32
    %scan3A_23 = arith.constant 0 : i32
    %scan3A_24 = arith.constant 40 : i32
    %scan3A_25 = arith.addi %scan3A_23, %scan3A_24 : i32
    %scan3A_26 = arith.constant 1 : i32
    scf.for %scan3A_39 = %scan3A_23 to %scan3A_25 step %scan3A_26  : i32 {
      %broadcast_in_dim3A_40 = arith.constant 0.000000e+00 : f32
      %broadcast_in_dim3A_41 = vector.broadcast %broadcast_in_dim3A_40 : f32 to vector<16xf32>
      %mul3A_42 = arith.constant 16 : i32
      %mul3A_43 = arith.muli %scan3A_39, %mul3A_42 : i32
      %swap3A_44 = arith.index_cast %mul3A_43 : i32 to index
      %swap3A_45 = tpu.vector_load %arg6[%swap3A_44] {strides = array<i32>} : memref<640xf32, #tpu.memory_space<vmem>>, vector<16xf32>,
      %swap3A_46 = vector.shape_cast %swap3A_45 : vector<16xf32> to vector<16xf32>
      %swap3A_47 = vector.shape_cast %broadcast_in_dim3A_41 : vector<16xf32> to vector<16xf32>
      tpu.vector_store %arg6[%swap3A_44], %swap3A_47 {strides = array<i32>} : memref<640xf32, #tpu.memory_space<vmem>>, vector<16xf32>,
    }
    %scan3A_27 = arith.constant 40 : i32
    %mul3A_28 = arith.constant 640 : i32
    %mul3A_29 = arith.muli %arg1, %mul3A_28 : i32
    "tpu.region"() ({
      %run_scoped3A = tpu.sem_alloc : memref<!tpu.dma_semaphore, #tpu.memory_space<semaphore_mem>>
      %dma_start3A = tpu.memref_slice %arg8[%mul3A_29] : memref<10240xf32, #tpu.memory_space<vmem_shared>> -> memref<640xf32, #tpu.memory_space<vmem_shared>>
      %dma_start3A_39 = tpu.memref_slice %arg8[%mul3A_29] : memref<10240xf32, #tpu.memory_space<vmem_shared>> -> memref<640xf32, #tpu.memory_space<vmem_shared>>
      tpu.enqueue_dma source(%arg6 : memref<640xf32, #tpu.memory_space<vmem>>) target(%dma_start3A_39 : memref<640xf32, #tpu.memory_space<vmem_shared>>) target_semaphore(%run_scoped3A : memref<!tpu.dma_semaphore, #tpu.memory_space<semaphore_mem>>)
      %dma_wait3A = tpu.memref_slice %arg8[%mul3A_29] : memref<10240xf32, #tpu.memory_space<vmem_shared>> -> memref<640xf32, #tpu.memory_space<vmem_shared>>
      %dma_wait3A_40 = tpu.memref_slice %arg8[%mul3A_29] : memref<10240xf32, #tpu.memory_space<vmem_shared>> -> memref<640xf32, #tpu.memory_space<vmem_shared>>
      tpu.wait_dma2 semaphore(%run_scoped3A : memref<!tpu.dma_semaphore, #tpu.memory_space<semaphore_mem>>) src(%arg6 : memref<640xf32, #tpu.memory_space<vmem>>) dst(%dma_wait3A_40 : memref<640xf32, #tpu.memory_space<vmem_shared>>)
      tpu.yield
    }) : () -> ()
    %barrier3A = arith.constant 0 : index
    tpu.barrier barrier_id(%barrier3A)
    "tpu.region"() ({
      %run_scoped3A = tpu.sem_alloc : memref<!tpu.dma_semaphore, #tpu.memory_space<semaphore_mem>>
      %dma_start3A = arith.constant 0 : i32
      %dma_start3A_39 = arith.constant 0 : i32
      %dma_start3A_40 = arith.constant 0 : i32
      %dma_start3A_41 = tpu.memref_slice %arg2[%add3A, %dma_start3A, %dma_start3A_39, %dma_start3A_40] : memref<32x4x40x64xi32, #tpu.memory_space<hbm>> -> memref<1x4x40x64xi32, #tpu.memory_space<hbm>>
      %dma_start3A_42 = tpu.memref_squeeze %dma_start3A_41 : memref<1x4x40x64xi32, #tpu.memory_space<hbm>> -> memref<4x40x64xi32, #tpu.memory_space<hbm>>
      %dma_start3A_43 = arith.constant 0 : i32
      %dma_start3A_44 = arith.constant 0 : i32
      %dma_start3A_45 = arith.constant 0 : i32
      %dma_start3A_46 = tpu.memref_slice %arg2[%add3A, %dma_start3A_43, %dma_start3A_44, %dma_start3A_45] : memref<32x4x40x64xi32, #tpu.memory_space<hbm>> -> memref<1x4x40x64xi32, #tpu.memory_space<hbm>>
      %dma_start3A_47 = tpu.memref_squeeze %dma_start3A_46 : memref<1x4x40x64xi32, #tpu.memory_space<hbm>> -> memref<4x40x64xi32, #tpu.memory_space<hbm>>
      tpu.enqueue_dma source(%dma_start3A_47 : memref<4x40x64xi32, #tpu.memory_space<hbm>>) target(%arg4 : memref<4x40x64xi32, #tpu.memory_space<vmem>>) target_semaphore(%run_scoped3A : memref<!tpu.dma_semaphore, #tpu.memory_space<semaphore_mem>>)
      %dma_wait3A = arith.constant 0 : i32
      %dma_wait3A_48 = arith.constant 0 : i32
      %dma_wait3A_49 = arith.constant 0 : i32
      %dma_wait3A_50 = tpu.memref_slice %arg2[%add3A, %dma_wait3A, %dma_wait3A_48, %dma_wait3A_49] : memref<32x4x40x64xi32, #tpu.memory_space<hbm>> -> memref<1x4x40x64xi32, #tpu.memory_space<hbm>>
      %dma_wait3A_51 = tpu.memref_squeeze %dma_wait3A_50 : memref<1x4x40x64xi32, #tpu.memory_space<hbm>> -> memref<4x40x64xi32, #tpu.memory_space<hbm>>
      %dma_wait3A_52 = arith.constant 0 : i32
      %dma_wait3A_53 = arith.constant 0 : i32
      %dma_wait3A_54 = arith.constant 0 : i32
      %dma_wait3A_55 = tpu.memref_slice %arg2[%add3A, %dma_wait3A_52, %dma_wait3A_53, %dma_wait3A_54] : memref<32x4x40x64xi32, #tpu.memory_space<hbm>> -> memref<1x4x40x64xi32, #tpu.memory_space<hbm>>
      %dma_wait3A_56 = tpu.memref_squeeze %dma_wait3A_55 : memref<1x4x40x64xi32, #tpu.memory_space<hbm>> -> memref<4x40x64xi32, #tpu.memory_space<hbm>>
      tpu.wait_dma2 semaphore(%run_scoped3A : memref<!tpu.dma_semaphore, #tpu.memory_space<semaphore_mem>>) src(%dma_wait3A_56 : memref<4x40x64xi32, #tpu.memory_space<hbm>>) dst(%arg4 : memref<4x40x64xi32, #tpu.memory_space<vmem>>)
      tpu.yield
    }) : () -> ()
    %scan3A_30 = arith.constant 0 : i32
    %scan3A_31 = arith.constant 0 : i32
    %scan3A_32 = arith.constant 4 : i32
    %scan3A_33 = arith.addi %scan3A_31, %scan3A_32 : i32
    %scan3A_34 = arith.constant 1 : i32
    scf.for %scan3A_39 = %scan3A_31 to %scan3A_33 step %scan3A_34  : i32 {
      %scan3A_40 = arith.constant 0 : i32
      %scan3A_41 = arith.constant 40 : i32
      %scan3A_42 = arith.addi %scan3A_40, %scan3A_41 : i32
      %scan3A_43 = arith.constant 1 : i32
      scf.for %scan3A_45 = %scan3A_40 to %scan3A_42 step %scan3A_43  : i32 {
        "tpu.region"() ({
          %run_scoped3A = tpu.sem_alloc : memref<!tpu.dma_semaphore, #tpu.memory_space<semaphore_mem>>
          %dma_start3A = arith.constant 0 : i32
          %dma_start3A_46 = tpu.memref_slice %arg4[%scan3A_39, %scan3A_45, %dma_start3A] : memref<4x40x64xi32, #tpu.memory_space<vmem>> -> memref<1x1x64xi32, #tpu.memory_space<vmem>>
          %dma_start3A_47 = tpu.memref_squeeze %dma_start3A_46 : memref<1x1x64xi32, #tpu.memory_space<vmem>> -> memref<64xi32, #tpu.memory_space<vmem>>
          %dma_start3A_48 = arith.constant 0 : i32
          %dma_start3A_49 = tpu.memref_slice %arg8[%dma_start3A_48] : memref<10240xf32, #tpu.memory_space<vmem_shared>> -> memref<10240xf32, #tpu.memory_space<vmem_shared>>
          tpu.enqueue_indirect_dma source(%arg5 : memref<64xf32, #tpu.memory_space<vmem>>) target(%dma_start3A_49 : memref<10240xf32, #tpu.memory_space<vmem_shared>>) offsets(%dma_start3A_47 : memref<64xi32, #tpu.memory_space<vmem>>) semaphore(%run_scoped3A : memref<!tpu.dma_semaphore, #tpu.memory_space<semaphore_mem>>) {add = true}
          %dma_wait3A = arith.constant 0 : i32
          %dma_wait3A_50 = tpu.memref_slice %arg4[%scan3A_39, %scan3A_45, %dma_wait3A] : memref<4x40x64xi32, #tpu.memory_space<vmem>> -> memref<1x1x64xi32, #tpu.memory_space<vmem>>
          %dma_wait3A_51 = tpu.memref_squeeze %dma_wait3A_50 : memref<1x1x64xi32, #tpu.memory_space<vmem>> -> memref<64xi32, #tpu.memory_space<vmem>>
          %dma_wait3A_52 = arith.constant 0 : i32
          %dma_wait3A_53 = tpu.memref_slice %arg8[%dma_wait3A_52] : memref<10240xf32, #tpu.memory_space<vmem_shared>> -> memref<10240xf32, #tpu.memory_space<vmem_shared>>
          tpu.wait_indirect_dma semaphore(%run_scoped3A : memref<!tpu.dma_semaphore, #tpu.memory_space<semaphore_mem>>) src(%arg5 : memref<64xf32, #tpu.memory_space<vmem>>) dst(%dma_wait3A_53 : memref<10240xf32, #tpu.memory_space<vmem_shared>>)
          tpu.yield
        }) : () -> ()
      }
      %scan3A_44 = arith.constant 40 : i32
    }
    %scan3A_35 = arith.constant 4 : i32
    %barrier3A_36 = arith.constant 0 : index
    tpu.barrier barrier_id(%barrier3A_36)
    %lt3A = arith.constant 10 : i32
    %lt3A_37 = arith.cmpi slt, %arg1, %lt3A : i32
    %convert_element_type3A = arith.extui %lt3A_37 : i1 to i32
    %cond3A = arith.constant 0 : i32
    %cond3A_38 = arith.cmpi ne, %convert_element_type3A, %cond3A : i32
    scf.if %cond3A_38 {
      %mul3A_39 = arith.constant 1000 : i32
      %mul3A_40 = arith.muli %arg1, %mul3A_39 : i32
      "tpu.region"() ({
        %run_scoped3A = tpu.sem_alloc : memref<!tpu.dma_semaphore, #tpu.memory_space<semaphore_mem>>
        %dma_start3A = tpu.memref_slice %arg8[%mul3A_40] : memref<10240xf32, #tpu.memory_space<vmem_shared>> -> memref<1000xf32, #tpu.memory_space<vmem_shared>>
        %dma_start3A_46 = tpu.memref_slice %arg8[%mul3A_40] : memref<10240xf32, #tpu.memory_space<vmem_shared>> -> memref<1000xf32, #tpu.memory_space<vmem_shared>>
        tpu.enqueue_dma source(%dma_start3A_46 : memref<1000xf32, #tpu.memory_space<vmem_shared>>) target(%arg7 : memref<1000xf32, #tpu.memory_space<vmem>>) target_semaphore(%run_scoped3A : memref<!tpu.dma_semaphore, #tpu.memory_space<semaphore_mem>>)
        %dma_wait3A = tpu.memref_slice %arg8[%mul3A_40] : memref<10240xf32, #tpu.memory_space<vmem_shared>> -> memref<1000xf32, #tpu.memory_space<vmem_shared>>
        %dma_wait3A_47 = tpu.memref_slice %arg8[%mul3A_40] : memref<10240xf32, #tpu.memory_space<vmem_shared>> -> memref<1000xf32, #tpu.memory_space<vmem_shared>>
        tpu.wait_dma2 semaphore(%run_scoped3A : memref<!tpu.dma_semaphore, #tpu.memory_space<semaphore_mem>>) src(%dma_wait3A_47 : memref<1000xf32, #tpu.memory_space<vmem_shared>>) dst(%arg7 : memref<1000xf32, #tpu.memory_space<vmem>>)
        tpu.yield
      }) : () -> ()
      %mul3A_41 = arith.constant 10000 : i32
      %mul3A_42 = arith.muli %arg0, %mul3A_41 : i32
      %mul3A_43 = arith.constant 1000 : i32
      %mul3A_44 = arith.muli %arg1, %mul3A_43 : i32
      %add3A_45 = arith.addi %mul3A_42, %mul3A_44 : i32
      "tpu.region"() ({
        %run_scoped3A = tpu.sem_alloc : memref<!tpu.dma_semaphore, #tpu.memory_space<semaphore_mem>>
        %dma_start3A = tpu.memref_slice %arg3[%add3A_45] : memref<20000xf32, #tpu.memory_space<hbm>> -> memref<1000xf32, #tpu.memory_space<hbm>>
        %dma_start3A_46 = tpu.memref_slice %arg3[%add3A_45] : memref<20000xf32, #tpu.memory_space<hbm>> -> memref<1000xf32, #tpu.memory_space<hbm>>
        tpu.enqueue_dma source(%arg7 : memref<1000xf32, #tpu.memory_space<vmem>>) target(%dma_start3A_46 : memref<1000xf32, #tpu.memory_space<hbm>>) target_semaphore(%run_scoped3A : memref<!tpu.dma_semaphore, #tpu.memory_space<semaphore_mem>>)
        %dma_wait3A = tpu.memref_slice %arg3[%add3A_45] : memref<20000xf32, #tpu.memory_space<hbm>> -> memref<1000xf32, #tpu.memory_space<hbm>>
        %dma_wait3A_47 = tpu.memref_slice %arg3[%add3A_45] : memref<20000xf32, #tpu.memory_space<hbm>> -> memref<1000xf32, #tpu.memory_space<hbm>>
        tpu.wait_dma2 semaphore(%run_scoped3A : memref<!tpu.dma_semaphore, #tpu.memory_space<semaphore_mem>>) src(%arg7 : memref<1000xf32, #tpu.memory_space<vmem>>) dst(%dma_wait3A_47 : memref<1000xf32, #tpu.memory_space<hbm>>)
        tpu.yield
      }) : () -> ()
    } else {
    }
    return
  }
}

#map = affine_map<(d0, d1) -> (0, 0)>
#map1 = affine_map<(d0, d1) -> (0, 0, 0, 0)>
#map2 = affine_map<(d0, d1) -> (0, 0, 0)>
module attributes {stable_mosaic.version = 14 : i64} {
  func.func @agg(%arg0: i32, %arg1: i32, %arg2: memref<10000x128xf32, #tpu.memory_space<hbm>>, %arg3: memref<32x4x40x64xi32, #tpu.memory_space<hbm>>, %arg4: memref<32x4x40x64xi32, #tpu.memory_space<hbm>>, %arg5: memref<2x10000x128xf32, #tpu.memory_space<hbm>>, %arg6: memref<2x40x64xi32, #tpu.memory_space<vmem>>, %arg7: memref<1x40x64xi32, #tpu.memory_space<vmem>>, %arg8: memref<64x128xf32, #tpu.memory_space<vmem>>, %arg9: memref<64x128xf32, #tpu.memory_space<vmem>>, %arg10: memref<64x128xf32, #tpu.memory_space<vmem>>, %arg11: memref<64x128xf32, #tpu.memory_space<vmem>>, %arg12: memref<16x128xf32, #tpu.memory_space<vmem>>, %arg13: memref<10064x128xf32, #tpu.memory_space<vmem_shared>>, %arg14: memref<!tpu.dma_semaphore, #tpu.memory_space<semaphore_mem>>, %arg15: memref<!tpu.dma_semaphore, #tpu.memory_space<semaphore_mem>>, %arg16: memref<!tpu.dma_semaphore, #tpu.memory_space<semaphore_mem>>, %arg17: memref<!tpu.dma_semaphore, #tpu.memory_space<semaphore_mem>>) attributes {dimension_semantics = [#tpu.dimension_semantics<core_parallel>, #tpu.dimension_semantics<subcore_parallel>], iteration_bounds = array<i64: 2, 16>, scalar_prefetch = 0 : i64, scratch_operands = 12 : i64, tpu.core_type = #tpu.core_type<sc_vector_subcore>, window_params = [{transform_indices = #map}, {transform_indices = #map1}, {transform_indices = #map1}, {transform_indices = #map2}]} {
    %mul3A = arith.constant 2 : i32
    %mul3A_0 = arith.muli %arg1, %mul3A : i32
    %add3A = arith.addi %mul3A_0, %arg0 : i32
    %scan3A = arith.constant 0 : i32
    %scan3A_1 = arith.constant 0 : i32
    %scan3A_2 = arith.constant 16 : i32
    %scan3A_3 = arith.addi %scan3A_1, %scan3A_2 : i32
    %scan3A_4 = arith.constant 1 : i32
    scf.for %scan3A_56 = %scan3A_1 to %scan3A_3 step %scan3A_4  : i32 {
      %broadcast_in_dim3A = arith.constant 0.000000e+00 : f32
      %broadcast_in_dim3A_57 = vector.broadcast %broadcast_in_dim3A : f32 to vector<16xf32>
      %swap3A = arith.index_cast %scan3A_56 : i32 to index
      %swap3A_58 = arith.constant 0 : index
      %swap3A_59 = tpu.vector_load %arg12[%swap3A, %swap3A_58] {strides = array<i32>} : memref<16x128xf32, #tpu.memory_space<vmem>>, vector<1x16xf32>,
      %swap3A_60 = vector.shape_cast %swap3A_59 : vector<1x16xf32> to vector<16xf32>
      %swap3A_61 = vector.shape_cast %broadcast_in_dim3A_57 : vector<16xf32> to vector<1x16xf32>
      tpu.vector_store %arg12[%swap3A, %swap3A_58], %swap3A_61 {strides = array<i32>} : memref<16x128xf32, #tpu.memory_space<vmem>>, vector<1x16xf32>,
      %broadcast_in_dim3A_62 = arith.constant 0.000000e+00 : f32
      %broadcast_in_dim3A_63 = vector.broadcast %broadcast_in_dim3A_62 : f32 to vector<16xf32>
      %swap3A_64 = arith.index_cast %scan3A_56 : i32 to index
      %swap3A_65 = arith.constant 16 : index
      %swap3A_66 = tpu.vector_load %arg12[%swap3A_64, %swap3A_65] {strides = array<i32>} : memref<16x128xf32, #tpu.memory_space<vmem>>, vector<1x16xf32>,
      %swap3A_67 = vector.shape_cast %swap3A_66 : vector<1x16xf32> to vector<16xf32>
      %swap3A_68 = vector.shape_cast %broadcast_in_dim3A_63 : vector<16xf32> to vector<1x16xf32>
      tpu.vector_store %arg12[%swap3A_64, %swap3A_65], %swap3A_68 {strides = array<i32>} : memref<16x128xf32, #tpu.memory_space<vmem>>, vector<1x16xf32>,
      %broadcast_in_dim3A_69 = arith.constant 0.000000e+00 : f32
      %broadcast_in_dim3A_70 = vector.broadcast %broadcast_in_dim3A_69 : f32 to vector<16xf32>
      %swap3A_71 = arith.index_cast %scan3A_56 : i32 to index
      %swap3A_72 = arith.constant 32 : index
      %swap3A_73 = tpu.vector_load %arg12[%swap3A_71, %swap3A_72] {strides = array<i32>} : memref<16x128xf32, #tpu.memory_space<vmem>>, vector<1x16xf32>,
      %swap3A_74 = vector.shape_cast %swap3A_73 : vector<1x16xf32> to vector<16xf32>
      %swap3A_75 = vector.shape_cast %broadcast_in_dim3A_70 : vector<16xf32> to vector<1x16xf32>
      tpu.vector_store %arg12[%swap3A_71, %swap3A_72], %swap3A_75 {strides = array<i32>} : memref<16x128xf32, #tpu.memory_space<vmem>>, vector<1x16xf32>,
      %broadcast_in_dim3A_76 = arith.constant 0.000000e+00 : f32
      %broadcast_in_dim3A_77 = vector.broadcast %broadcast_in_dim3A_76 : f32 to vector<16xf32>
      %swap3A_78 = arith.index_cast %scan3A_56 : i32 to index
      %swap3A_79 = arith.constant 48 : index
      %swap3A_80 = tpu.vector_load %arg12[%swap3A_78, %swap3A_79] {strides = array<i32>} : memref<16x128xf32, #tpu.memory_space<vmem>>, vector<1x16xf32>,
      %swap3A_81 = vector.shape_cast %swap3A_80 : vector<1x16xf32> to vector<16xf32>
      %swap3A_82 = vector.shape_cast %broadcast_in_dim3A_77 : vector<16xf32> to vector<1x16xf32>
      tpu.vector_store %arg12[%swap3A_78, %swap3A_79], %swap3A_82 {strides = array<i32>} : memref<16x128xf32, #tpu.memory_space<vmem>>, vector<1x16xf32>,
      %broadcast_in_dim3A_83 = arith.constant 0.000000e+00 : f32
      %broadcast_in_dim3A_84 = vector.broadcast %broadcast_in_dim3A_83 : f32 to vector<16xf32>
      %swap3A_85 = arith.index_cast %scan3A_56 : i32 to index
      %swap3A_86 = arith.constant 64 : index
      %swap3A_87 = tpu.vector_load %arg12[%swap3A_85, %swap3A_86] {strides = array<i32>} : memref<16x128xf32, #tpu.memory_space<vmem>>, vector<1x16xf32>,
      %swap3A_88 = vector.shape_cast %swap3A_87 : vector<1x16xf32> to vector<16xf32>
      %swap3A_89 = vector.shape_cast %broadcast_in_dim3A_84 : vector<16xf32> to vector<1x16xf32>
      tpu.vector_store %arg12[%swap3A_85, %swap3A_86], %swap3A_89 {strides = array<i32>} : memref<16x128xf32, #tpu.memory_space<vmem>>, vector<1x16xf32>,
      %broadcast_in_dim3A_90 = arith.constant 0.000000e+00 : f32
      %broadcast_in_dim3A_91 = vector.broadcast %broadcast_in_dim3A_90 : f32 to vector<16xf32>
      %swap3A_92 = arith.index_cast %scan3A_56 : i32 to index
      %swap3A_93 = arith.constant 80 : index
      %swap3A_94 = tpu.vector_load %arg12[%swap3A_92, %swap3A_93] {strides = array<i32>} : memref<16x128xf32, #tpu.memory_space<vmem>>, vector<1x16xf32>,
      %swap3A_95 = vector.shape_cast %swap3A_94 : vector<1x16xf32> to vector<16xf32>
      %swap3A_96 = vector.shape_cast %broadcast_in_dim3A_91 : vector<16xf32> to vector<1x16xf32>
      tpu.vector_store %arg12[%swap3A_92, %swap3A_93], %swap3A_96 {strides = array<i32>} : memref<16x128xf32, #tpu.memory_space<vmem>>, vector<1x16xf32>,
      %broadcast_in_dim3A_97 = arith.constant 0.000000e+00 : f32
      %broadcast_in_dim3A_98 = vector.broadcast %broadcast_in_dim3A_97 : f32 to vector<16xf32>
      %swap3A_99 = arith.index_cast %scan3A_56 : i32 to index
      %swap3A_100 = arith.constant 96 : index
      %swap3A_101 = tpu.vector_load %arg12[%swap3A_99, %swap3A_100] {strides = array<i32>} : memref<16x128xf32, #tpu.memory_space<vmem>>, vector<1x16xf32>,
      %swap3A_102 = vector.shape_cast %swap3A_101 : vector<1x16xf32> to vector<16xf32>
      %swap3A_103 = vector.shape_cast %broadcast_in_dim3A_98 : vector<16xf32> to vector<1x16xf32>
      tpu.vector_store %arg12[%swap3A_99, %swap3A_100], %swap3A_103 {strides = array<i32>} : memref<16x128xf32, #tpu.memory_space<vmem>>, vector<1x16xf32>,
      %broadcast_in_dim3A_104 = arith.constant 0.000000e+00 : f32
      %broadcast_in_dim3A_105 = vector.broadcast %broadcast_in_dim3A_104 : f32 to vector<16xf32>
      %swap3A_106 = arith.index_cast %scan3A_56 : i32 to index
      %swap3A_107 = arith.constant 112 : index
      %swap3A_108 = tpu.vector_load %arg12[%swap3A_106, %swap3A_107] {strides = array<i32>} : memref<16x128xf32, #tpu.memory_space<vmem>>, vector<1x16xf32>,
      %swap3A_109 = vector.shape_cast %swap3A_108 : vector<1x16xf32> to vector<16xf32>
      %swap3A_110 = vector.shape_cast %broadcast_in_dim3A_105 : vector<16xf32> to vector<1x16xf32>
      tpu.vector_store %arg12[%swap3A_106, %swap3A_107], %swap3A_110 {strides = array<i32>} : memref<16x128xf32, #tpu.memory_space<vmem>>, vector<1x16xf32>,
    }
    %scan3A_5 = arith.constant 16 : i32
    %scan3A_6 = arith.constant 0 : i32
    %scan3A_7 = arith.constant 0 : i32
    %scan3A_8 = arith.constant 40 : i32
    %scan3A_9 = arith.addi %scan3A_7, %scan3A_8 : i32
    %scan3A_10 = arith.constant 1 : i32
    scf.for %scan3A_56 = %scan3A_7 to %scan3A_9 step %scan3A_10  : i32 {
      %mul3A_57 = arith.constant 16 : i32
      %mul3A_58 = arith.muli %scan3A_56, %mul3A_57 : i32
      %add3A_59 = arith.addi %arg1, %mul3A_58 : i32
      %lt3A = arith.constant 625 : i32
      %lt3A_60 = arith.cmpi slt, %add3A_59, %lt3A : i32
      %convert_element_type3A = arith.extui %lt3A_60 : i1 to i32
      %cond3A = arith.constant 0 : i32
      %cond3A_61 = arith.cmpi ne, %convert_element_type3A, %cond3A : i32
      scf.if %cond3A_61 {
        %mul3A_62 = arith.constant 16 : i32
        %mul3A_63 = arith.muli %add3A_59, %mul3A_62 : i32
        "tpu.region"() ({
          %run_scoped3A = tpu.sem_alloc : memref<!tpu.dma_semaphore, #tpu.memory_space<semaphore_mem>>
          %dma_start3A_64 = arith.constant 0 : i32
          %dma_start3A_65 = tpu.memref_slice %arg13[%mul3A_63, %dma_start3A_64] : memref<10064x128xf32, #tpu.memory_space<vmem_shared>> -> memref<16x128xf32, #tpu.memory_space<vmem_shared>>
          %dma_start3A_66 = arith.constant 0 : i32
          %dma_start3A_67 = tpu.memref_slice %arg13[%mul3A_63, %dma_start3A_66] : memref<10064x128xf32, #tpu.memory_space<vmem_shared>> -> memref<16x128xf32, #tpu.memory_space<vmem_shared>>
          tpu.enqueue_dma source(%arg12 : memref<16x128xf32, #tpu.memory_space<vmem>>) target(%dma_start3A_67 : memref<16x128xf32, #tpu.memory_space<vmem_shared>>) target_semaphore(%run_scoped3A : memref<!tpu.dma_semaphore, #tpu.memory_space<semaphore_mem>>)
          %dma_wait3A = arith.constant 0 : i32
          %dma_wait3A_68 = tpu.memref_slice %arg13[%mul3A_63, %dma_wait3A] : memref<10064x128xf32, #tpu.memory_space<vmem_shared>> -> memref<16x128xf32, #tpu.memory_space<vmem_shared>>
          %dma_wait3A_69 = arith.constant 0 : i32
          %dma_wait3A_70 = tpu.memref_slice %arg13[%mul3A_63, %dma_wait3A_69] : memref<10064x128xf32, #tpu.memory_space<vmem_shared>> -> memref<16x128xf32, #tpu.memory_space<vmem_shared>>
          tpu.wait_dma2 semaphore(%run_scoped3A : memref<!tpu.dma_semaphore, #tpu.memory_space<semaphore_mem>>) src(%arg12 : memref<16x128xf32, #tpu.memory_space<vmem>>) dst(%dma_wait3A_70 : memref<16x128xf32, #tpu.memory_space<vmem_shared>>)
          tpu.yield
        }) : () -> ()
      } else {
      }
    }
    %scan3A_11 = arith.constant 40 : i32
    "tpu.region"() ({
      %run_scoped3A = tpu.sem_alloc : memref<!tpu.dma_semaphore, #tpu.memory_space<semaphore_mem>>
      %dma_start3A_56 = arith.constant 0 : i32
      %dma_start3A_57 = arith.constant 0 : i32
      %dma_start3A_58 = arith.constant 0 : i32
      %dma_start3A_59 = tpu.memref_slice %arg6[%dma_start3A_56, %dma_start3A_57, %dma_start3A_58] : memref<2x40x64xi32, #tpu.memory_space<vmem>> -> memref<1x40x64xi32, #tpu.memory_space<vmem>>
      %dma_start3A_60 = arith.constant 0 : i32
      %dma_start3A_61 = arith.constant 0 : i32
      %dma_start3A_62 = arith.constant 0 : i32
      %dma_start3A_63 = tpu.memref_slice %arg3[%add3A, %dma_start3A_60, %dma_start3A_61, %dma_start3A_62] : memref<32x4x40x64xi32, #tpu.memory_space<hbm>> -> memref<1x1x40x64xi32, #tpu.memory_space<hbm>>
      %dma_start3A_64 = tpu.memref_squeeze %dma_start3A_63 : memref<1x1x40x64xi32, #tpu.memory_space<hbm>> -> memref<1x40x64xi32, #tpu.memory_space<hbm>>
      %dma_start3A_65 = arith.constant 0 : i32
      %dma_start3A_66 = arith.constant 0 : i32
      %dma_start3A_67 = arith.constant 0 : i32
      %dma_start3A_68 = tpu.memref_slice %arg6[%dma_start3A_65, %dma_start3A_66, %dma_start3A_67] : memref<2x40x64xi32, #tpu.memory_space<vmem>> -> memref<1x40x64xi32, #tpu.memory_space<vmem>>
      %dma_start3A_69 = arith.constant 0 : i32
      %dma_start3A_70 = arith.constant 0 : i32
      %dma_start3A_71 = arith.constant 0 : i32
      %dma_start3A_72 = tpu.memref_slice %arg3[%add3A, %dma_start3A_69, %dma_start3A_70, %dma_start3A_71] : memref<32x4x40x64xi32, #tpu.memory_space<hbm>> -> memref<1x1x40x64xi32, #tpu.memory_space<hbm>>
      %dma_start3A_73 = tpu.memref_squeeze %dma_start3A_72 : memref<1x1x40x64xi32, #tpu.memory_space<hbm>> -> memref<1x40x64xi32, #tpu.memory_space<hbm>>
      tpu.enqueue_dma source(%dma_start3A_73 : memref<1x40x64xi32, #tpu.memory_space<hbm>>) target(%dma_start3A_68 : memref<1x40x64xi32, #tpu.memory_space<vmem>>) target_semaphore(%run_scoped3A : memref<!tpu.dma_semaphore, #tpu.memory_space<semaphore_mem>>)
      %dma_wait3A = arith.constant 0 : i32
      %dma_wait3A_74 = arith.constant 0 : i32
      %dma_wait3A_75 = arith.constant 0 : i32
      %dma_wait3A_76 = tpu.memref_slice %arg6[%dma_wait3A, %dma_wait3A_74, %dma_wait3A_75] : memref<2x40x64xi32, #tpu.memory_space<vmem>> -> memref<1x40x64xi32, #tpu.memory_space<vmem>>
      %dma_wait3A_77 = arith.constant 0 : i32
      %dma_wait3A_78 = arith.constant 0 : i32
      %dma_wait3A_79 = arith.constant 0 : i32
      %dma_wait3A_80 = tpu.memref_slice %arg3[%add3A, %dma_wait3A_77, %dma_wait3A_78, %dma_wait3A_79] : memref<32x4x40x64xi32, #tpu.memory_space<hbm>> -> memref<1x1x40x64xi32, #tpu.memory_space<hbm>>
      %dma_wait3A_81 = tpu.memref_squeeze %dma_wait3A_80 : memref<1x1x40x64xi32, #tpu.memory_space<hbm>> -> memref<1x40x64xi32, #tpu.memory_space<hbm>>
      %dma_wait3A_82 = arith.constant 0 : i32
      %dma_wait3A_83 = arith.constant 0 : i32
      %dma_wait3A_84 = arith.constant 0 : i32
      %dma_wait3A_85 = tpu.memref_slice %arg6[%dma_wait3A_82, %dma_wait3A_83, %dma_wait3A_84] : memref<2x40x64xi32, #tpu.memory_space<vmem>> -> memref<1x40x64xi32, #tpu.memory_space<vmem>>
      %dma_wait3A_86 = arith.constant 0 : i32
      %dma_wait3A_87 = arith.constant 0 : i32
      %dma_wait3A_88 = arith.constant 0 : i32
      %dma_wait3A_89 = tpu.memref_slice %arg3[%add3A, %dma_wait3A_86, %dma_wait3A_87, %dma_wait3A_88] : memref<32x4x40x64xi32, #tpu.memory_space<hbm>> -> memref<1x1x40x64xi32, #tpu.memory_space<hbm>>
      %dma_wait3A_90 = tpu.memref_squeeze %dma_wait3A_89 : memref<1x1x40x64xi32, #tpu.memory_space<hbm>> -> memref<1x40x64xi32, #tpu.memory_space<hbm>>
      tpu.wait_dma2 semaphore(%run_scoped3A : memref<!tpu.dma_semaphore, #tpu.memory_space<semaphore_mem>>) src(%dma_wait3A_90 : memref<1x40x64xi32, #tpu.memory_space<hbm>>) dst(%dma_wait3A_85 : memref<1x40x64xi32, #tpu.memory_space<vmem>>)
      tpu.yield
    }) : () -> ()
    %dma_start3A = arith.constant 0 : i32
    %dma_start3A_12 = arith.constant 0 : i32
    %dma_start3A_13 = arith.constant 0 : i32
    %dma_start3A_14 = tpu.memref_slice %arg6[%dma_start3A, %dma_start3A_12, %dma_start3A_13] : memref<2x40x64xi32, #tpu.memory_space<vmem>> -> memref<1x1x64xi32, #tpu.memory_space<vmem>>
    %dma_start3A_15 = tpu.memref_squeeze %dma_start3A_14 : memref<1x1x64xi32, #tpu.memory_space<vmem>> -> memref<64xi32, #tpu.memory_space<vmem>>
    %dma_start3A_16 = arith.constant 0 : i32
    %dma_start3A_17 = arith.constant 0 : i32
    %dma_start3A_18 = tpu.memref_slice %arg2[%dma_start3A_16, %dma_start3A_17] : memref<10000x128xf32, #tpu.memory_space<hbm>> -> memref<10000x128xf32, #tpu.memory_space<hbm>>
    tpu.enqueue_indirect_dma source(%dma_start3A_18 : memref<10000x128xf32, #tpu.memory_space<hbm>>) target(%arg8 : memref<64x128xf32, #tpu.memory_space<vmem>>) offsets(%dma_start3A_15 : memref<64xi32, #tpu.memory_space<vmem>>) semaphore(%arg14 : memref<!tpu.dma_semaphore, #tpu.memory_space<semaphore_mem>>)
    %dma_start3A_19 = arith.constant 0 : i32
    %dma_start3A_20 = arith.constant 1 : i32
    %dma_start3A_21 = arith.constant 0 : i32
    %dma_start3A_22 = tpu.memref_slice %arg6[%dma_start3A_19, %dma_start3A_20, %dma_start3A_21] : memref<2x40x64xi32, #tpu.memory_space<vmem>> -> memref<1x1x64xi32, #tpu.memory_space<vmem>>
    %dma_start3A_23 = tpu.memref_squeeze %dma_start3A_22 : memref<1x1x64xi32, #tpu.memory_space<vmem>> -> memref<64xi32, #tpu.memory_space<vmem>>
    %dma_start3A_24 = arith.constant 0 : i32
    %dma_start3A_25 = arith.constant 0 : i32
    %dma_start3A_26 = tpu.memref_slice %arg2[%dma_start3A_24, %dma_start3A_25] : memref<10000x128xf32, #tpu.memory_space<hbm>> -> memref<10000x128xf32, #tpu.memory_space<hbm>>
    tpu.enqueue_indirect_dma source(%dma_start3A_26 : memref<10000x128xf32, #tpu.memory_space<hbm>>) target(%arg9 : memref<64x128xf32, #tpu.memory_space<vmem>>) offsets(%dma_start3A_23 : memref<64xi32, #tpu.memory_space<vmem>>) semaphore(%arg15 : memref<!tpu.dma_semaphore, #tpu.memory_space<semaphore_mem>>)
    %dma_start3A_27 = arith.constant 0 : i32
    %dma_start3A_28 = arith.constant 2 : i32
    %dma_start3A_29 = arith.constant 0 : i32
    %dma_start3A_30 = tpu.memref_slice %arg6[%dma_start3A_27, %dma_start3A_28, %dma_start3A_29] : memref<2x40x64xi32, #tpu.memory_space<vmem>> -> memref<1x1x64xi32, #tpu.memory_space<vmem>>
    %dma_start3A_31 = tpu.memref_squeeze %dma_start3A_30 : memref<1x1x64xi32, #tpu.memory_space<vmem>> -> memref<64xi32, #tpu.memory_space<vmem>>
    %dma_start3A_32 = arith.constant 0 : i32
    %dma_start3A_33 = arith.constant 0 : i32
    %dma_start3A_34 = tpu.memref_slice %arg2[%dma_start3A_32, %dma_start3A_33] : memref<10000x128xf32, #tpu.memory_space<hbm>> -> memref<10000x128xf32, #tpu.memory_space<hbm>>
    tpu.enqueue_indirect_dma source(%dma_start3A_34 : memref<10000x128xf32, #tpu.memory_space<hbm>>) target(%arg10 : memref<64x128xf32, #tpu.memory_space<vmem>>) offsets(%dma_start3A_31 : memref<64xi32, #tpu.memory_space<vmem>>) semaphore(%arg16 : memref<!tpu.dma_semaphore, #tpu.memory_space<semaphore_mem>>)
    %dma_start3A_35 = arith.constant 0 : i32
    %dma_start3A_36 = arith.constant 3 : i32
    %dma_start3A_37 = arith.constant 0 : i32
    %dma_start3A_38 = tpu.memref_slice %arg6[%dma_start3A_35, %dma_start3A_36, %dma_start3A_37] : memref<2x40x64xi32, #tpu.memory_space<vmem>> -> memref<1x1x64xi32, #tpu.memory_space<vmem>>
    %dma_start3A_39 = tpu.memref_squeeze %dma_start3A_38 : memref<1x1x64xi32, #tpu.memory_space<vmem>> -> memref<64xi32, #tpu.memory_space<vmem>>
    %dma_start3A_40 = arith.constant 0 : i32
    %dma_start3A_41 = arith.constant 0 : i32
    %dma_start3A_42 = tpu.memref_slice %arg2[%dma_start3A_40, %dma_start3A_41] : memref<10000x128xf32, #tpu.memory_space<hbm>> -> memref<10000x128xf32, #tpu.memory_space<hbm>>
    tpu.enqueue_indirect_dma source(%dma_start3A_42 : memref<10000x128xf32, #tpu.memory_space<hbm>>) target(%arg11 : memref<64x128xf32, #tpu.memory_space<vmem>>) offsets(%dma_start3A_39 : memref<64xi32, #tpu.memory_space<vmem>>) semaphore(%arg17 : memref<!tpu.dma_semaphore, #tpu.memory_space<semaphore_mem>>)
    %barrier3A = arith.constant 0 : index
    tpu.barrier barrier_id(%barrier3A)
    %scan3A_43 = arith.constant 0 : i32
    %scan3A_44 = arith.constant 0 : i32
    %scan3A_45 = arith.constant 4 : i32
    %scan3A_46 = arith.addi %scan3A_44, %scan3A_45 : i32
    %scan3A_47 = arith.constant 1 : i32
    scf.for %scan3A_56 = %scan3A_44 to %scan3A_46 step %scan3A_47  : i32 {
      %rem3A = arith.constant 2 : i32
      %rem3A_57 = arith.remsi %scan3A_56, %rem3A : i32
      "tpu.region"() ({
        %run_scoped3A_120 = tpu.sem_alloc : memref<!tpu.dma_semaphore, #tpu.memory_space<semaphore_mem>>
        %dma_start3A_121 = arith.constant 0 : i32
        %dma_start3A_122 = arith.constant 0 : i32
        %dma_start3A_123 = tpu.memref_slice %arg4[%add3A, %scan3A_56, %dma_start3A_121, %dma_start3A_122] : memref<32x4x40x64xi32, #tpu.memory_space<hbm>> -> memref<1x1x40x64xi32, #tpu.memory_space<hbm>>
        %dma_start3A_124 = tpu.memref_squeeze %dma_start3A_123 : memref<1x1x40x64xi32, #tpu.memory_space<hbm>> -> memref<1x40x64xi32, #tpu.memory_space<hbm>>
        %dma_start3A_125 = arith.constant 0 : i32
        %dma_start3A_126 = arith.constant 0 : i32
        %dma_start3A_127 = tpu.memref_slice %arg4[%add3A, %scan3A_56, %dma_start3A_125, %dma_start3A_126] : memref<32x4x40x64xi32, #tpu.memory_space<hbm>> -> memref<1x1x40x64xi32, #tpu.memory_space<hbm>>
        %dma_start3A_128 = tpu.memref_squeeze %dma_start3A_127 : memref<1x1x40x64xi32, #tpu.memory_space<hbm>> -> memref<1x40x64xi32, #tpu.memory_space<hbm>>
        tpu.enqueue_dma source(%dma_start3A_128 : memref<1x40x64xi32, #tpu.memory_space<hbm>>) target(%arg7 : memref<1x40x64xi32, #tpu.memory_space<vmem>>) target_semaphore(%run_scoped3A_120 : memref<!tpu.dma_semaphore, #tpu.memory_space<semaphore_mem>>)
        %dma_wait3A_129 = arith.constant 0 : i32
        %dma_wait3A_130 = arith.constant 0 : i32
        %dma_wait3A_131 = tpu.memref_slice %arg4[%add3A, %scan3A_56, %dma_wait3A_129, %dma_wait3A_130] : memref<32x4x40x64xi32, #tpu.memory_space<hbm>> -> memref<1x1x40x64xi32, #tpu.memory_space<hbm>>
        %dma_wait3A_132 = tpu.memref_squeeze %dma_wait3A_131 : memref<1x1x40x64xi32, #tpu.memory_space<hbm>> -> memref<1x40x64xi32, #tpu.memory_space<hbm>>
        %dma_wait3A_133 = arith.constant 0 : i32
        %dma_wait3A_134 = arith.constant 0 : i32
        %dma_wait3A_135 = tpu.memref_slice %arg4[%add3A, %scan3A_56, %dma_wait3A_133, %dma_wait3A_134] : memref<32x4x40x64xi32, #tpu.memory_space<hbm>> -> memref<1x1x40x64xi32, #tpu.memory_space<hbm>>
        %dma_wait3A_136 = tpu.memref_squeeze %dma_wait3A_135 : memref<1x1x40x64xi32, #tpu.memory_space<hbm>> -> memref<1x40x64xi32, #tpu.memory_space<hbm>>
        tpu.wait_dma2 semaphore(%run_scoped3A_120 : memref<!tpu.dma_semaphore, #tpu.memory_space<semaphore_mem>>) src(%dma_wait3A_136 : memref<1x40x64xi32, #tpu.memory_space<hbm>>) dst(%arg7 : memref<1x40x64xi32, #tpu.memory_space<vmem>>)
        tpu.yield
      }) : () -> ()
      %scan3A_58 = arith.constant 0 : i32
      %scan3A_59 = arith.constant 0 : i32
      %scan3A_60 = arith.constant 9 : i32
      %scan3A_61 = arith.addi %scan3A_59, %scan3A_60 : i32
      %scan3A_62 = arith.constant 1 : i32
      scf.for %scan3A_120 = %scan3A_59 to %scan3A_61 step %scan3A_62  : i32 {
        %mul3A_121 = arith.constant 4 : i32
        %mul3A_122 = arith.muli %mul3A_121, %scan3A_120 : i32
        %add3A_123 = arith.constant 0 : i32
        %add3A_124 = arith.addi %mul3A_122, %add3A_123 : i32
        %dma_wait3A_125 = arith.constant 0 : i32
        %dma_wait3A_126 = tpu.memref_slice %arg6[%rem3A_57, %add3A_124, %dma_wait3A_125] : memref<2x40x64xi32, #tpu.memory_space<vmem>> -> memref<1x1x64xi32, #tpu.memory_space<vmem>>
        %dma_wait3A_127 = tpu.memref_squeeze %dma_wait3A_126 : memref<1x1x64xi32, #tpu.memory_space<vmem>> -> memref<64xi32, #tpu.memory_space<vmem>>
        %dma_wait3A_128 = arith.constant 0 : i32
        %dma_wait3A_129 = arith.constant 0 : i32
        %dma_wait3A_130 = tpu.memref_slice %arg2[%dma_wait3A_128, %dma_wait3A_129] : memref<10000x128xf32, #tpu.memory_space<hbm>> -> memref<10000x128xf32, #tpu.memory_space<hbm>>
        tpu.wait_indirect_dma semaphore(%arg14 : memref<!tpu.dma_semaphore, #tpu.memory_space<semaphore_mem>>) src(%dma_wait3A_130 : memref<10000x128xf32, #tpu.memory_space<hbm>>) dst(%arg8 : memref<64x128xf32, #tpu.memory_space<vmem>>)
        %run_scoped3A_131 = arith.constant 0 : i32
        "tpu.region"() ({
          %run_scoped3A_197 = tpu.sem_alloc : memref<!tpu.dma_semaphore, #tpu.memory_space<semaphore_mem>>
          %dma_start3A_198 = arith.constant 0 : i32
          %dma_start3A_199 = tpu.memref_slice %arg7[%run_scoped3A_131, %add3A_124, %dma_start3A_198] : memref<1x40x64xi32, #tpu.memory_space<vmem>> -> memref<1x1x64xi32, #tpu.memory_space<vmem>>
          %dma_start3A_200 = tpu.memref_squeeze %dma_start3A_199 : memref<1x1x64xi32, #tpu.memory_space<vmem>> -> memref<64xi32, #tpu.memory_space<vmem>>
          %dma_start3A_201 = arith.constant 0 : i32
          %dma_start3A_202 = arith.constant 0 : i32
          %dma_start3A_203 = tpu.memref_slice %arg13[%dma_start3A_201, %dma_start3A_202] : memref<10064x128xf32, #tpu.memory_space<vmem_shared>> -> memref<10064x128xf32, #tpu.memory_space<vmem_shared>>
          tpu.enqueue_indirect_dma source(%arg8 : memref<64x128xf32, #tpu.memory_space<vmem>>) target(%dma_start3A_203 : memref<10064x128xf32, #tpu.memory_space<vmem_shared>>) offsets(%dma_start3A_200 : memref<64xi32, #tpu.memory_space<vmem>>) semaphore(%run_scoped3A_197 : memref<!tpu.dma_semaphore, #tpu.memory_space<semaphore_mem>>) {add = true}
          %dma_wait3A_204 = arith.constant 0 : i32
          %dma_wait3A_205 = tpu.memref_slice %arg7[%run_scoped3A_131, %add3A_124, %dma_wait3A_204] : memref<1x40x64xi32, #tpu.memory_space<vmem>> -> memref<1x1x64xi32, #tpu.memory_space<vmem>>
          %dma_wait3A_206 = tpu.memref_squeeze %dma_wait3A_205 : memref<1x1x64xi32, #tpu.memory_space<vmem>> -> memref<64xi32, #tpu.memory_space<vmem>>
          %dma_wait3A_207 = arith.constant 0 : i32
          %dma_wait3A_208 = arith.constant 0 : i32
          %dma_wait3A_209 = tpu.memref_slice %arg13[%dma_wait3A_207, %dma_wait3A_208] : memref<10064x128xf32, #tpu.memory_space<vmem_shared>> -> memref<10064x128xf32, #tpu.memory_space<vmem_shared>>
          tpu.wait_indirect_dma semaphore(%run_scoped3A_197 : memref<!tpu.dma_semaphore, #tpu.memory_space<semaphore_mem>>) src(%arg8 : memref<64x128xf32, #tpu.memory_space<vmem>>) dst(%dma_wait3A_209 : memref<10064x128xf32, #tpu.memory_space<vmem_shared>>)
          tpu.yield
        }) : () -> ()
        %add3A_132 = arith.constant 4 : i32
        %add3A_133 = arith.addi %add3A_124, %add3A_132 : i32
        %dma_start3A_134 = arith.constant 0 : i32
        %dma_start3A_135 = tpu.memref_slice %arg6[%rem3A_57, %add3A_133, %dma_start3A_134] : memref<2x40x64xi32, #tpu.memory_space<vmem>> -> memref<1x1x64xi32, #tpu.memory_space<vmem>>
        %dma_start3A_136 = tpu.memref_squeeze %dma_start3A_135 : memref<1x1x64xi32, #tpu.memory_space<vmem>> -> memref<64xi32, #tpu.memory_space<vmem>>
        %dma_start3A_137 = arith.constant 0 : i32
        %dma_start3A_138 = arith.constant 0 : i32
        %dma_start3A_139 = tpu.memref_slice %arg2[%dma_start3A_137, %dma_start3A_138] : memref<10000x128xf32, #tpu.memory_space<hbm>> -> memref<10000x128xf32, #tpu.memory_space<hbm>>
        tpu.enqueue_indirect_dma source(%dma_start3A_139 : memref<10000x128xf32, #tpu.memory_space<hbm>>) target(%arg8 : memref<64x128xf32, #tpu.memory_space<vmem>>) offsets(%dma_start3A_136 : memref<64xi32, #tpu.memory_space<vmem>>) semaphore(%arg14 : memref<!tpu.dma_semaphore, #tpu.memory_space<semaphore_mem>>)
        %mul3A_140 = arith.constant 4 : i32
        %mul3A_141 = arith.muli %mul3A_140, %scan3A_120 : i32
        %add3A_142 = arith.constant 1 : i32
        %add3A_143 = arith.addi %mul3A_141, %add3A_142 : i32
        %dma_wait3A_144 = arith.constant 0 : i32
        %dma_wait3A_145 = tpu.memref_slice %arg6[%rem3A_57, %add3A_143, %dma_wait3A_144] : memref<2x40x64xi32, #tpu.memory_space<vmem>> -> memref<1x1x64xi32, #tpu.memory_space<vmem>>
        %dma_wait3A_146 = tpu.memref_squeeze %dma_wait3A_145 : memref<1x1x64xi32, #tpu.memory_space<vmem>> -> memref<64xi32, #tpu.memory_space<vmem>>
        %dma_wait3A_147 = arith.constant 0 : i32
        %dma_wait3A_148 = arith.constant 0 : i32
        %dma_wait3A_149 = tpu.memref_slice %arg2[%dma_wait3A_147, %dma_wait3A_148] : memref<10000x128xf32, #tpu.memory_space<hbm>> -> memref<10000x128xf32, #tpu.memory_space<hbm>>
        tpu.wait_indirect_dma semaphore(%arg15 : memref<!tpu.dma_semaphore, #tpu.memory_space<semaphore_mem>>) src(%dma_wait3A_149 : memref<10000x128xf32, #tpu.memory_space<hbm>>) dst(%arg9 : memref<64x128xf32, #tpu.memory_space<vmem>>)
        %run_scoped3A_150 = arith.constant 0 : i32
        "tpu.region"() ({
          %run_scoped3A_197 = tpu.sem_alloc : memref<!tpu.dma_semaphore, #tpu.memory_space<semaphore_mem>>
          %dma_start3A_198 = arith.constant 0 : i32
          %dma_start3A_199 = tpu.memref_slice %arg7[%run_scoped3A_150, %add3A_143, %dma_start3A_198] : memref<1x40x64xi32, #tpu.memory_space<vmem>> -> memref<1x1x64xi32, #tpu.memory_space<vmem>>
          %dma_start3A_200 = tpu.memref_squeeze %dma_start3A_199 : memref<1x1x64xi32, #tpu.memory_space<vmem>> -> memref<64xi32, #tpu.memory_space<vmem>>
          %dma_start3A_201 = arith.constant 0 : i32
          %dma_start3A_202 = arith.constant 0 : i32
          %dma_start3A_203 = tpu.memref_slice %arg13[%dma_start3A_201, %dma_start3A_202] : memref<10064x128xf32, #tpu.memory_space<vmem_shared>> -> memref<10064x128xf32, #tpu.memory_space<vmem_shared>>
          tpu.enqueue_indirect_dma source(%arg9 : memref<64x128xf32, #tpu.memory_space<vmem>>) target(%dma_start3A_203 : memref<10064x128xf32, #tpu.memory_space<vmem_shared>>) offsets(%dma_start3A_200 : memref<64xi32, #tpu.memory_space<vmem>>) semaphore(%run_scoped3A_197 : memref<!tpu.dma_semaphore, #tpu.memory_space<semaphore_mem>>) {add = true}
          %dma_wait3A_204 = arith.constant 0 : i32
          %dma_wait3A_205 = tpu.memref_slice %arg7[%run_scoped3A_150, %add3A_143, %dma_wait3A_204] : memref<1x40x64xi32, #tpu.memory_space<vmem>> -> memref<1x1x64xi32, #tpu.memory_space<vmem>>
          %dma_wait3A_206 = tpu.memref_squeeze %dma_wait3A_205 : memref<1x1x64xi32, #tpu.memory_space<vmem>> -> memref<64xi32, #tpu.memory_space<vmem>>
          %dma_wait3A_207 = arith.constant 0 : i32
          %dma_wait3A_208 = arith.constant 0 : i32
          %dma_wait3A_209 = tpu.memref_slice %arg13[%dma_wait3A_207, %dma_wait3A_208] : memref<10064x128xf32, #tpu.memory_space<vmem_shared>> -> memref<10064x128xf32, #tpu.memory_space<vmem_shared>>
          tpu.wait_indirect_dma semaphore(%run_scoped3A_197 : memref<!tpu.dma_semaphore, #tpu.memory_space<semaphore_mem>>) src(%arg9 : memref<64x128xf32, #tpu.memory_space<vmem>>) dst(%dma_wait3A_209 : memref<10064x128xf32, #tpu.memory_space<vmem_shared>>)
          tpu.yield
        }) : () -> ()
        %add3A_151 = arith.constant 4 : i32
        %add3A_152 = arith.addi %add3A_143, %add3A_151 : i32
        %dma_start3A_153 = arith.constant 0 : i32
        %dma_start3A_154 = tpu.memref_slice %arg6[%rem3A_57, %add3A_152, %dma_start3A_153] : memref<2x40x64xi32, #tpu.memory_space<vmem>> -> memref<1x1x64xi32, #tpu.memory_space<vmem>>
        %dma_start3A_155 = tpu.memref_squeeze %dma_start3A_154 : memref<1x1x64xi32, #tpu.memory_space<vmem>> -> memref<64xi32, #tpu.memory_space<vmem>>
        %dma_start3A_156 = arith.constant 0 : i32
        %dma_start3A_157 = arith.constant 0 : i32
        %dma_start3A_158 = tpu.memref_slice %arg2[%dma_start3A_156, %dma_start3A_157] : memref<10000x128xf32, #tpu.memory_space<hbm>> -> memref<10000x128xf32, #tpu.memory_space<hbm>>
        tpu.enqueue_indirect_dma source(%dma_start3A_158 : memref<10000x128xf32, #tpu.memory_space<hbm>>) target(%arg9 : memref<64x128xf32, #tpu.memory_space<vmem>>) offsets(%dma_start3A_155 : memref<64xi32, #tpu.memory_space<vmem>>) semaphore(%arg15 : memref<!tpu.dma_semaphore, #tpu.memory_space<semaphore_mem>>)
        %mul3A_159 = arith.constant 4 : i32
        %mul3A_160 = arith.muli %mul3A_159, %scan3A_120 : i32
        %add3A_161 = arith.constant 2 : i32
        %add3A_162 = arith.addi %mul3A_160, %add3A_161 : i32
        %dma_wait3A_163 = arith.constant 0 : i32
        %dma_wait3A_164 = tpu.memref_slice %arg6[%rem3A_57, %add3A_162, %dma_wait3A_163] : memref<2x40x64xi32, #tpu.memory_space<vmem>> -> memref<1x1x64xi32, #tpu.memory_space<vmem>>
        %dma_wait3A_165 = tpu.memref_squeeze %dma_wait3A_164 : memref<1x1x64xi32, #tpu.memory_space<vmem>> -> memref<64xi32, #tpu.memory_space<vmem>>
        %dma_wait3A_166 = arith.constant 0 : i32
        %dma_wait3A_167 = arith.constant 0 : i32
        %dma_wait3A_168 = tpu.memref_slice %arg2[%dma_wait3A_166, %dma_wait3A_167] : memref<10000x128xf32, #tpu.memory_space<hbm>> -> memref<10000x128xf32, #tpu.memory_space<hbm>>
        tpu.wait_indirect_dma semaphore(%arg16 : memref<!tpu.dma_semaphore, #tpu.memory_space<semaphore_mem>>) src(%dma_wait3A_168 : memref<10000x128xf32, #tpu.memory_space<hbm>>) dst(%arg10 : memref<64x128xf32, #tpu.memory_space<vmem>>)
        %run_scoped3A_169 = arith.constant 0 : i32
        "tpu.region"() ({
          %run_scoped3A_197 = tpu.sem_alloc : memref<!tpu.dma_semaphore, #tpu.memory_space<semaphore_mem>>
          %dma_start3A_198 = arith.constant 0 : i32
          %dma_start3A_199 = tpu.memref_slice %arg7[%run_scoped3A_169, %add3A_162, %dma_start3A_198] : memref<1x40x64xi32, #tpu.memory_space<vmem>> -> memref<1x1x64xi32, #tpu.memory_space<vmem>>
          %dma_start3A_200 = tpu.memref_squeeze %dma_start3A_199 : memref<1x1x64xi32, #tpu.memory_space<vmem>> -> memref<64xi32, #tpu.memory_space<vmem>>
          %dma_start3A_201 = arith.constant 0 : i32
          %dma_start3A_202 = arith.constant 0 : i32
          %dma_start3A_203 = tpu.memref_slice %arg13[%dma_start3A_201, %dma_start3A_202] : memref<10064x128xf32, #tpu.memory_space<vmem_shared>> -> memref<10064x128xf32, #tpu.memory_space<vmem_shared>>
          tpu.enqueue_indirect_dma source(%arg10 : memref<64x128xf32, #tpu.memory_space<vmem>>) target(%dma_start3A_203 : memref<10064x128xf32, #tpu.memory_space<vmem_shared>>) offsets(%dma_start3A_200 : memref<64xi32, #tpu.memory_space<vmem>>) semaphore(%run_scoped3A_197 : memref<!tpu.dma_semaphore, #tpu.memory_space<semaphore_mem>>) {add = true}
          %dma_wait3A_204 = arith.constant 0 : i32
          %dma_wait3A_205 = tpu.memref_slice %arg7[%run_scoped3A_169, %add3A_162, %dma_wait3A_204] : memref<1x40x64xi32, #tpu.memory_space<vmem>> -> memref<1x1x64xi32, #tpu.memory_space<vmem>>
          %dma_wait3A_206 = tpu.memref_squeeze %dma_wait3A_205 : memref<1x1x64xi32, #tpu.memory_space<vmem>> -> memref<64xi32, #tpu.memory_space<vmem>>
          %dma_wait3A_207 = arith.constant 0 : i32
          %dma_wait3A_208 = arith.constant 0 : i32
          %dma_wait3A_209 = tpu.memref_slice %arg13[%dma_wait3A_207, %dma_wait3A_208] : memref<10064x128xf32, #tpu.memory_space<vmem_shared>> -> memref<10064x128xf32, #tpu.memory_space<vmem_shared>>
          tpu.wait_indirect_dma semaphore(%run_scoped3A_197 : memref<!tpu.dma_semaphore, #tpu.memory_space<semaphore_mem>>) src(%arg10 : memref<64x128xf32, #tpu.memory_space<vmem>>) dst(%dma_wait3A_209 : memref<10064x128xf32, #tpu.memory_space<vmem_shared>>)
          tpu.yield
        }) : () -> ()
        %add3A_170 = arith.constant 4 : i32
        %add3A_171 = arith.addi %add3A_162, %add3A_170 : i32
        %dma_start3A_172 = arith.constant 0 : i32
        %dma_start3A_173 = tpu.memref_slice %arg6[%rem3A_57, %add3A_171, %dma_start3A_172] : memref<2x40x64xi32, #tpu.memory_space<vmem>> -> memref<1x1x64xi32, #tpu.memory_space<vmem>>
        %dma_start3A_174 = tpu.memref_squeeze %dma_start3A_173 : memref<1x1x64xi32, #tpu.memory_space<vmem>> -> memref<64xi32, #tpu.memory_space<vmem>>
        %dma_start3A_175 = arith.constant 0 : i32
        %dma_start3A_176 = arith.constant 0 : i32
        %dma_start3A_177 = tpu.memref_slice %arg2[%dma_start3A_175, %dma_start3A_176] : memref<10000x128xf32, #tpu.memory_space<hbm>> -> memref<10000x128xf32, #tpu.memory_space<hbm>>
        tpu.enqueue_indirect_dma source(%dma_start3A_177 : memref<10000x128xf32, #tpu.memory_space<hbm>>) target(%arg10 : memref<64x128xf32, #tpu.memory_space<vmem>>) offsets(%dma_start3A_174 : memref<64xi32, #tpu.memory_space<vmem>>) semaphore(%arg16 : memref<!tpu.dma_semaphore, #tpu.memory_space<semaphore_mem>>)
        %mul3A_178 = arith.constant 4 : i32
        %mul3A_179 = arith.muli %mul3A_178, %scan3A_120 : i32
        %add3A_180 = arith.constant 3 : i32
        %add3A_181 = arith.addi %mul3A_179, %add3A_180 : i32
        %dma_wait3A_182 = arith.constant 0 : i32
        %dma_wait3A_183 = tpu.memref_slice %arg6[%rem3A_57, %add3A_181, %dma_wait3A_182] : memref<2x40x64xi32, #tpu.memory_space<vmem>> -> memref<1x1x64xi32, #tpu.memory_space<vmem>>
        %dma_wait3A_184 = tpu.memref_squeeze %dma_wait3A_183 : memref<1x1x64xi32, #tpu.memory_space<vmem>> -> memref<64xi32, #tpu.memory_space<vmem>>
        %dma_wait3A_185 = arith.constant 0 : i32
        %dma_wait3A_186 = arith.constant 0 : i32
        %dma_wait3A_187 = tpu.memref_slice %arg2[%dma_wait3A_185, %dma_wait3A_186] : memref<10000x128xf32, #tpu.memory_space<hbm>> -> memref<10000x128xf32, #tpu.memory_space<hbm>>
        tpu.wait_indirect_dma semaphore(%arg17 : memref<!tpu.dma_semaphore, #tpu.memory_space<semaphore_mem>>) src(%dma_wait3A_187 : memref<10000x128xf32, #tpu.memory_space<hbm>>) dst(%arg11 : memref<64x128xf32, #tpu.memory_space<vmem>>)
        %run_scoped3A_188 = arith.constant 0 : i32
        "tpu.region"() ({
          %run_scoped3A_197 = tpu.sem_alloc : memref<!tpu.dma_semaphore, #tpu.memory_space<semaphore_mem>>
          %dma_start3A_198 = arith.constant 0 : i32
          %dma_start3A_199 = tpu.memref_slice %arg7[%run_scoped3A_188, %add3A_181, %dma_start3A_198] : memref<1x40x64xi32, #tpu.memory_space<vmem>> -> memref<1x1x64xi32, #tpu.memory_space<vmem>>
          %dma_start3A_200 = tpu.memref_squeeze %dma_start3A_199 : memref<1x1x64xi32, #tpu.memory_space<vmem>> -> memref<64xi32, #tpu.memory_space<vmem>>
          %dma_start3A_201 = arith.constant 0 : i32
          %dma_start3A_202 = arith.constant 0 : i32
          %dma_start3A_203 = tpu.memref_slice %arg13[%dma_start3A_201, %dma_start3A_202] : memref<10064x128xf32, #tpu.memory_space<vmem_shared>> -> memref<10064x128xf32, #tpu.memory_space<vmem_shared>>
          tpu.enqueue_indirect_dma source(%arg11 : memref<64x128xf32, #tpu.memory_space<vmem>>) target(%dma_start3A_203 : memref<10064x128xf32, #tpu.memory_space<vmem_shared>>) offsets(%dma_start3A_200 : memref<64xi32, #tpu.memory_space<vmem>>) semaphore(%run_scoped3A_197 : memref<!tpu.dma_semaphore, #tpu.memory_space<semaphore_mem>>) {add = true}
          %dma_wait3A_204 = arith.constant 0 : i32
          %dma_wait3A_205 = tpu.memref_slice %arg7[%run_scoped3A_188, %add3A_181, %dma_wait3A_204] : memref<1x40x64xi32, #tpu.memory_space<vmem>> -> memref<1x1x64xi32, #tpu.memory_space<vmem>>
          %dma_wait3A_206 = tpu.memref_squeeze %dma_wait3A_205 : memref<1x1x64xi32, #tpu.memory_space<vmem>> -> memref<64xi32, #tpu.memory_space<vmem>>
          %dma_wait3A_207 = arith.constant 0 : i32
          %dma_wait3A_208 = arith.constant 0 : i32
          %dma_wait3A_209 = tpu.memref_slice %arg13[%dma_wait3A_207, %dma_wait3A_208] : memref<10064x128xf32, #tpu.memory_space<vmem_shared>> -> memref<10064x128xf32, #tpu.memory_space<vmem_shared>>
          tpu.wait_indirect_dma semaphore(%run_scoped3A_197 : memref<!tpu.dma_semaphore, #tpu.memory_space<semaphore_mem>>) src(%arg11 : memref<64x128xf32, #tpu.memory_space<vmem>>) dst(%dma_wait3A_209 : memref<10064x128xf32, #tpu.memory_space<vmem_shared>>)
          tpu.yield
        }) : () -> ()
        %add3A_189 = arith.constant 4 : i32
        %add3A_190 = arith.addi %add3A_181, %add3A_189 : i32
        %dma_start3A_191 = arith.constant 0 : i32
        %dma_start3A_192 = tpu.memref_slice %arg6[%rem3A_57, %add3A_190, %dma_start3A_191] : memref<2x40x64xi32, #tpu.memory_space<vmem>> -> memref<1x1x64xi32, #tpu.memory_space<vmem>>
        %dma_start3A_193 = tpu.memref_squeeze %dma_start3A_192 : memref<1x1x64xi32, #tpu.memory_space<vmem>> -> memref<64xi32, #tpu.memory_space<vmem>>
        %dma_start3A_194 = arith.constant 0 : i32
        %dma_start3A_195 = arith.constant 0 : i32
        %dma_start3A_196 = tpu.memref_slice %arg2[%dma_start3A_194, %dma_start3A_195] : memref<10000x128xf32, #tpu.memory_space<hbm>> -> memref<10000x128xf32, #tpu.memory_space<hbm>>
        tpu.enqueue_indirect_dma source(%dma_start3A_196 : memref<10000x128xf32, #tpu.memory_space<hbm>>) target(%arg11 : memref<64x128xf32, #tpu.memory_space<vmem>>) offsets(%dma_start3A_193 : memref<64xi32, #tpu.memory_space<vmem>>) semaphore(%arg17 : memref<!tpu.dma_semaphore, #tpu.memory_space<semaphore_mem>>)
      }
      %scan3A_63 = arith.constant 9 : i32
      %lt3A = arith.constant 3 : i32
      %lt3A_64 = arith.cmpi slt, %scan3A_56, %lt3A : i32
      %convert_element_type3A = arith.extui %lt3A_64 : i1 to i32
      %cond3A = arith.constant 0 : i32
      %cond3A_65 = arith.cmpi ne, %convert_element_type3A, %cond3A : i32
      scf.if %cond3A_65 {
        %add3A_120 = arith.constant 1 : i32
        %add3A_121 = arith.addi %scan3A_56, %add3A_120 : i32
        %sub3A = arith.constant 1 : i32
        %sub3A_122 = arith.subi %sub3A, %rem3A_57 : i32
        "tpu.region"() ({
          %run_scoped3A_123 = tpu.sem_alloc : memref<!tpu.dma_semaphore, #tpu.memory_space<semaphore_mem>>
          %dma_start3A_124 = arith.constant 0 : i32
          %dma_start3A_125 = arith.constant 0 : i32
          %dma_start3A_126 = tpu.memref_slice %arg6[%sub3A_122, %dma_start3A_124, %dma_start3A_125] : memref<2x40x64xi32, #tpu.memory_space<vmem>> -> memref<1x40x64xi32, #tpu.memory_space<vmem>>
          %dma_start3A_127 = arith.constant 0 : i32
          %dma_start3A_128 = arith.constant 0 : i32
          %dma_start3A_129 = tpu.memref_slice %arg3[%add3A, %add3A_121, %dma_start3A_127, %dma_start3A_128] : memref<32x4x40x64xi32, #tpu.memory_space<hbm>> -> memref<1x1x40x64xi32, #tpu.memory_space<hbm>>
          %dma_start3A_130 = tpu.memref_squeeze %dma_start3A_129 : memref<1x1x40x64xi32, #tpu.memory_space<hbm>> -> memref<1x40x64xi32, #tpu.memory_space<hbm>>
          %dma_start3A_131 = arith.constant 0 : i32
          %dma_start3A_132 = arith.constant 0 : i32
          %dma_start3A_133 = tpu.memref_slice %arg6[%sub3A_122, %dma_start3A_131, %dma_start3A_132] : memref<2x40x64xi32, #tpu.memory_space<vmem>> -> memref<1x40x64xi32, #tpu.memory_space<vmem>>
          %dma_start3A_134 = arith.constant 0 : i32
          %dma_start3A_135 = arith.constant 0 : i32
          %dma_start3A_136 = tpu.memref_slice %arg3[%add3A, %add3A_121, %dma_start3A_134, %dma_start3A_135] : memref<32x4x40x64xi32, #tpu.memory_space<hbm>> -> memref<1x1x40x64xi32, #tpu.memory_space<hbm>>
          %dma_start3A_137 = tpu.memref_squeeze %dma_start3A_136 : memref<1x1x40x64xi32, #tpu.memory_space<hbm>> -> memref<1x40x64xi32, #tpu.memory_space<hbm>>
          tpu.enqueue_dma source(%dma_start3A_137 : memref<1x40x64xi32, #tpu.memory_space<hbm>>) target(%dma_start3A_133 : memref<1x40x64xi32, #tpu.memory_space<vmem>>) target_semaphore(%run_scoped3A_123 : memref<!tpu.dma_semaphore, #tpu.memory_space<semaphore_mem>>)
          %dma_wait3A_138 = arith.constant 0 : i32
          %dma_wait3A_139 = arith.constant 0 : i32
          %dma_wait3A_140 = tpu.memref_slice %arg6[%sub3A_122, %dma_wait3A_138, %dma_wait3A_139] : memref<2x40x64xi32, #tpu.memory_space<vmem>> -> memref<1x40x64xi32, #tpu.memory_space<vmem>>
          %dma_wait3A_141 = arith.constant 0 : i32
          %dma_wait3A_142 = arith.constant 0 : i32
          %dma_wait3A_143 = tpu.memref_slice %arg3[%add3A, %add3A_121, %dma_wait3A_141, %dma_wait3A_142] : memref<32x4x40x64xi32, #tpu.memory_space<hbm>> -> memref<1x1x40x64xi32, #tpu.memory_space<hbm>>
          %dma_wait3A_144 = tpu.memref_squeeze %dma_wait3A_143 : memref<1x1x40x64xi32, #tpu.memory_space<hbm>> -> memref<1x40x64xi32, #tpu.memory_space<hbm>>
          %dma_wait3A_145 = arith.constant 0 : i32
          %dma_wait3A_146 = arith.constant 0 : i32
          %dma_wait3A_147 = tpu.memref_slice %arg6[%sub3A_122, %dma_wait3A_145, %dma_wait3A_146] : memref<2x40x64xi32, #tpu.memory_space<vmem>> -> memref<1x40x64xi32, #tpu.memory_space<vmem>>
          %dma_wait3A_148 = arith.constant 0 : i32
          %dma_wait3A_149 = arith.constant 0 : i32
          %dma_wait3A_150 = tpu.memref_slice %arg3[%add3A, %add3A_121, %dma_wait3A_148, %dma_wait3A_149] : memref<32x4x40x64xi32, #tpu.memory_space<hbm>> -> memref<1x1x40x64xi32, #tpu.memory_space<hbm>>
          %dma_wait3A_151 = tpu.memref_squeeze %dma_wait3A_150 : memref<1x1x40x64xi32, #tpu.memory_space<hbm>> -> memref<1x40x64xi32, #tpu.memory_space<hbm>>
          tpu.wait_dma2 semaphore(%run_scoped3A_123 : memref<!tpu.dma_semaphore, #tpu.memory_space<semaphore_mem>>) src(%dma_wait3A_151 : memref<1x40x64xi32, #tpu.memory_space<hbm>>) dst(%dma_wait3A_147 : memref<1x40x64xi32, #tpu.memory_space<vmem>>)
          tpu.yield
        }) : () -> ()
      } else {
      }
      %dma_wait3A = arith.constant 36 : i32
      %dma_wait3A_66 = arith.constant 0 : i32
      %dma_wait3A_67 = tpu.memref_slice %arg6[%rem3A_57, %dma_wait3A, %dma_wait3A_66] : memref<2x40x64xi32, #tpu.memory_space<vmem>> -> memref<1x1x64xi32, #tpu.memory_space<vmem>>
      %dma_wait3A_68 = tpu.memref_squeeze %dma_wait3A_67 : memref<1x1x64xi32, #tpu.memory_space<vmem>> -> memref<64xi32, #tpu.memory_space<vmem>>
      %dma_wait3A_69 = arith.constant 0 : i32
      %dma_wait3A_70 = arith.constant 0 : i32
      %dma_wait3A_71 = tpu.memref_slice %arg2[%dma_wait3A_69, %dma_wait3A_70] : memref<10000x128xf32, #tpu.memory_space<hbm>> -> memref<10000x128xf32, #tpu.memory_space<hbm>>
      tpu.wait_indirect_dma semaphore(%arg14 : memref<!tpu.dma_semaphore, #tpu.memory_space<semaphore_mem>>) src(%dma_wait3A_71 : memref<10000x128xf32, #tpu.memory_space<hbm>>) dst(%arg8 : memref<64x128xf32, #tpu.memory_space<vmem>>)
      %run_scoped3A = arith.constant 0 : i32
      %run_scoped3A_72 = arith.constant 36 : i32
      "tpu.region"() ({
        %run_scoped3A_120 = tpu.sem_alloc : memref<!tpu.dma_semaphore, #tpu.memory_space<semaphore_mem>>
        %dma_start3A_121 = arith.constant 0 : i32
        %dma_start3A_122 = tpu.memref_slice %arg7[%run_scoped3A, %run_scoped3A_72, %dma_start3A_121] : memref<1x40x64xi32, #tpu.memory_space<vmem>> -> memref<1x1x64xi32, #tpu.memory_space<vmem>>
        %dma_start3A_123 = tpu.memref_squeeze %dma_start3A_122 : memref<1x1x64xi32, #tpu.memory_space<vmem>> -> memref<64xi32, #tpu.memory_space<vmem>>
        %dma_start3A_124 = arith.constant 0 : i32
        %dma_start3A_125 = arith.constant 0 : i32
        %dma_start3A_126 = tpu.memref_slice %arg13[%dma_start3A_124, %dma_start3A_125] : memref<10064x128xf32, #tpu.memory_space<vmem_shared>> -> memref<10064x128xf32, #tpu.memory_space<vmem_shared>>
        tpu.enqueue_indirect_dma source(%arg8 : memref<64x128xf32, #tpu.memory_space<vmem>>) target(%dma_start3A_126 : memref<10064x128xf32, #tpu.memory_space<vmem_shared>>) offsets(%dma_start3A_123 : memref<64xi32, #tpu.memory_space<vmem>>) semaphore(%run_scoped3A_120 : memref<!tpu.dma_semaphore, #tpu.memory_space<semaphore_mem>>) {add = true}
        %dma_wait3A_127 = arith.constant 0 : i32
        %dma_wait3A_128 = tpu.memref_slice %arg7[%run_scoped3A, %run_scoped3A_72, %dma_wait3A_127] : memref<1x40x64xi32, #tpu.memory_space<vmem>> -> memref<1x1x64xi32, #tpu.memory_space<vmem>>
        %dma_wait3A_129 = tpu.memref_squeeze %dma_wait3A_128 : memref<1x1x64xi32, #tpu.memory_space<vmem>> -> memref<64xi32, #tpu.memory_space<vmem>>
        %dma_wait3A_130 = arith.constant 0 : i32
        %dma_wait3A_131 = arith.constant 0 : i32
        %dma_wait3A_132 = tpu.memref_slice %arg13[%dma_wait3A_130, %dma_wait3A_131] : memref<10064x128xf32, #tpu.memory_space<vmem_shared>> -> memref<10064x128xf32, #tpu.memory_space<vmem_shared>>
        tpu.wait_indirect_dma semaphore(%run_scoped3A_120 : memref<!tpu.dma_semaphore, #tpu.memory_space<semaphore_mem>>) src(%arg8 : memref<64x128xf32, #tpu.memory_space<vmem>>) dst(%dma_wait3A_132 : memref<10064x128xf32, #tpu.memory_space<vmem_shared>>)
        tpu.yield
      }) : () -> ()
      %lt3A_73 = arith.constant 3 : i32
      %lt3A_74 = arith.cmpi slt, %scan3A_56, %lt3A_73 : i32
      %convert_element_type3A_75 = arith.extui %lt3A_74 : i1 to i32
      %cond3A_76 = arith.constant 0 : i32
      %cond3A_77 = arith.cmpi ne, %convert_element_type3A_75, %cond3A_76 : i32
      scf.if %cond3A_77 {
        %sub3A = arith.constant 1 : i32
        %sub3A_120 = arith.subi %sub3A, %rem3A_57 : i32
        %dma_start3A_121 = arith.constant 0 : i32
        %dma_start3A_122 = arith.constant 0 : i32
        %dma_start3A_123 = tpu.memref_slice %arg6[%sub3A_120, %dma_start3A_121, %dma_start3A_122] : memref<2x40x64xi32, #tpu.memory_space<vmem>> -> memref<1x1x64xi32, #tpu.memory_space<vmem>>
        %dma_start3A_124 = tpu.memref_squeeze %dma_start3A_123 : memref<1x1x64xi32, #tpu.memory_space<vmem>> -> memref<64xi32, #tpu.memory_space<vmem>>
        %dma_start3A_125 = arith.constant 0 : i32
        %dma_start3A_126 = arith.constant 0 : i32
        %dma_start3A_127 = tpu.memref_slice %arg2[%dma_start3A_125, %dma_start3A_126] : memref<10000x128xf32, #tpu.memory_space<hbm>> -> memref<10000x128xf32, #tpu.memory_space<hbm>>
        tpu.enqueue_indirect_dma source(%dma_start3A_127 : memref<10000x128xf32, #tpu.memory_space<hbm>>) target(%arg8 : memref<64x128xf32, #tpu.memory_space<vmem>>) offsets(%dma_start3A_124 : memref<64xi32, #tpu.memory_space<vmem>>) semaphore(%arg14 : memref<!tpu.dma_semaphore, #tpu.memory_space<semaphore_mem>>)
      } else {
      }
      %dma_wait3A_78 = arith.constant 37 : i32
      %dma_wait3A_79 = arith.constant 0 : i32
      %dma_wait3A_80 = tpu.memref_slice %arg6[%rem3A_57, %dma_wait3A_78, %dma_wait3A_79] : memref<2x40x64xi32, #tpu.memory_space<vmem>> -> memref<1x1x64xi32, #tpu.memory_space<vmem>>
      %dma_wait3A_81 = tpu.memref_squeeze %dma_wait3A_80 : memref<1x1x64xi32, #tpu.memory_space<vmem>> -> memref<64xi32, #tpu.memory_space<vmem>>
      %dma_wait3A_82 = arith.constant 0 : i32
      %dma_wait3A_83 = arith.constant 0 : i32
      %dma_wait3A_84 = tpu.memref_slice %arg2[%dma_wait3A_82, %dma_wait3A_83] : memref<10000x128xf32, #tpu.memory_space<hbm>> -> memref<10000x128xf32, #tpu.memory_space<hbm>>
      tpu.wait_indirect_dma semaphore(%arg15 : memref<!tpu.dma_semaphore, #tpu.memory_space<semaphore_mem>>) src(%dma_wait3A_84 : memref<10000x128xf32, #tpu.memory_space<hbm>>) dst(%arg9 : memref<64x128xf32, #tpu.memory_space<vmem>>)
      %run_scoped3A_85 = arith.constant 0 : i32
      %run_scoped3A_86 = arith.constant 37 : i32
      "tpu.region"() ({
        %run_scoped3A_120 = tpu.sem_alloc : memref<!tpu.dma_semaphore, #tpu.memory_space<semaphore_mem>>
        %dma_start3A_121 = arith.constant 0 : i32
        %dma_start3A_122 = tpu.memref_slice %arg7[%run_scoped3A_85, %run_scoped3A_86, %dma_start3A_121] : memref<1x40x64xi32, #tpu.memory_space<vmem>> -> memref<1x1x64xi32, #tpu.memory_space<vmem>>
        %dma_start3A_123 = tpu.memref_squeeze %dma_start3A_122 : memref<1x1x64xi32, #tpu.memory_space<vmem>> -> memref<64xi32, #tpu.memory_space<vmem>>
        %dma_start3A_124 = arith.constant 0 : i32
        %dma_start3A_125 = arith.constant 0 : i32
        %dma_start3A_126 = tpu.memref_slice %arg13[%dma_start3A_124, %dma_start3A_125] : memref<10064x128xf32, #tpu.memory_space<vmem_shared>> -> memref<10064x128xf32, #tpu.memory_space<vmem_shared>>
        tpu.enqueue_indirect_dma source(%arg9 : memref<64x128xf32, #tpu.memory_space<vmem>>) target(%dma_start3A_126 : memref<10064x128xf32, #tpu.memory_space<vmem_shared>>) offsets(%dma_start3A_123 : memref<64xi32, #tpu.memory_space<vmem>>) semaphore(%run_scoped3A_120 : memref<!tpu.dma_semaphore, #tpu.memory_space<semaphore_mem>>) {add = true}
        %dma_wait3A_127 = arith.constant 0 : i32
        %dma_wait3A_128 = tpu.memref_slice %arg7[%run_scoped3A_85, %run_scoped3A_86, %dma_wait3A_127] : memref<1x40x64xi32, #tpu.memory_space<vmem>> -> memref<1x1x64xi32, #tpu.memory_space<vmem>>
        %dma_wait3A_129 = tpu.memref_squeeze %dma_wait3A_128 : memref<1x1x64xi32, #tpu.memory_space<vmem>> -> memref<64xi32, #tpu.memory_space<vmem>>
        %dma_wait3A_130 = arith.constant 0 : i32
        %dma_wait3A_131 = arith.constant 0 : i32
        %dma_wait3A_132 = tpu.memref_slice %arg13[%dma_wait3A_130, %dma_wait3A_131] : memref<10064x128xf32, #tpu.memory_space<vmem_shared>> -> memref<10064x128xf32, #tpu.memory_space<vmem_shared>>
        tpu.wait_indirect_dma semaphore(%run_scoped3A_120 : memref<!tpu.dma_semaphore, #tpu.memory_space<semaphore_mem>>) src(%arg9 : memref<64x128xf32, #tpu.memory_space<vmem>>) dst(%dma_wait3A_132 : memref<10064x128xf32, #tpu.memory_space<vmem_shared>>)
        tpu.yield
      }) : () -> ()
      %lt3A_87 = arith.constant 3 : i32
      %lt3A_88 = arith.cmpi slt, %scan3A_56, %lt3A_87 : i32
      %convert_element_type3A_89 = arith.extui %lt3A_88 : i1 to i32
      %cond3A_90 = arith.constant 0 : i32
      %cond3A_91 = arith.cmpi ne, %convert_element_type3A_89, %cond3A_90 : i32
      scf.if %cond3A_91 {
        %sub3A = arith.constant 1 : i32
        %sub3A_120 = arith.subi %sub3A, %rem3A_57 : i32
        %dma_start3A_121 = arith.constant 1 : i32
        %dma_start3A_122 = arith.constant 0 : i32
        %dma_start3A_123 = tpu.memref_slice %arg6[%sub3A_120, %dma_start3A_121, %dma_start3A_122] : memref<2x40x64xi32, #tpu.memory_space<vmem>> -> memref<1x1x64xi32, #tpu.memory_space<vmem>>
        %dma_start3A_124 = tpu.memref_squeeze %dma_start3A_123 : memref<1x1x64xi32, #tpu.memory_space<vmem>> -> memref<64xi32, #tpu.memory_space<vmem>>
        %dma_start3A_125 = arith.constant 0 : i32
        %dma_start3A_126 = arith.constant 0 : i32
        %dma_start3A_127 = tpu.memref_slice %arg2[%dma_start3A_125, %dma_start3A_126] : memref<10000x128xf32, #tpu.memory_space<hbm>> -> memref<10000x128xf32, #tpu.memory_space<hbm>>
        tpu.enqueue_indirect_dma source(%dma_start3A_127 : memref<10000x128xf32, #tpu.memory_space<hbm>>) target(%arg9 : memref<64x128xf32, #tpu.memory_space<vmem>>) offsets(%dma_start3A_124 : memref<64xi32, #tpu.memory_space<vmem>>) semaphore(%arg15 : memref<!tpu.dma_semaphore, #tpu.memory_space<semaphore_mem>>)
      } else {
      }
      %dma_wait3A_92 = arith.constant 38 : i32
      %dma_wait3A_93 = arith.constant 0 : i32
      %dma_wait3A_94 = tpu.memref_slice %arg6[%rem3A_57, %dma_wait3A_92, %dma_wait3A_93] : memref<2x40x64xi32, #tpu.memory_space<vmem>> -> memref<1x1x64xi32, #tpu.memory_space<vmem>>
      %dma_wait3A_95 = tpu.memref_squeeze %dma_wait3A_94 : memref<1x1x64xi32, #tpu.memory_space<vmem>> -> memref<64xi32, #tpu.memory_space<vmem>>
      %dma_wait3A_96 = arith.constant 0 : i32
      %dma_wait3A_97 = arith.constant 0 : i32
      %dma_wait3A_98 = tpu.memref_slice %arg2[%dma_wait3A_96, %dma_wait3A_97] : memref<10000x128xf32, #tpu.memory_space<hbm>> -> memref<10000x128xf32, #tpu.memory_space<hbm>>
      tpu.wait_indirect_dma semaphore(%arg16 : memref<!tpu.dma_semaphore, #tpu.memory_space<semaphore_mem>>) src(%dma_wait3A_98 : memref<10000x128xf32, #tpu.memory_space<hbm>>) dst(%arg10 : memref<64x128xf32, #tpu.memory_space<vmem>>)
      %run_scoped3A_99 = arith.constant 0 : i32
      %run_scoped3A_100 = arith.constant 38 : i32
      "tpu.region"() ({
        %run_scoped3A_120 = tpu.sem_alloc : memref<!tpu.dma_semaphore, #tpu.memory_space<semaphore_mem>>
        %dma_start3A_121 = arith.constant 0 : i32
        %dma_start3A_122 = tpu.memref_slice %arg7[%run_scoped3A_99, %run_scoped3A_100, %dma_start3A_121] : memref<1x40x64xi32, #tpu.memory_space<vmem>> -> memref<1x1x64xi32, #tpu.memory_space<vmem>>
        %dma_start3A_123 = tpu.memref_squeeze %dma_start3A_122 : memref<1x1x64xi32, #tpu.memory_space<vmem>> -> memref<64xi32, #tpu.memory_space<vmem>>
        %dma_start3A_124 = arith.constant 0 : i32
        %dma_start3A_125 = arith.constant 0 : i32
        %dma_start3A_126 = tpu.memref_slice %arg13[%dma_start3A_124, %dma_start3A_125] : memref<10064x128xf32, #tpu.memory_space<vmem_shared>> -> memref<10064x128xf32, #tpu.memory_space<vmem_shared>>
        tpu.enqueue_indirect_dma source(%arg10 : memref<64x128xf32, #tpu.memory_space<vmem>>) target(%dma_start3A_126 : memref<10064x128xf32, #tpu.memory_space<vmem_shared>>) offsets(%dma_start3A_123 : memref<64xi32, #tpu.memory_space<vmem>>) semaphore(%run_scoped3A_120 : memref<!tpu.dma_semaphore, #tpu.memory_space<semaphore_mem>>) {add = true}
        %dma_wait3A_127 = arith.constant 0 : i32
        %dma_wait3A_128 = tpu.memref_slice %arg7[%run_scoped3A_99, %run_scoped3A_100, %dma_wait3A_127] : memref<1x40x64xi32, #tpu.memory_space<vmem>> -> memref<1x1x64xi32, #tpu.memory_space<vmem>>
        %dma_wait3A_129 = tpu.memref_squeeze %dma_wait3A_128 : memref<1x1x64xi32, #tpu.memory_space<vmem>> -> memref<64xi32, #tpu.memory_space<vmem>>
        %dma_wait3A_130 = arith.constant 0 : i32
        %dma_wait3A_131 = arith.constant 0 : i32
        %dma_wait3A_132 = tpu.memref_slice %arg13[%dma_wait3A_130, %dma_wait3A_131] : memref<10064x128xf32, #tpu.memory_space<vmem_shared>> -> memref<10064x128xf32, #tpu.memory_space<vmem_shared>>
        tpu.wait_indirect_dma semaphore(%run_scoped3A_120 : memref<!tpu.dma_semaphore, #tpu.memory_space<semaphore_mem>>) src(%arg10 : memref<64x128xf32, #tpu.memory_space<vmem>>) dst(%dma_wait3A_132 : memref<10064x128xf32, #tpu.memory_space<vmem_shared>>)
        tpu.yield
      }) : () -> ()
      %lt3A_101 = arith.constant 3 : i32
      %lt3A_102 = arith.cmpi slt, %scan3A_56, %lt3A_101 : i32
      %convert_element_type3A_103 = arith.extui %lt3A_102 : i1 to i32
      %cond3A_104 = arith.constant 0 : i32
      %cond3A_105 = arith.cmpi ne, %convert_element_type3A_103, %cond3A_104 : i32
      scf.if %cond3A_105 {
        %sub3A = arith.constant 1 : i32
        %sub3A_120 = arith.subi %sub3A, %rem3A_57 : i32
        %dma_start3A_121 = arith.constant 2 : i32
        %dma_start3A_122 = arith.constant 0 : i32
        %dma_start3A_123 = tpu.memref_slice %arg6[%sub3A_120, %dma_start3A_121, %dma_start3A_122] : memref<2x40x64xi32, #tpu.memory_space<vmem>> -> memref<1x1x64xi32, #tpu.memory_space<vmem>>
        %dma_start3A_124 = tpu.memref_squeeze %dma_start3A_123 : memref<1x1x64xi32, #tpu.memory_space<vmem>> -> memref<64xi32, #tpu.memory_space<vmem>>
        %dma_start3A_125 = arith.constant 0 : i32
        %dma_start3A_126 = arith.constant 0 : i32
        %dma_start3A_127 = tpu.memref_slice %arg2[%dma_start3A_125, %dma_start3A_126] : memref<10000x128xf32, #tpu.memory_space<hbm>> -> memref<10000x128xf32, #tpu.memory_space<hbm>>
        tpu.enqueue_indirect_dma source(%dma_start3A_127 : memref<10000x128xf32, #tpu.memory_space<hbm>>) target(%arg10 : memref<64x128xf32, #tpu.memory_space<vmem>>) offsets(%dma_start3A_124 : memref<64xi32, #tpu.memory_space<vmem>>) semaphore(%arg16 : memref<!tpu.dma_semaphore, #tpu.memory_space<semaphore_mem>>)
      } else {
      }
      %dma_wait3A_106 = arith.constant 39 : i32
      %dma_wait3A_107 = arith.constant 0 : i32
      %dma_wait3A_108 = tpu.memref_slice %arg6[%rem3A_57, %dma_wait3A_106, %dma_wait3A_107] : memref<2x40x64xi32, #tpu.memory_space<vmem>> -> memref<1x1x64xi32, #tpu.memory_space<vmem>>
      %dma_wait3A_109 = tpu.memref_squeeze %dma_wait3A_108 : memref<1x1x64xi32, #tpu.memory_space<vmem>> -> memref<64xi32, #tpu.memory_space<vmem>>
      %dma_wait3A_110 = arith.constant 0 : i32
      %dma_wait3A_111 = arith.constant 0 : i32
      %dma_wait3A_112 = tpu.memref_slice %arg2[%dma_wait3A_110, %dma_wait3A_111] : memref<10000x128xf32, #tpu.memory_space<hbm>> -> memref<10000x128xf32, #tpu.memory_space<hbm>>
      tpu.wait_indirect_dma semaphore(%arg17 : memref<!tpu.dma_semaphore, #tpu.memory_space<semaphore_mem>>) src(%dma_wait3A_112 : memref<10000x128xf32, #tpu.memory_space<hbm>>) dst(%arg11 : memref<64x128xf32, #tpu.memory_space<vmem>>)
      %run_scoped3A_113 = arith.constant 0 : i32
      %run_scoped3A_114 = arith.constant 39 : i32
      "tpu.region"() ({
        %run_scoped3A_120 = tpu.sem_alloc : memref<!tpu.dma_semaphore, #tpu.memory_space<semaphore_mem>>
        %dma_start3A_121 = arith.constant 0 : i32
        %dma_start3A_122 = tpu.memref_slice %arg7[%run_scoped3A_113, %run_scoped3A_114, %dma_start3A_121] : memref<1x40x64xi32, #tpu.memory_space<vmem>> -> memref<1x1x64xi32, #tpu.memory_space<vmem>>
        %dma_start3A_123 = tpu.memref_squeeze %dma_start3A_122 : memref<1x1x64xi32, #tpu.memory_space<vmem>> -> memref<64xi32, #tpu.memory_space<vmem>>
        %dma_start3A_124 = arith.constant 0 : i32
        %dma_start3A_125 = arith.constant 0 : i32
        %dma_start3A_126 = tpu.memref_slice %arg13[%dma_start3A_124, %dma_start3A_125] : memref<10064x128xf32, #tpu.memory_space<vmem_shared>> -> memref<10064x128xf32, #tpu.memory_space<vmem_shared>>
        tpu.enqueue_indirect_dma source(%arg11 : memref<64x128xf32, #tpu.memory_space<vmem>>) target(%dma_start3A_126 : memref<10064x128xf32, #tpu.memory_space<vmem_shared>>) offsets(%dma_start3A_123 : memref<64xi32, #tpu.memory_space<vmem>>) semaphore(%run_scoped3A_120 : memref<!tpu.dma_semaphore, #tpu.memory_space<semaphore_mem>>) {add = true}
        %dma_wait3A_127 = arith.constant 0 : i32
        %dma_wait3A_128 = tpu.memref_slice %arg7[%run_scoped3A_113, %run_scoped3A_114, %dma_wait3A_127] : memref<1x40x64xi32, #tpu.memory_space<vmem>> -> memref<1x1x64xi32, #tpu.memory_space<vmem>>
        %dma_wait3A_129 = tpu.memref_squeeze %dma_wait3A_128 : memref<1x1x64xi32, #tpu.memory_space<vmem>> -> memref<64xi32, #tpu.memory_space<vmem>>
        %dma_wait3A_130 = arith.constant 0 : i32
        %dma_wait3A_131 = arith.constant 0 : i32
        %dma_wait3A_132 = tpu.memref_slice %arg13[%dma_wait3A_130, %dma_wait3A_131] : memref<10064x128xf32, #tpu.memory_space<vmem_shared>> -> memref<10064x128xf32, #tpu.memory_space<vmem_shared>>
        tpu.wait_indirect_dma semaphore(%run_scoped3A_120 : memref<!tpu.dma_semaphore, #tpu.memory_space<semaphore_mem>>) src(%arg11 : memref<64x128xf32, #tpu.memory_space<vmem>>) dst(%dma_wait3A_132 : memref<10064x128xf32, #tpu.memory_space<vmem_shared>>)
        tpu.yield
      }) : () -> ()
      %lt3A_115 = arith.constant 3 : i32
      %lt3A_116 = arith.cmpi slt, %scan3A_56, %lt3A_115 : i32
      %convert_element_type3A_117 = arith.extui %lt3A_116 : i1 to i32
      %cond3A_118 = arith.constant 0 : i32
      %cond3A_119 = arith.cmpi ne, %convert_element_type3A_117, %cond3A_118 : i32
      scf.if %cond3A_119 {
        %sub3A = arith.constant 1 : i32
        %sub3A_120 = arith.subi %sub3A, %rem3A_57 : i32
        %dma_start3A_121 = arith.constant 3 : i32
        %dma_start3A_122 = arith.constant 0 : i32
        %dma_start3A_123 = tpu.memref_slice %arg6[%sub3A_120, %dma_start3A_121, %dma_start3A_122] : memref<2x40x64xi32, #tpu.memory_space<vmem>> -> memref<1x1x64xi32, #tpu.memory_space<vmem>>
        %dma_start3A_124 = tpu.memref_squeeze %dma_start3A_123 : memref<1x1x64xi32, #tpu.memory_space<vmem>> -> memref<64xi32, #tpu.memory_space<vmem>>
        %dma_start3A_125 = arith.constant 0 : i32
        %dma_start3A_126 = arith.constant 0 : i32
        %dma_start3A_127 = tpu.memref_slice %arg2[%dma_start3A_125, %dma_start3A_126] : memref<10000x128xf32, #tpu.memory_space<hbm>> -> memref<10000x128xf32, #tpu.memory_space<hbm>>
        tpu.enqueue_indirect_dma source(%dma_start3A_127 : memref<10000x128xf32, #tpu.memory_space<hbm>>) target(%arg11 : memref<64x128xf32, #tpu.memory_space<vmem>>) offsets(%dma_start3A_124 : memref<64xi32, #tpu.memory_space<vmem>>) semaphore(%arg17 : memref<!tpu.dma_semaphore, #tpu.memory_space<semaphore_mem>>)
      } else {
      }
    }
    %scan3A_48 = arith.constant 4 : i32
    %barrier3A_49 = arith.constant 0 : index
    tpu.barrier barrier_id(%barrier3A_49)
    %scan3A_50 = arith.constant 0 : i32
    %scan3A_51 = arith.constant 0 : i32
    %scan3A_52 = arith.constant 40 : i32
    %scan3A_53 = arith.addi %scan3A_51, %scan3A_52 : i32
    %scan3A_54 = arith.constant 1 : i32
    scf.for %scan3A_56 = %scan3A_51 to %scan3A_53 step %scan3A_54  : i32 {
      %mul3A_57 = arith.constant 16 : i32
      %mul3A_58 = arith.muli %scan3A_56, %mul3A_57 : i32
      %add3A_59 = arith.addi %arg1, %mul3A_58 : i32
      %lt3A = arith.constant 625 : i32
      %lt3A_60 = arith.cmpi slt, %add3A_59, %lt3A : i32
      %convert_element_type3A = arith.extui %lt3A_60 : i1 to i32
      %cond3A = arith.constant 0 : i32
      %cond3A_61 = arith.cmpi ne, %convert_element_type3A, %cond3A : i32
      scf.if %cond3A_61 {
        %mul3A_62 = arith.constant 16 : i32
        %mul3A_63 = arith.muli %add3A_59, %mul3A_62 : i32
        "tpu.region"() ({
          %run_scoped3A = tpu.sem_alloc : memref<!tpu.dma_semaphore, #tpu.memory_space<semaphore_mem>>
          %dma_start3A_66 = arith.constant 0 : i32
          %dma_start3A_67 = tpu.memref_slice %arg13[%mul3A_63, %dma_start3A_66] : memref<10064x128xf32, #tpu.memory_space<vmem_shared>> -> memref<16x128xf32, #tpu.memory_space<vmem_shared>>
          %dma_start3A_68 = arith.constant 0 : i32
          %dma_start3A_69 = tpu.memref_slice %arg13[%mul3A_63, %dma_start3A_68] : memref<10064x128xf32, #tpu.memory_space<vmem_shared>> -> memref<16x128xf32, #tpu.memory_space<vmem_shared>>
          tpu.enqueue_dma source(%dma_start3A_69 : memref<16x128xf32, #tpu.memory_space<vmem_shared>>) target(%arg12 : memref<16x128xf32, #tpu.memory_space<vmem>>) target_semaphore(%run_scoped3A : memref<!tpu.dma_semaphore, #tpu.memory_space<semaphore_mem>>)
          %dma_wait3A = arith.constant 0 : i32
          %dma_wait3A_70 = tpu.memref_slice %arg13[%mul3A_63, %dma_wait3A] : memref<10064x128xf32, #tpu.memory_space<vmem_shared>> -> memref<16x128xf32, #tpu.memory_space<vmem_shared>>
          %dma_wait3A_71 = arith.constant 0 : i32
          %dma_wait3A_72 = tpu.memref_slice %arg13[%mul3A_63, %dma_wait3A_71] : memref<10064x128xf32, #tpu.memory_space<vmem_shared>> -> memref<16x128xf32, #tpu.memory_space<vmem_shared>>
          tpu.wait_dma2 semaphore(%run_scoped3A : memref<!tpu.dma_semaphore, #tpu.memory_space<semaphore_mem>>) src(%dma_wait3A_72 : memref<16x128xf32, #tpu.memory_space<vmem_shared>>) dst(%arg12 : memref<16x128xf32, #tpu.memory_space<vmem>>)
          tpu.yield
        }) : () -> ()
        %mul3A_64 = arith.constant 16 : i32
        %mul3A_65 = arith.muli %add3A_59, %mul3A_64 : i32
        "tpu.region"() ({
          %run_scoped3A = tpu.sem_alloc : memref<!tpu.dma_semaphore, #tpu.memory_space<semaphore_mem>>
          %dma_start3A_66 = arith.constant 0 : i32
          %dma_start3A_67 = tpu.memref_slice %arg5[%arg0, %mul3A_65, %dma_start3A_66] : memref<2x10000x128xf32, #tpu.memory_space<hbm>> -> memref<1x16x128xf32, #tpu.memory_space<hbm>>
          %dma_start3A_68 = tpu.memref_squeeze %dma_start3A_67 : memref<1x16x128xf32, #tpu.memory_space<hbm>> -> memref<16x128xf32, #tpu.memory_space<hbm>>
          %dma_start3A_69 = arith.constant 0 : i32
          %dma_start3A_70 = tpu.memref_slice %arg5[%arg0, %mul3A_65, %dma_start3A_69] : memref<2x10000x128xf32, #tpu.memory_space<hbm>> -> memref<1x16x128xf32, #tpu.memory_space<hbm>>
          %dma_start3A_71 = tpu.memref_squeeze %dma_start3A_70 : memref<1x16x128xf32, #tpu.memory_space<hbm>> -> memref<16x128xf32, #tpu.memory_space<hbm>>
          tpu.enqueue_dma source(%arg12 : memref<16x128xf32, #tpu.memory_space<vmem>>) target(%dma_start3A_71 : memref<16x128xf32, #tpu.memory_space<hbm>>) target_semaphore(%run_scoped3A : memref<!tpu.dma_semaphore, #tpu.memory_space<semaphore_mem>>)
          %dma_wait3A = arith.constant 0 : i32
          %dma_wait3A_72 = tpu.memref_slice %arg5[%arg0, %mul3A_65, %dma_wait3A] : memref<2x10000x128xf32, #tpu.memory_space<hbm>> -> memref<1x16x128xf32, #tpu.memory_space<hbm>>
          %dma_wait3A_73 = tpu.memref_squeeze %dma_wait3A_72 : memref<1x16x128xf32, #tpu.memory_space<hbm>> -> memref<16x128xf32, #tpu.memory_space<hbm>>
          %dma_wait3A_74 = arith.constant 0 : i32
          %dma_wait3A_75 = tpu.memref_slice %arg5[%arg0, %mul3A_65, %dma_wait3A_74] : memref<2x10000x128xf32, #tpu.memory_space<hbm>> -> memref<1x16x128xf32, #tpu.memory_space<hbm>>
          %dma_wait3A_76 = tpu.memref_squeeze %dma_wait3A_75 : memref<1x16x128xf32, #tpu.memory_space<hbm>> -> memref<16x128xf32, #tpu.memory_space<hbm>>
          tpu.wait_dma2 semaphore(%run_scoped3A : memref<!tpu.dma_semaphore, #tpu.memory_space<semaphore_mem>>) src(%arg12 : memref<16x128xf32, #tpu.memory_space<vmem>>) dst(%dma_wait3A_76 : memref<16x128xf32, #tpu.memory_space<hbm>>)
          tpu.yield
        }) : () -> ()
      } else {
      }
    }
    %scan3A_55 = arith.constant 40 : i32
    return
  }
}

#map = affine_map<(d0, d1) -> (0, 0)>
#map1 = affine_map<(d0, d1) -> (0, 0, 0, 0)>
#map2 = affine_map<(d0, d1) -> (0, 0, 0)>
module attributes {stable_mosaic.version = 14 : i64} {
  func.func @agg(%arg0: i32, %arg1: i32, %arg2: memref<10000x128xf32, #tpu.memory_space<hbm>>, %arg3: memref<32x4x40x64xi32, #tpu.memory_space<hbm>>, %arg4: memref<32x4x40x64xi32, #tpu.memory_space<hbm>>, %arg5: memref<2x10000x128xf32, #tpu.memory_space<hbm>>, %arg6: memref<2x40x64xi32, #tpu.memory_space<vmem>>, %arg7: memref<1x40x64xi32, #tpu.memory_space<vmem>>, %arg8: memref<64x128xf32, #tpu.memory_space<vmem>>, %arg9: memref<64x128xf32, #tpu.memory_space<vmem>>, %arg10: memref<64x128xf32, #tpu.memory_space<vmem>>, %arg11: memref<64x128xf32, #tpu.memory_space<vmem>>, %arg12: memref<16x128xf32, #tpu.memory_space<vmem>>, %arg13: memref<10064x128xf32, #tpu.memory_space<vmem_shared>>, %arg14: memref<!tpu.dma_semaphore, #tpu.memory_space<semaphore_mem>>, %arg15: memref<!tpu.dma_semaphore, #tpu.memory_space<semaphore_mem>>, %arg16: memref<!tpu.dma_semaphore, #tpu.memory_space<semaphore_mem>>, %arg17: memref<!tpu.dma_semaphore, #tpu.memory_space<semaphore_mem>>) attributes {dimension_semantics = [#tpu.dimension_semantics<core_parallel>, #tpu.dimension_semantics<subcore_parallel>], iteration_bounds = array<i64: 2, 16>, scalar_prefetch = 0 : i64, scratch_operands = 12 : i64, tpu.core_type = #tpu.core_type<sc_vector_subcore>, window_params = [{transform_indices = #map}, {transform_indices = #map1}, {transform_indices = #map1}, {transform_indices = #map2}]} {
    %mul3A = arith.constant 2 : i32
    %mul3A_0 = arith.muli %arg1, %mul3A : i32
    %add3A = arith.addi %mul3A_0, %arg0 : i32
    %scan3A = arith.constant 0 : i32
    %scan3A_1 = arith.constant 0 : i32
    %scan3A_2 = arith.constant 16 : i32
    %scan3A_3 = arith.addi %scan3A_1, %scan3A_2 : i32
    %scan3A_4 = arith.constant 1 : i32
    scf.for %scan3A_56 = %scan3A_1 to %scan3A_3 step %scan3A_4  : i32 {
      %broadcast_in_dim3A = arith.constant 0.000000e+00 : f32
      %broadcast_in_dim3A_57 = vector.broadcast %broadcast_in_dim3A : f32 to vector<16xf32>
      %swap3A = arith.index_cast %scan3A_56 : i32 to index
      %swap3A_58 = arith.constant 0 : index
      %swap3A_59 = tpu.vector_load %arg12[%swap3A, %swap3A_58] {strides = array<i32>} : memref<16x128xf32, #tpu.memory_space<vmem>>, vector<1x16xf32>,
      %swap3A_60 = vector.shape_cast %swap3A_59 : vector<1x16xf32> to vector<16xf32>
      %swap3A_61 = vector.shape_cast %broadcast_in_dim3A_57 : vector<16xf32> to vector<1x16xf32>
      tpu.vector_store %arg12[%swap3A, %swap3A_58], %swap3A_61 {strides = array<i32>} : memref<16x128xf32, #tpu.memory_space<vmem>>, vector<1x16xf32>,
      %broadcast_in_dim3A_62 = arith.constant 0.000000e+00 : f32
      %broadcast_in_dim3A_63 = vector.broadcast %broadcast_in_dim3A_62 : f32 to vector<16xf32>
      %swap3A_64 = arith.index_cast %scan3A_56 : i32 to index
      %swap3A_65 = arith.constant 16 : index
      %swap3A_66 = tpu.vector_load %arg12[%swap3A_64, %swap3A_65] {strides = array<i32>} : memref<16x128xf32, #tpu.memory_space<vmem>>, vector<1x16xf32>,
      %swap3A_67 = vector.shape_cast %swap3A_66 : vector<1x16xf32> to vector<16xf32>
      %swap3A_68 = vector.shape_cast %broadcast_in_dim3A_63 : vector<16xf32> to vector<1x16xf32>
      tpu.vector_store %arg12[%swap3A_64, %swap3A_65], %swap3A_68 {strides = array<i32>} : memref<16x128xf32, #tpu.memory_space<vmem>>, vector<1x16xf32>,
      %broadcast_in_dim3A_69 = arith.constant 0.000000e+00 : f32
      %broadcast_in_dim3A_70 = vector.broadcast %broadcast_in_dim3A_69 : f32 to vector<16xf32>
      %swap3A_71 = arith.index_cast %scan3A_56 : i32 to index
      %swap3A_72 = arith.constant 32 : index
      %swap3A_73 = tpu.vector_load %arg12[%swap3A_71, %swap3A_72] {strides = array<i32>} : memref<16x128xf32, #tpu.memory_space<vmem>>, vector<1x16xf32>,
      %swap3A_74 = vector.shape_cast %swap3A_73 : vector<1x16xf32> to vector<16xf32>
      %swap3A_75 = vector.shape_cast %broadcast_in_dim3A_70 : vector<16xf32> to vector<1x16xf32>
      tpu.vector_store %arg12[%swap3A_71, %swap3A_72], %swap3A_75 {strides = array<i32>} : memref<16x128xf32, #tpu.memory_space<vmem>>, vector<1x16xf32>,
      %broadcast_in_dim3A_76 = arith.constant 0.000000e+00 : f32
      %broadcast_in_dim3A_77 = vector.broadcast %broadcast_in_dim3A_76 : f32 to vector<16xf32>
      %swap3A_78 = arith.index_cast %scan3A_56 : i32 to index
      %swap3A_79 = arith.constant 48 : index
      %swap3A_80 = tpu.vector_load %arg12[%swap3A_78, %swap3A_79] {strides = array<i32>} : memref<16x128xf32, #tpu.memory_space<vmem>>, vector<1x16xf32>,
      %swap3A_81 = vector.shape_cast %swap3A_80 : vector<1x16xf32> to vector<16xf32>
      %swap3A_82 = vector.shape_cast %broadcast_in_dim3A_77 : vector<16xf32> to vector<1x16xf32>
      tpu.vector_store %arg12[%swap3A_78, %swap3A_79], %swap3A_82 {strides = array<i32>} : memref<16x128xf32, #tpu.memory_space<vmem>>, vector<1x16xf32>,
      %broadcast_in_dim3A_83 = arith.constant 0.000000e+00 : f32
      %broadcast_in_dim3A_84 = vector.broadcast %broadcast_in_dim3A_83 : f32 to vector<16xf32>
      %swap3A_85 = arith.index_cast %scan3A_56 : i32 to index
      %swap3A_86 = arith.constant 64 : index
      %swap3A_87 = tpu.vector_load %arg12[%swap3A_85, %swap3A_86] {strides = array<i32>} : memref<16x128xf32, #tpu.memory_space<vmem>>, vector<1x16xf32>,
      %swap3A_88 = vector.shape_cast %swap3A_87 : vector<1x16xf32> to vector<16xf32>
      %swap3A_89 = vector.shape_cast %broadcast_in_dim3A_84 : vector<16xf32> to vector<1x16xf32>
      tpu.vector_store %arg12[%swap3A_85, %swap3A_86], %swap3A_89 {strides = array<i32>} : memref<16x128xf32, #tpu.memory_space<vmem>>, vector<1x16xf32>,
      %broadcast_in_dim3A_90 = arith.constant 0.000000e+00 : f32
      %broadcast_in_dim3A_91 = vector.broadcast %broadcast_in_dim3A_90 : f32 to vector<16xf32>
      %swap3A_92 = arith.index_cast %scan3A_56 : i32 to index
      %swap3A_93 = arith.constant 80 : index
      %swap3A_94 = tpu.vector_load %arg12[%swap3A_92, %swap3A_93] {strides = array<i32>} : memref<16x128xf32, #tpu.memory_space<vmem>>, vector<1x16xf32>,
      %swap3A_95 = vector.shape_cast %swap3A_94 : vector<1x16xf32> to vector<16xf32>
      %swap3A_96 = vector.shape_cast %broadcast_in_dim3A_91 : vector<16xf32> to vector<1x16xf32>
      tpu.vector_store %arg12[%swap3A_92, %swap3A_93], %swap3A_96 {strides = array<i32>} : memref<16x128xf32, #tpu.memory_space<vmem>>, vector<1x16xf32>,
      %broadcast_in_dim3A_97 = arith.constant 0.000000e+00 : f32
      %broadcast_in_dim3A_98 = vector.broadcast %broadcast_in_dim3A_97 : f32 to vector<16xf32>
      %swap3A_99 = arith.index_cast %scan3A_56 : i32 to index
      %swap3A_100 = arith.constant 96 : index
      %swap3A_101 = tpu.vector_load %arg12[%swap3A_99, %swap3A_100] {strides = array<i32>} : memref<16x128xf32, #tpu.memory_space<vmem>>, vector<1x16xf32>,
      %swap3A_102 = vector.shape_cast %swap3A_101 : vector<1x16xf32> to vector<16xf32>
      %swap3A_103 = vector.shape_cast %broadcast_in_dim3A_98 : vector<16xf32> to vector<1x16xf32>
      tpu.vector_store %arg12[%swap3A_99, %swap3A_100], %swap3A_103 {strides = array<i32>} : memref<16x128xf32, #tpu.memory_space<vmem>>, vector<1x16xf32>,
      %broadcast_in_dim3A_104 = arith.constant 0.000000e+00 : f32
      %broadcast_in_dim3A_105 = vector.broadcast %broadcast_in_dim3A_104 : f32 to vector<16xf32>
      %swap3A_106 = arith.index_cast %scan3A_56 : i32 to index
      %swap3A_107 = arith.constant 112 : index
      %swap3A_108 = tpu.vector_load %arg12[%swap3A_106, %swap3A_107] {strides = array<i32>} : memref<16x128xf32, #tpu.memory_space<vmem>>, vector<1x16xf32>,
      %swap3A_109 = vector.shape_cast %swap3A_108 : vector<1x16xf32> to vector<16xf32>
      %swap3A_110 = vector.shape_cast %broadcast_in_dim3A_105 : vector<16xf32> to vector<1x16xf32>
      tpu.vector_store %arg12[%swap3A_106, %swap3A_107], %swap3A_110 {strides = array<i32>} : memref<16x128xf32, #tpu.memory_space<vmem>>, vector<1x16xf32>,
    }
    %scan3A_5 = arith.constant 16 : i32
    %scan3A_6 = arith.constant 0 : i32
    %scan3A_7 = arith.constant 0 : i32
    %scan3A_8 = arith.constant 40 : i32
    %scan3A_9 = arith.addi %scan3A_7, %scan3A_8 : i32
    %scan3A_10 = arith.constant 1 : i32
    scf.for %scan3A_56 = %scan3A_7 to %scan3A_9 step %scan3A_10  : i32 {
      %mul3A_57 = arith.constant 16 : i32
      %mul3A_58 = arith.muli %scan3A_56, %mul3A_57 : i32
      %add3A_59 = arith.addi %arg1, %mul3A_58 : i32
      %lt3A = arith.constant 625 : i32
      %lt3A_60 = arith.cmpi slt, %add3A_59, %lt3A : i32
      %convert_element_type3A = arith.extui %lt3A_60 : i1 to i32
      %cond3A = arith.constant 0 : i32
      %cond3A_61 = arith.cmpi ne, %convert_element_type3A, %cond3A : i32
      scf.if %cond3A_61 {
        %mul3A_62 = arith.constant 16 : i32
        %mul3A_63 = arith.muli %add3A_59, %mul3A_62 : i32
        "tpu.region"() ({
          %run_scoped3A = tpu.sem_alloc : memref<!tpu.dma_semaphore, #tpu.memory_space<semaphore_mem>>
          %dma_start3A_64 = arith.constant 0 : i32
          %dma_start3A_65 = tpu.memref_slice %arg13[%mul3A_63, %dma_start3A_64] : memref<10064x128xf32, #tpu.memory_space<vmem_shared>> -> memref<16x128xf32, #tpu.memory_space<vmem_shared>>
          %dma_start3A_66 = arith.constant 0 : i32
          %dma_start3A_67 = tpu.memref_slice %arg13[%mul3A_63, %dma_start3A_66] : memref<10064x128xf32, #tpu.memory_space<vmem_shared>> -> memref<16x128xf32, #tpu.memory_space<vmem_shared>>
          tpu.enqueue_dma source(%arg12 : memref<16x128xf32, #tpu.memory_space<vmem>>) target(%dma_start3A_67 : memref<16x128xf32, #tpu.memory_space<vmem_shared>>) target_semaphore(%run_scoped3A : memref<!tpu.dma_semaphore, #tpu.memory_space<semaphore_mem>>)
          %dma_wait3A = arith.constant 0 : i32
          %dma_wait3A_68 = tpu.memref_slice %arg13[%mul3A_63, %dma_wait3A] : memref<10064x128xf32, #tpu.memory_space<vmem_shared>> -> memref<16x128xf32, #tpu.memory_space<vmem_shared>>
          %dma_wait3A_69 = arith.constant 0 : i32
          %dma_wait3A_70 = tpu.memref_slice %arg13[%mul3A_63, %dma_wait3A_69] : memref<10064x128xf32, #tpu.memory_space<vmem_shared>> -> memref<16x128xf32, #tpu.memory_space<vmem_shared>>
          tpu.wait_dma2 semaphore(%run_scoped3A : memref<!tpu.dma_semaphore, #tpu.memory_space<semaphore_mem>>) src(%arg12 : memref<16x128xf32, #tpu.memory_space<vmem>>) dst(%dma_wait3A_70 : memref<16x128xf32, #tpu.memory_space<vmem_shared>>)
          tpu.yield
        }) : () -> ()
      } else {
      }
    }
    %scan3A_11 = arith.constant 40 : i32
    "tpu.region"() ({
      %run_scoped3A = tpu.sem_alloc : memref<!tpu.dma_semaphore, #tpu.memory_space<semaphore_mem>>
      %dma_start3A_56 = arith.constant 0 : i32
      %dma_start3A_57 = arith.constant 0 : i32
      %dma_start3A_58 = arith.constant 0 : i32
      %dma_start3A_59 = tpu.memref_slice %arg6[%dma_start3A_56, %dma_start3A_57, %dma_start3A_58] : memref<2x40x64xi32, #tpu.memory_space<vmem>> -> memref<1x40x64xi32, #tpu.memory_space<vmem>>
      %dma_start3A_60 = arith.constant 0 : i32
      %dma_start3A_61 = arith.constant 0 : i32
      %dma_start3A_62 = arith.constant 0 : i32
      %dma_start3A_63 = tpu.memref_slice %arg3[%add3A, %dma_start3A_60, %dma_start3A_61, %dma_start3A_62] : memref<32x4x40x64xi32, #tpu.memory_space<hbm>> -> memref<1x1x40x64xi32, #tpu.memory_space<hbm>>
      %dma_start3A_64 = tpu.memref_squeeze %dma_start3A_63 : memref<1x1x40x64xi32, #tpu.memory_space<hbm>> -> memref<1x40x64xi32, #tpu.memory_space<hbm>>
      %dma_start3A_65 = arith.constant 0 : i32
      %dma_start3A_66 = arith.constant 0 : i32
      %dma_start3A_67 = arith.constant 0 : i32
      %dma_start3A_68 = tpu.memref_slice %arg6[%dma_start3A_65, %dma_start3A_66, %dma_start3A_67] : memref<2x40x64xi32, #tpu.memory_space<vmem>> -> memref<1x40x64xi32, #tpu.memory_space<vmem>>
      %dma_start3A_69 = arith.constant 0 : i32
      %dma_start3A_70 = arith.constant 0 : i32
      %dma_start3A_71 = arith.constant 0 : i32
      %dma_start3A_72 = tpu.memref_slice %arg3[%add3A, %dma_start3A_69, %dma_start3A_70, %dma_start3A_71] : memref<32x4x40x64xi32, #tpu.memory_space<hbm>> -> memref<1x1x40x64xi32, #tpu.memory_space<hbm>>
      %dma_start3A_73 = tpu.memref_squeeze %dma_start3A_72 : memref<1x1x40x64xi32, #tpu.memory_space<hbm>> -> memref<1x40x64xi32, #tpu.memory_space<hbm>>
      tpu.enqueue_dma source(%dma_start3A_73 : memref<1x40x64xi32, #tpu.memory_space<hbm>>) target(%dma_start3A_68 : memref<1x40x64xi32, #tpu.memory_space<vmem>>) target_semaphore(%run_scoped3A : memref<!tpu.dma_semaphore, #tpu.memory_space<semaphore_mem>>)
      %dma_wait3A = arith.constant 0 : i32
      %dma_wait3A_74 = arith.constant 0 : i32
      %dma_wait3A_75 = arith.constant 0 : i32
      %dma_wait3A_76 = tpu.memref_slice %arg6[%dma_wait3A, %dma_wait3A_74, %dma_wait3A_75] : memref<2x40x64xi32, #tpu.memory_space<vmem>> -> memref<1x40x64xi32, #tpu.memory_space<vmem>>
      %dma_wait3A_77 = arith.constant 0 : i32
      %dma_wait3A_78 = arith.constant 0 : i32
      %dma_wait3A_79 = arith.constant 0 : i32
      %dma_wait3A_80 = tpu.memref_slice %arg3[%add3A, %dma_wait3A_77, %dma_wait3A_78, %dma_wait3A_79] : memref<32x4x40x64xi32, #tpu.memory_space<hbm>> -> memref<1x1x40x64xi32, #tpu.memory_space<hbm>>
      %dma_wait3A_81 = tpu.memref_squeeze %dma_wait3A_80 : memref<1x1x40x64xi32, #tpu.memory_space<hbm>> -> memref<1x40x64xi32, #tpu.memory_space<hbm>>
      %dma_wait3A_82 = arith.constant 0 : i32
      %dma_wait3A_83 = arith.constant 0 : i32
      %dma_wait3A_84 = arith.constant 0 : i32
      %dma_wait3A_85 = tpu.memref_slice %arg6[%dma_wait3A_82, %dma_wait3A_83, %dma_wait3A_84] : memref<2x40x64xi32, #tpu.memory_space<vmem>> -> memref<1x40x64xi32, #tpu.memory_space<vmem>>
      %dma_wait3A_86 = arith.constant 0 : i32
      %dma_wait3A_87 = arith.constant 0 : i32
      %dma_wait3A_88 = arith.constant 0 : i32
      %dma_wait3A_89 = tpu.memref_slice %arg3[%add3A, %dma_wait3A_86, %dma_wait3A_87, %dma_wait3A_88] : memref<32x4x40x64xi32, #tpu.memory_space<hbm>> -> memref<1x1x40x64xi32, #tpu.memory_space<hbm>>
      %dma_wait3A_90 = tpu.memref_squeeze %dma_wait3A_89 : memref<1x1x40x64xi32, #tpu.memory_space<hbm>> -> memref<1x40x64xi32, #tpu.memory_space<hbm>>
      tpu.wait_dma2 semaphore(%run_scoped3A : memref<!tpu.dma_semaphore, #tpu.memory_space<semaphore_mem>>) src(%dma_wait3A_90 : memref<1x40x64xi32, #tpu.memory_space<hbm>>) dst(%dma_wait3A_85 : memref<1x40x64xi32, #tpu.memory_space<vmem>>)
      tpu.yield
    }) : () -> ()
    %dma_start3A = arith.constant 0 : i32
    %dma_start3A_12 = arith.constant 0 : i32
    %dma_start3A_13 = arith.constant 0 : i32
    %dma_start3A_14 = tpu.memref_slice %arg6[%dma_start3A, %dma_start3A_12, %dma_start3A_13] : memref<2x40x64xi32, #tpu.memory_space<vmem>> -> memref<1x1x64xi32, #tpu.memory_space<vmem>>
    %dma_start3A_15 = tpu.memref_squeeze %dma_start3A_14 : memref<1x1x64xi32, #tpu.memory_space<vmem>> -> memref<64xi32, #tpu.memory_space<vmem>>
    %dma_start3A_16 = arith.constant 0 : i32
    %dma_start3A_17 = arith.constant 0 : i32
    %dma_start3A_18 = tpu.memref_slice %arg2[%dma_start3A_16, %dma_start3A_17] : memref<10000x128xf32, #tpu.memory_space<hbm>> -> memref<10000x128xf32, #tpu.memory_space<hbm>>
    tpu.enqueue_indirect_dma source(%dma_start3A_18 : memref<10000x128xf32, #tpu.memory_space<hbm>>) target(%arg8 : memref<64x128xf32, #tpu.memory_space<vmem>>) offsets(%dma_start3A_15 : memref<64xi32, #tpu.memory_space<vmem>>) semaphore(%arg14 : memref<!tpu.dma_semaphore, #tpu.memory_space<semaphore_mem>>)
    %dma_start3A_19 = arith.constant 0 : i32
    %dma_start3A_20 = arith.constant 1 : i32
    %dma_start3A_21 = arith.constant 0 : i32
    %dma_start3A_22 = tpu.memref_slice %arg6[%dma_start3A_19, %dma_start3A_20, %dma_start3A_21] : memref<2x40x64xi32, #tpu.memory_space<vmem>> -> memref<1x1x64xi32, #tpu.memory_space<vmem>>
    %dma_start3A_23 = tpu.memref_squeeze %dma_start3A_22 : memref<1x1x64xi32, #tpu.memory_space<vmem>> -> memref<64xi32, #tpu.memory_space<vmem>>
    %dma_start3A_24 = arith.constant 0 : i32
    %dma_start3A_25 = arith.constant 0 : i32
    %dma_start3A_26 = tpu.memref_slice %arg2[%dma_start3A_24, %dma_start3A_25] : memref<10000x128xf32, #tpu.memory_space<hbm>> -> memref<10000x128xf32, #tpu.memory_space<hbm>>
    tpu.enqueue_indirect_dma source(%dma_start3A_26 : memref<10000x128xf32, #tpu.memory_space<hbm>>) target(%arg9 : memref<64x128xf32, #tpu.memory_space<vmem>>) offsets(%dma_start3A_23 : memref<64xi32, #tpu.memory_space<vmem>>) semaphore(%arg15 : memref<!tpu.dma_semaphore, #tpu.memory_space<semaphore_mem>>)
    %dma_start3A_27 = arith.constant 0 : i32
    %dma_start3A_28 = arith.constant 2 : i32
    %dma_start3A_29 = arith.constant 0 : i32
    %dma_start3A_30 = tpu.memref_slice %arg6[%dma_start3A_27, %dma_start3A_28, %dma_start3A_29] : memref<2x40x64xi32, #tpu.memory_space<vmem>> -> memref<1x1x64xi32, #tpu.memory_space<vmem>>
    %dma_start3A_31 = tpu.memref_squeeze %dma_start3A_30 : memref<1x1x64xi32, #tpu.memory_space<vmem>> -> memref<64xi32, #tpu.memory_space<vmem>>
    %dma_start3A_32 = arith.constant 0 : i32
    %dma_start3A_33 = arith.constant 0 : i32
    %dma_start3A_34 = tpu.memref_slice %arg2[%dma_start3A_32, %dma_start3A_33] : memref<10000x128xf32, #tpu.memory_space<hbm>> -> memref<10000x128xf32, #tpu.memory_space<hbm>>
    tpu.enqueue_indirect_dma source(%dma_start3A_34 : memref<10000x128xf32, #tpu.memory_space<hbm>>) target(%arg10 : memref<64x128xf32, #tpu.memory_space<vmem>>) offsets(%dma_start3A_31 : memref<64xi32, #tpu.memory_space<vmem>>) semaphore(%arg16 : memref<!tpu.dma_semaphore, #tpu.memory_space<semaphore_mem>>)
    %dma_start3A_35 = arith.constant 0 : i32
    %dma_start3A_36 = arith.constant 3 : i32
    %dma_start3A_37 = arith.constant 0 : i32
    %dma_start3A_38 = tpu.memref_slice %arg6[%dma_start3A_35, %dma_start3A_36, %dma_start3A_37] : memref<2x40x64xi32, #tpu.memory_space<vmem>> -> memref<1x1x64xi32, #tpu.memory_space<vmem>>
    %dma_start3A_39 = tpu.memref_squeeze %dma_start3A_38 : memref<1x1x64xi32, #tpu.memory_space<vmem>> -> memref<64xi32, #tpu.memory_space<vmem>>
    %dma_start3A_40 = arith.constant 0 : i32
    %dma_start3A_41 = arith.constant 0 : i32
    %dma_start3A_42 = tpu.memref_slice %arg2[%dma_start3A_40, %dma_start3A_41] : memref<10000x128xf32, #tpu.memory_space<hbm>> -> memref<10000x128xf32, #tpu.memory_space<hbm>>
    tpu.enqueue_indirect_dma source(%dma_start3A_42 : memref<10000x128xf32, #tpu.memory_space<hbm>>) target(%arg11 : memref<64x128xf32, #tpu.memory_space<vmem>>) offsets(%dma_start3A_39 : memref<64xi32, #tpu.memory_space<vmem>>) semaphore(%arg17 : memref<!tpu.dma_semaphore, #tpu.memory_space<semaphore_mem>>)
    %barrier3A = arith.constant 0 : index
    tpu.barrier barrier_id(%barrier3A)
    %scan3A_43 = arith.constant 0 : i32
    %scan3A_44 = arith.constant 0 : i32
    %scan3A_45 = arith.constant 4 : i32
    %scan3A_46 = arith.addi %scan3A_44, %scan3A_45 : i32
    %scan3A_47 = arith.constant 1 : i32
    scf.for %scan3A_56 = %scan3A_44 to %scan3A_46 step %scan3A_47  : i32 {
      %rem3A = arith.constant 2 : i32
      %rem3A_57 = arith.remsi %scan3A_56, %rem3A : i32
      "tpu.region"() ({
        %run_scoped3A_120 = tpu.sem_alloc : memref<!tpu.dma_semaphore, #tpu.memory_space<semaphore_mem>>
        %dma_start3A_121 = arith.constant 0 : i32
        %dma_start3A_122 = arith.constant 0 : i32
        %dma_start3A_123 = tpu.memref_slice %arg4[%add3A, %scan3A_56, %dma_start3A_121, %dma_start3A_122] : memref<32x4x40x64xi32, #tpu.memory_space<hbm>> -> memref<1x1x40x64xi32, #tpu.memory_space<hbm>>
        %dma_start3A_124 = tpu.memref_squeeze %dma_start3A_123 : memref<1x1x40x64xi32, #tpu.memory_space<hbm>> -> memref<1x40x64xi32, #tpu.memory_space<hbm>>
        %dma_start3A_125 = arith.constant 0 : i32
        %dma_start3A_126 = arith.constant 0 : i32
        %dma_start3A_127 = tpu.memref_slice %arg4[%add3A, %scan3A_56, %dma_start3A_125, %dma_start3A_126] : memref<32x4x40x64xi32, #tpu.memory_space<hbm>> -> memref<1x1x40x64xi32, #tpu.memory_space<hbm>>
        %dma_start3A_128 = tpu.memref_squeeze %dma_start3A_127 : memref<1x1x40x64xi32, #tpu.memory_space<hbm>> -> memref<1x40x64xi32, #tpu.memory_space<hbm>>
        tpu.enqueue_dma source(%dma_start3A_128 : memref<1x40x64xi32, #tpu.memory_space<hbm>>) target(%arg7 : memref<1x40x64xi32, #tpu.memory_space<vmem>>) target_semaphore(%run_scoped3A_120 : memref<!tpu.dma_semaphore, #tpu.memory_space<semaphore_mem>>)
        %dma_wait3A_129 = arith.constant 0 : i32
        %dma_wait3A_130 = arith.constant 0 : i32
        %dma_wait3A_131 = tpu.memref_slice %arg4[%add3A, %scan3A_56, %dma_wait3A_129, %dma_wait3A_130] : memref<32x4x40x64xi32, #tpu.memory_space<hbm>> -> memref<1x1x40x64xi32, #tpu.memory_space<hbm>>
        %dma_wait3A_132 = tpu.memref_squeeze %dma_wait3A_131 : memref<1x1x40x64xi32, #tpu.memory_space<hbm>> -> memref<1x40x64xi32, #tpu.memory_space<hbm>>
        %dma_wait3A_133 = arith.constant 0 : i32
        %dma_wait3A_134 = arith.constant 0 : i32
        %dma_wait3A_135 = tpu.memref_slice %arg4[%add3A, %scan3A_56, %dma_wait3A_133, %dma_wait3A_134] : memref<32x4x40x64xi32, #tpu.memory_space<hbm>> -> memref<1x1x40x64xi32, #tpu.memory_space<hbm>>
        %dma_wait3A_136 = tpu.memref_squeeze %dma_wait3A_135 : memref<1x1x40x64xi32, #tpu.memory_space<hbm>> -> memref<1x40x64xi32, #tpu.memory_space<hbm>>
        tpu.wait_dma2 semaphore(%run_scoped3A_120 : memref<!tpu.dma_semaphore, #tpu.memory_space<semaphore_mem>>) src(%dma_wait3A_136 : memref<1x40x64xi32, #tpu.memory_space<hbm>>) dst(%arg7 : memref<1x40x64xi32, #tpu.memory_space<vmem>>)
        tpu.yield
      }) : () -> ()
      %scan3A_58 = arith.constant 0 : i32
      %scan3A_59 = arith.constant 0 : i32
      %scan3A_60 = arith.constant 9 : i32
      %scan3A_61 = arith.addi %scan3A_59, %scan3A_60 : i32
      %scan3A_62 = arith.constant 1 : i32
      scf.for %scan3A_120 = %scan3A_59 to %scan3A_61 step %scan3A_62  : i32 {
        %mul3A_121 = arith.constant 4 : i32
        %mul3A_122 = arith.muli %mul3A_121, %scan3A_120 : i32
        %add3A_123 = arith.constant 0 : i32
        %add3A_124 = arith.addi %mul3A_122, %add3A_123 : i32
        %dma_wait3A_125 = arith.constant 0 : i32
        %dma_wait3A_126 = tpu.memref_slice %arg6[%rem3A_57, %add3A_124, %dma_wait3A_125] : memref<2x40x64xi32, #tpu.memory_space<vmem>> -> memref<1x1x64xi32, #tpu.memory_space<vmem>>
        %dma_wait3A_127 = tpu.memref_squeeze %dma_wait3A_126 : memref<1x1x64xi32, #tpu.memory_space<vmem>> -> memref<64xi32, #tpu.memory_space<vmem>>
        %dma_wait3A_128 = arith.constant 0 : i32
        %dma_wait3A_129 = arith.constant 0 : i32
        %dma_wait3A_130 = tpu.memref_slice %arg2[%dma_wait3A_128, %dma_wait3A_129] : memref<10000x128xf32, #tpu.memory_space<hbm>> -> memref<10000x128xf32, #tpu.memory_space<hbm>>
        tpu.wait_indirect_dma semaphore(%arg14 : memref<!tpu.dma_semaphore, #tpu.memory_space<semaphore_mem>>) src(%dma_wait3A_130 : memref<10000x128xf32, #tpu.memory_space<hbm>>) dst(%arg8 : memref<64x128xf32, #tpu.memory_space<vmem>>)
        %run_scoped3A_131 = arith.constant 0 : i32
        "tpu.region"() ({
          %run_scoped3A_197 = tpu.sem_alloc : memref<!tpu.dma_semaphore, #tpu.memory_space<semaphore_mem>>
          %dma_start3A_198 = arith.constant 0 : i32
          %dma_start3A_199 = tpu.memref_slice %arg7[%run_scoped3A_131, %add3A_124, %dma_start3A_198] : memref<1x40x64xi32, #tpu.memory_space<vmem>> -> memref<1x1x64xi32, #tpu.memory_space<vmem>>
          %dma_start3A_200 = tpu.memref_squeeze %dma_start3A_199 : memref<1x1x64xi32, #tpu.memory_space<vmem>> -> memref<64xi32, #tpu.memory_space<vmem>>
          %dma_start3A_201 = arith.constant 0 : i32
          %dma_start3A_202 = arith.constant 0 : i32
          %dma_start3A_203 = tpu.memref_slice %arg13[%dma_start3A_201, %dma_start3A_202] : memref<10064x128xf32, #tpu.memory_space<vmem_shared>> -> memref<10064x128xf32, #tpu.memory_space<vmem_shared>>
          tpu.enqueue_indirect_dma source(%arg8 : memref<64x128xf32, #tpu.memory_space<vmem>>) target(%dma_start3A_203 : memref<10064x128xf32, #tpu.memory_space<vmem_shared>>) offsets(%dma_start3A_200 : memref<64xi32, #tpu.memory_space<vmem>>) semaphore(%run_scoped3A_197 : memref<!tpu.dma_semaphore, #tpu.memory_space<semaphore_mem>>) {add = true}
          %dma_wait3A_204 = arith.constant 0 : i32
          %dma_wait3A_205 = tpu.memref_slice %arg7[%run_scoped3A_131, %add3A_124, %dma_wait3A_204] : memref<1x40x64xi32, #tpu.memory_space<vmem>> -> memref<1x1x64xi32, #tpu.memory_space<vmem>>
          %dma_wait3A_206 = tpu.memref_squeeze %dma_wait3A_205 : memref<1x1x64xi32, #tpu.memory_space<vmem>> -> memref<64xi32, #tpu.memory_space<vmem>>
          %dma_wait3A_207 = arith.constant 0 : i32
          %dma_wait3A_208 = arith.constant 0 : i32
          %dma_wait3A_209 = tpu.memref_slice %arg13[%dma_wait3A_207, %dma_wait3A_208] : memref<10064x128xf32, #tpu.memory_space<vmem_shared>> -> memref<10064x128xf32, #tpu.memory_space<vmem_shared>>
          tpu.wait_indirect_dma semaphore(%run_scoped3A_197 : memref<!tpu.dma_semaphore, #tpu.memory_space<semaphore_mem>>) src(%arg8 : memref<64x128xf32, #tpu.memory_space<vmem>>) dst(%dma_wait3A_209 : memref<10064x128xf32, #tpu.memory_space<vmem_shared>>)
          tpu.yield
        }) : () -> ()
        %add3A_132 = arith.constant 4 : i32
        %add3A_133 = arith.addi %add3A_124, %add3A_132 : i32
        %dma_start3A_134 = arith.constant 0 : i32
        %dma_start3A_135 = tpu.memref_slice %arg6[%rem3A_57, %add3A_133, %dma_start3A_134] : memref<2x40x64xi32, #tpu.memory_space<vmem>> -> memref<1x1x64xi32, #tpu.memory_space<vmem>>
        %dma_start3A_136 = tpu.memref_squeeze %dma_start3A_135 : memref<1x1x64xi32, #tpu.memory_space<vmem>> -> memref<64xi32, #tpu.memory_space<vmem>>
        %dma_start3A_137 = arith.constant 0 : i32
        %dma_start3A_138 = arith.constant 0 : i32
        %dma_start3A_139 = tpu.memref_slice %arg2[%dma_start3A_137, %dma_start3A_138] : memref<10000x128xf32, #tpu.memory_space<hbm>> -> memref<10000x128xf32, #tpu.memory_space<hbm>>
        tpu.enqueue_indirect_dma source(%dma_start3A_139 : memref<10000x128xf32, #tpu.memory_space<hbm>>) target(%arg8 : memref<64x128xf32, #tpu.memory_space<vmem>>) offsets(%dma_start3A_136 : memref<64xi32, #tpu.memory_space<vmem>>) semaphore(%arg14 : memref<!tpu.dma_semaphore, #tpu.memory_space<semaphore_mem>>)
        %mul3A_140 = arith.constant 4 : i32
        %mul3A_141 = arith.muli %mul3A_140, %scan3A_120 : i32
        %add3A_142 = arith.constant 1 : i32
        %add3A_143 = arith.addi %mul3A_141, %add3A_142 : i32
        %dma_wait3A_144 = arith.constant 0 : i32
        %dma_wait3A_145 = tpu.memref_slice %arg6[%rem3A_57, %add3A_143, %dma_wait3A_144] : memref<2x40x64xi32, #tpu.memory_space<vmem>> -> memref<1x1x64xi32, #tpu.memory_space<vmem>>
        %dma_wait3A_146 = tpu.memref_squeeze %dma_wait3A_145 : memref<1x1x64xi32, #tpu.memory_space<vmem>> -> memref<64xi32, #tpu.memory_space<vmem>>
        %dma_wait3A_147 = arith.constant 0 : i32
        %dma_wait3A_148 = arith.constant 0 : i32
        %dma_wait3A_149 = tpu.memref_slice %arg2[%dma_wait3A_147, %dma_wait3A_148] : memref<10000x128xf32, #tpu.memory_space<hbm>> -> memref<10000x128xf32, #tpu.memory_space<hbm>>
        tpu.wait_indirect_dma semaphore(%arg15 : memref<!tpu.dma_semaphore, #tpu.memory_space<semaphore_mem>>) src(%dma_wait3A_149 : memref<10000x128xf32, #tpu.memory_space<hbm>>) dst(%arg9 : memref<64x128xf32, #tpu.memory_space<vmem>>)
        %run_scoped3A_150 = arith.constant 0 : i32
        "tpu.region"() ({
          %run_scoped3A_197 = tpu.sem_alloc : memref<!tpu.dma_semaphore, #tpu.memory_space<semaphore_mem>>
          %dma_start3A_198 = arith.constant 0 : i32
          %dma_start3A_199 = tpu.memref_slice %arg7[%run_scoped3A_150, %add3A_143, %dma_start3A_198] : memref<1x40x64xi32, #tpu.memory_space<vmem>> -> memref<1x1x64xi32, #tpu.memory_space<vmem>>
          %dma_start3A_200 = tpu.memref_squeeze %dma_start3A_199 : memref<1x1x64xi32, #tpu.memory_space<vmem>> -> memref<64xi32, #tpu.memory_space<vmem>>
          %dma_start3A_201 = arith.constant 0 : i32
          %dma_start3A_202 = arith.constant 0 : i32
          %dma_start3A_203 = tpu.memref_slice %arg13[%dma_start3A_201, %dma_start3A_202] : memref<10064x128xf32, #tpu.memory_space<vmem_shared>> -> memref<10064x128xf32, #tpu.memory_space<vmem_shared>>
          tpu.enqueue_indirect_dma source(%arg9 : memref<64x128xf32, #tpu.memory_space<vmem>>) target(%dma_start3A_203 : memref<10064x128xf32, #tpu.memory_space<vmem_shared>>) offsets(%dma_start3A_200 : memref<64xi32, #tpu.memory_space<vmem>>) semaphore(%run_scoped3A_197 : memref<!tpu.dma_semaphore, #tpu.memory_space<semaphore_mem>>) {add = true}
          %dma_wait3A_204 = arith.constant 0 : i32
          %dma_wait3A_205 = tpu.memref_slice %arg7[%run_scoped3A_150, %add3A_143, %dma_wait3A_204] : memref<1x40x64xi32, #tpu.memory_space<vmem>> -> memref<1x1x64xi32, #tpu.memory_space<vmem>>
          %dma_wait3A_206 = tpu.memref_squeeze %dma_wait3A_205 : memref<1x1x64xi32, #tpu.memory_space<vmem>> -> memref<64xi32, #tpu.memory_space<vmem>>
          %dma_wait3A_207 = arith.constant 0 : i32
          %dma_wait3A_208 = arith.constant 0 : i32
          %dma_wait3A_209 = tpu.memref_slice %arg13[%dma_wait3A_207, %dma_wait3A_208] : memref<10064x128xf32, #tpu.memory_space<vmem_shared>> -> memref<10064x128xf32, #tpu.memory_space<vmem_shared>>
          tpu.wait_indirect_dma semaphore(%run_scoped3A_197 : memref<!tpu.dma_semaphore, #tpu.memory_space<semaphore_mem>>) src(%arg9 : memref<64x128xf32, #tpu.memory_space<vmem>>) dst(%dma_wait3A_209 : memref<10064x128xf32, #tpu.memory_space<vmem_shared>>)
          tpu.yield
        }) : () -> ()
        %add3A_151 = arith.constant 4 : i32
        %add3A_152 = arith.addi %add3A_143, %add3A_151 : i32
        %dma_start3A_153 = arith.constant 0 : i32
        %dma_start3A_154 = tpu.memref_slice %arg6[%rem3A_57, %add3A_152, %dma_start3A_153] : memref<2x40x64xi32, #tpu.memory_space<vmem>> -> memref<1x1x64xi32, #tpu.memory_space<vmem>>
        %dma_start3A_155 = tpu.memref_squeeze %dma_start3A_154 : memref<1x1x64xi32, #tpu.memory_space<vmem>> -> memref<64xi32, #tpu.memory_space<vmem>>
        %dma_start3A_156 = arith.constant 0 : i32
        %dma_start3A_157 = arith.constant 0 : i32
        %dma_start3A_158 = tpu.memref_slice %arg2[%dma_start3A_156, %dma_start3A_157] : memref<10000x128xf32, #tpu.memory_space<hbm>> -> memref<10000x128xf32, #tpu.memory_space<hbm>>
        tpu.enqueue_indirect_dma source(%dma_start3A_158 : memref<10000x128xf32, #tpu.memory_space<hbm>>) target(%arg9 : memref<64x128xf32, #tpu.memory_space<vmem>>) offsets(%dma_start3A_155 : memref<64xi32, #tpu.memory_space<vmem>>) semaphore(%arg15 : memref<!tpu.dma_semaphore, #tpu.memory_space<semaphore_mem>>)
        %mul3A_159 = arith.constant 4 : i32
        %mul3A_160 = arith.muli %mul3A_159, %scan3A_120 : i32
        %add3A_161 = arith.constant 2 : i32
        %add3A_162 = arith.addi %mul3A_160, %add3A_161 : i32
        %dma_wait3A_163 = arith.constant 0 : i32
        %dma_wait3A_164 = tpu.memref_slice %arg6[%rem3A_57, %add3A_162, %dma_wait3A_163] : memref<2x40x64xi32, #tpu.memory_space<vmem>> -> memref<1x1x64xi32, #tpu.memory_space<vmem>>
        %dma_wait3A_165 = tpu.memref_squeeze %dma_wait3A_164 : memref<1x1x64xi32, #tpu.memory_space<vmem>> -> memref<64xi32, #tpu.memory_space<vmem>>
        %dma_wait3A_166 = arith.constant 0 : i32
        %dma_wait3A_167 = arith.constant 0 : i32
        %dma_wait3A_168 = tpu.memref_slice %arg2[%dma_wait3A_166, %dma_wait3A_167] : memref<10000x128xf32, #tpu.memory_space<hbm>> -> memref<10000x128xf32, #tpu.memory_space<hbm>>
        tpu.wait_indirect_dma semaphore(%arg16 : memref<!tpu.dma_semaphore, #tpu.memory_space<semaphore_mem>>) src(%dma_wait3A_168 : memref<10000x128xf32, #tpu.memory_space<hbm>>) dst(%arg10 : memref<64x128xf32, #tpu.memory_space<vmem>>)
        %run_scoped3A_169 = arith.constant 0 : i32
        "tpu.region"() ({
          %run_scoped3A_197 = tpu.sem_alloc : memref<!tpu.dma_semaphore, #tpu.memory_space<semaphore_mem>>
          %dma_start3A_198 = arith.constant 0 : i32
          %dma_start3A_199 = tpu.memref_slice %arg7[%run_scoped3A_169, %add3A_162, %dma_start3A_198] : memref<1x40x64xi32, #tpu.memory_space<vmem>> -> memref<1x1x64xi32, #tpu.memory_space<vmem>>
          %dma_start3A_200 = tpu.memref_squeeze %dma_start3A_199 : memref<1x1x64xi32, #tpu.memory_space<vmem>> -> memref<64xi32, #tpu.memory_space<vmem>>
          %dma_start3A_201 = arith.constant 0 : i32
          %dma_start3A_202 = arith.constant 0 : i32
          %dma_start3A_203 = tpu.memref_slice %arg13[%dma_start3A_201, %dma_start3A_202] : memref<10064x128xf32, #tpu.memory_space<vmem_shared>> -> memref<10064x128xf32, #tpu.memory_space<vmem_shared>>
          tpu.enqueue_indirect_dma source(%arg10 : memref<64x128xf32, #tpu.memory_space<vmem>>) target(%dma_start3A_203 : memref<10064x128xf32, #tpu.memory_space<vmem_shared>>) offsets(%dma_start3A_200 : memref<64xi32, #tpu.memory_space<vmem>>) semaphore(%run_scoped3A_197 : memref<!tpu.dma_semaphore, #tpu.memory_space<semaphore_mem>>) {add = true}
          %dma_wait3A_204 = arith.constant 0 : i32
          %dma_wait3A_205 = tpu.memref_slice %arg7[%run_scoped3A_169, %add3A_162, %dma_wait3A_204] : memref<1x40x64xi32, #tpu.memory_space<vmem>> -> memref<1x1x64xi32, #tpu.memory_space<vmem>>
          %dma_wait3A_206 = tpu.memref_squeeze %dma_wait3A_205 : memref<1x1x64xi32, #tpu.memory_space<vmem>> -> memref<64xi32, #tpu.memory_space<vmem>>
          %dma_wait3A_207 = arith.constant 0 : i32
          %dma_wait3A_208 = arith.constant 0 : i32
          %dma_wait3A_209 = tpu.memref_slice %arg13[%dma_wait3A_207, %dma_wait3A_208] : memref<10064x128xf32, #tpu.memory_space<vmem_shared>> -> memref<10064x128xf32, #tpu.memory_space<vmem_shared>>
          tpu.wait_indirect_dma semaphore(%run_scoped3A_197 : memref<!tpu.dma_semaphore, #tpu.memory_space<semaphore_mem>>) src(%arg10 : memref<64x128xf32, #tpu.memory_space<vmem>>) dst(%dma_wait3A_209 : memref<10064x128xf32, #tpu.memory_space<vmem_shared>>)
          tpu.yield
        }) : () -> ()
        %add3A_170 = arith.constant 4 : i32
        %add3A_171 = arith.addi %add3A_162, %add3A_170 : i32
        %dma_start3A_172 = arith.constant 0 : i32
        %dma_start3A_173 = tpu.memref_slice %arg6[%rem3A_57, %add3A_171, %dma_start3A_172] : memref<2x40x64xi32, #tpu.memory_space<vmem>> -> memref<1x1x64xi32, #tpu.memory_space<vmem>>
        %dma_start3A_174 = tpu.memref_squeeze %dma_start3A_173 : memref<1x1x64xi32, #tpu.memory_space<vmem>> -> memref<64xi32, #tpu.memory_space<vmem>>
        %dma_start3A_175 = arith.constant 0 : i32
        %dma_start3A_176 = arith.constant 0 : i32
        %dma_start3A_177 = tpu.memref_slice %arg2[%dma_start3A_175, %dma_start3A_176] : memref<10000x128xf32, #tpu.memory_space<hbm>> -> memref<10000x128xf32, #tpu.memory_space<hbm>>
        tpu.enqueue_indirect_dma source(%dma_start3A_177 : memref<10000x128xf32, #tpu.memory_space<hbm>>) target(%arg10 : memref<64x128xf32, #tpu.memory_space<vmem>>) offsets(%dma_start3A_174 : memref<64xi32, #tpu.memory_space<vmem>>) semaphore(%arg16 : memref<!tpu.dma_semaphore, #tpu.memory_space<semaphore_mem>>)
        %mul3A_178 = arith.constant 4 : i32
        %mul3A_179 = arith.muli %mul3A_178, %scan3A_120 : i32
        %add3A_180 = arith.constant 3 : i32
        %add3A_181 = arith.addi %mul3A_179, %add3A_180 : i32
        %dma_wait3A_182 = arith.constant 0 : i32
        %dma_wait3A_183 = tpu.memref_slice %arg6[%rem3A_57, %add3A_181, %dma_wait3A_182] : memref<2x40x64xi32, #tpu.memory_space<vmem>> -> memref<1x1x64xi32, #tpu.memory_space<vmem>>
        %dma_wait3A_184 = tpu.memref_squeeze %dma_wait3A_183 : memref<1x1x64xi32, #tpu.memory_space<vmem>> -> memref<64xi32, #tpu.memory_space<vmem>>
        %dma_wait3A_185 = arith.constant 0 : i32
        %dma_wait3A_186 = arith.constant 0 : i32
        %dma_wait3A_187 = tpu.memref_slice %arg2[%dma_wait3A_185, %dma_wait3A_186] : memref<10000x128xf32, #tpu.memory_space<hbm>> -> memref<10000x128xf32, #tpu.memory_space<hbm>>
        tpu.wait_indirect_dma semaphore(%arg17 : memref<!tpu.dma_semaphore, #tpu.memory_space<semaphore_mem>>) src(%dma_wait3A_187 : memref<10000x128xf32, #tpu.memory_space<hbm>>) dst(%arg11 : memref<64x128xf32, #tpu.memory_space<vmem>>)
        %run_scoped3A_188 = arith.constant 0 : i32
        "tpu.region"() ({
          %run_scoped3A_197 = tpu.sem_alloc : memref<!tpu.dma_semaphore, #tpu.memory_space<semaphore_mem>>
          %dma_start3A_198 = arith.constant 0 : i32
          %dma_start3A_199 = tpu.memref_slice %arg7[%run_scoped3A_188, %add3A_181, %dma_start3A_198] : memref<1x40x64xi32, #tpu.memory_space<vmem>> -> memref<1x1x64xi32, #tpu.memory_space<vmem>>
          %dma_start3A_200 = tpu.memref_squeeze %dma_start3A_199 : memref<1x1x64xi32, #tpu.memory_space<vmem>> -> memref<64xi32, #tpu.memory_space<vmem>>
          %dma_start3A_201 = arith.constant 0 : i32
          %dma_start3A_202 = arith.constant 0 : i32
          %dma_start3A_203 = tpu.memref_slice %arg13[%dma_start3A_201, %dma_start3A_202] : memref<10064x128xf32, #tpu.memory_space<vmem_shared>> -> memref<10064x128xf32, #tpu.memory_space<vmem_shared>>
          tpu.enqueue_indirect_dma source(%arg11 : memref<64x128xf32, #tpu.memory_space<vmem>>) target(%dma_start3A_203 : memref<10064x128xf32, #tpu.memory_space<vmem_shared>>) offsets(%dma_start3A_200 : memref<64xi32, #tpu.memory_space<vmem>>) semaphore(%run_scoped3A_197 : memref<!tpu.dma_semaphore, #tpu.memory_space<semaphore_mem>>) {add = true}
          %dma_wait3A_204 = arith.constant 0 : i32
          %dma_wait3A_205 = tpu.memref_slice %arg7[%run_scoped3A_188, %add3A_181, %dma_wait3A_204] : memref<1x40x64xi32, #tpu.memory_space<vmem>> -> memref<1x1x64xi32, #tpu.memory_space<vmem>>
          %dma_wait3A_206 = tpu.memref_squeeze %dma_wait3A_205 : memref<1x1x64xi32, #tpu.memory_space<vmem>> -> memref<64xi32, #tpu.memory_space<vmem>>
          %dma_wait3A_207 = arith.constant 0 : i32
          %dma_wait3A_208 = arith.constant 0 : i32
          %dma_wait3A_209 = tpu.memref_slice %arg13[%dma_wait3A_207, %dma_wait3A_208] : memref<10064x128xf32, #tpu.memory_space<vmem_shared>> -> memref<10064x128xf32, #tpu.memory_space<vmem_shared>>
          tpu.wait_indirect_dma semaphore(%run_scoped3A_197 : memref<!tpu.dma_semaphore, #tpu.memory_space<semaphore_mem>>) src(%arg11 : memref<64x128xf32, #tpu.memory_space<vmem>>) dst(%dma_wait3A_209 : memref<10064x128xf32, #tpu.memory_space<vmem_shared>>)
          tpu.yield
        }) : () -> ()
        %add3A_189 = arith.constant 4 : i32
        %add3A_190 = arith.addi %add3A_181, %add3A_189 : i32
        %dma_start3A_191 = arith.constant 0 : i32
        %dma_start3A_192 = tpu.memref_slice %arg6[%rem3A_57, %add3A_190, %dma_start3A_191] : memref<2x40x64xi32, #tpu.memory_space<vmem>> -> memref<1x1x64xi32, #tpu.memory_space<vmem>>
        %dma_start3A_193 = tpu.memref_squeeze %dma_start3A_192 : memref<1x1x64xi32, #tpu.memory_space<vmem>> -> memref<64xi32, #tpu.memory_space<vmem>>
        %dma_start3A_194 = arith.constant 0 : i32
        %dma_start3A_195 = arith.constant 0 : i32
        %dma_start3A_196 = tpu.memref_slice %arg2[%dma_start3A_194, %dma_start3A_195] : memref<10000x128xf32, #tpu.memory_space<hbm>> -> memref<10000x128xf32, #tpu.memory_space<hbm>>
        tpu.enqueue_indirect_dma source(%dma_start3A_196 : memref<10000x128xf32, #tpu.memory_space<hbm>>) target(%arg11 : memref<64x128xf32, #tpu.memory_space<vmem>>) offsets(%dma_start3A_193 : memref<64xi32, #tpu.memory_space<vmem>>) semaphore(%arg17 : memref<!tpu.dma_semaphore, #tpu.memory_space<semaphore_mem>>)
      }
      %scan3A_63 = arith.constant 9 : i32
      %lt3A = arith.constant 3 : i32
      %lt3A_64 = arith.cmpi slt, %scan3A_56, %lt3A : i32
      %convert_element_type3A = arith.extui %lt3A_64 : i1 to i32
      %cond3A = arith.constant 0 : i32
      %cond3A_65 = arith.cmpi ne, %convert_element_type3A, %cond3A : i32
      scf.if %cond3A_65 {
        %add3A_120 = arith.constant 1 : i32
        %add3A_121 = arith.addi %scan3A_56, %add3A_120 : i32
        %sub3A = arith.constant 1 : i32
        %sub3A_122 = arith.subi %sub3A, %rem3A_57 : i32
        "tpu.region"() ({
          %run_scoped3A_123 = tpu.sem_alloc : memref<!tpu.dma_semaphore, #tpu.memory_space<semaphore_mem>>
          %dma_start3A_124 = arith.constant 0 : i32
          %dma_start3A_125 = arith.constant 0 : i32
          %dma_start3A_126 = tpu.memref_slice %arg6[%sub3A_122, %dma_start3A_124, %dma_start3A_125] : memref<2x40x64xi32, #tpu.memory_space<vmem>> -> memref<1x40x64xi32, #tpu.memory_space<vmem>>
          %dma_start3A_127 = arith.constant 0 : i32
          %dma_start3A_128 = arith.constant 0 : i32
          %dma_start3A_129 = tpu.memref_slice %arg3[%add3A, %add3A_121, %dma_start3A_127, %dma_start3A_128] : memref<32x4x40x64xi32, #tpu.memory_space<hbm>> -> memref<1x1x40x64xi32, #tpu.memory_space<hbm>>
          %dma_start3A_130 = tpu.memref_squeeze %dma_start3A_129 : memref<1x1x40x64xi32, #tpu.memory_space<hbm>> -> memref<1x40x64xi32, #tpu.memory_space<hbm>>
          %dma_start3A_131 = arith.constant 0 : i32
          %dma_start3A_132 = arith.constant 0 : i32
          %dma_start3A_133 = tpu.memref_slice %arg6[%sub3A_122, %dma_start3A_131, %dma_start3A_132] : memref<2x40x64xi32, #tpu.memory_space<vmem>> -> memref<1x40x64xi32, #tpu.memory_space<vmem>>
          %dma_start3A_134 = arith.constant 0 : i32
          %dma_start3A_135 = arith.constant 0 : i32
          %dma_start3A_136 = tpu.memref_slice %arg3[%add3A, %add3A_121, %dma_start3A_134, %dma_start3A_135] : memref<32x4x40x64xi32, #tpu.memory_space<hbm>> -> memref<1x1x40x64xi32, #tpu.memory_space<hbm>>
          %dma_start3A_137 = tpu.memref_squeeze %dma_start3A_136 : memref<1x1x40x64xi32, #tpu.memory_space<hbm>> -> memref<1x40x64xi32, #tpu.memory_space<hbm>>
          tpu.enqueue_dma source(%dma_start3A_137 : memref<1x40x64xi32, #tpu.memory_space<hbm>>) target(%dma_start3A_133 : memref<1x40x64xi32, #tpu.memory_space<vmem>>) target_semaphore(%run_scoped3A_123 : memref<!tpu.dma_semaphore, #tpu.memory_space<semaphore_mem>>)
          %dma_wait3A_138 = arith.constant 0 : i32
          %dma_wait3A_139 = arith.constant 0 : i32
          %dma_wait3A_140 = tpu.memref_slice %arg6[%sub3A_122, %dma_wait3A_138, %dma_wait3A_139] : memref<2x40x64xi32, #tpu.memory_space<vmem>> -> memref<1x40x64xi32, #tpu.memory_space<vmem>>
          %dma_wait3A_141 = arith.constant 0 : i32
          %dma_wait3A_142 = arith.constant 0 : i32
          %dma_wait3A_143 = tpu.memref_slice %arg3[%add3A, %add3A_121, %dma_wait3A_141, %dma_wait3A_142] : memref<32x4x40x64xi32, #tpu.memory_space<hbm>> -> memref<1x1x40x64xi32, #tpu.memory_space<hbm>>
          %dma_wait3A_144 = tpu.memref_squeeze %dma_wait3A_143 : memref<1x1x40x64xi32, #tpu.memory_space<hbm>> -> memref<1x40x64xi32, #tpu.memory_space<hbm>>
          %dma_wait3A_145 = arith.constant 0 : i32
          %dma_wait3A_146 = arith.constant 0 : i32
          %dma_wait3A_147 = tpu.memref_slice %arg6[%sub3A_122, %dma_wait3A_145, %dma_wait3A_146] : memref<2x40x64xi32, #tpu.memory_space<vmem>> -> memref<1x40x64xi32, #tpu.memory_space<vmem>>
          %dma_wait3A_148 = arith.constant 0 : i32
          %dma_wait3A_149 = arith.constant 0 : i32
          %dma_wait3A_150 = tpu.memref_slice %arg3[%add3A, %add3A_121, %dma_wait3A_148, %dma_wait3A_149] : memref<32x4x40x64xi32, #tpu.memory_space<hbm>> -> memref<1x1x40x64xi32, #tpu.memory_space<hbm>>
          %dma_wait3A_151 = tpu.memref_squeeze %dma_wait3A_150 : memref<1x1x40x64xi32, #tpu.memory_space<hbm>> -> memref<1x40x64xi32, #tpu.memory_space<hbm>>
          tpu.wait_dma2 semaphore(%run_scoped3A_123 : memref<!tpu.dma_semaphore, #tpu.memory_space<semaphore_mem>>) src(%dma_wait3A_151 : memref<1x40x64xi32, #tpu.memory_space<hbm>>) dst(%dma_wait3A_147 : memref<1x40x64xi32, #tpu.memory_space<vmem>>)
          tpu.yield
        }) : () -> ()
      } else {
      }
      %dma_wait3A = arith.constant 36 : i32
      %dma_wait3A_66 = arith.constant 0 : i32
      %dma_wait3A_67 = tpu.memref_slice %arg6[%rem3A_57, %dma_wait3A, %dma_wait3A_66] : memref<2x40x64xi32, #tpu.memory_space<vmem>> -> memref<1x1x64xi32, #tpu.memory_space<vmem>>
      %dma_wait3A_68 = tpu.memref_squeeze %dma_wait3A_67 : memref<1x1x64xi32, #tpu.memory_space<vmem>> -> memref<64xi32, #tpu.memory_space<vmem>>
      %dma_wait3A_69 = arith.constant 0 : i32
      %dma_wait3A_70 = arith.constant 0 : i32
      %dma_wait3A_71 = tpu.memref_slice %arg2[%dma_wait3A_69, %dma_wait3A_70] : memref<10000x128xf32, #tpu.memory_space<hbm>> -> memref<10000x128xf32, #tpu.memory_space<hbm>>
      tpu.wait_indirect_dma semaphore(%arg14 : memref<!tpu.dma_semaphore, #tpu.memory_space<semaphore_mem>>) src(%dma_wait3A_71 : memref<10000x128xf32, #tpu.memory_space<hbm>>) dst(%arg8 : memref<64x128xf32, #tpu.memory_space<vmem>>)
      %run_scoped3A = arith.constant 0 : i32
      %run_scoped3A_72 = arith.constant 36 : i32
      "tpu.region"() ({
        %run_scoped3A_120 = tpu.sem_alloc : memref<!tpu.dma_semaphore, #tpu.memory_space<semaphore_mem>>
        %dma_start3A_121 = arith.constant 0 : i32
        %dma_start3A_122 = tpu.memref_slice %arg7[%run_scoped3A, %run_scoped3A_72, %dma_start3A_121] : memref<1x40x64xi32, #tpu.memory_space<vmem>> -> memref<1x1x64xi32, #tpu.memory_space<vmem>>
        %dma_start3A_123 = tpu.memref_squeeze %dma_start3A_122 : memref<1x1x64xi32, #tpu.memory_space<vmem>> -> memref<64xi32, #tpu.memory_space<vmem>>
        %dma_start3A_124 = arith.constant 0 : i32
        %dma_start3A_125 = arith.constant 0 : i32
        %dma_start3A_126 = tpu.memref_slice %arg13[%dma_start3A_124, %dma_start3A_125] : memref<10064x128xf32, #tpu.memory_space<vmem_shared>> -> memref<10064x128xf32, #tpu.memory_space<vmem_shared>>
        tpu.enqueue_indirect_dma source(%arg8 : memref<64x128xf32, #tpu.memory_space<vmem>>) target(%dma_start3A_126 : memref<10064x128xf32, #tpu.memory_space<vmem_shared>>) offsets(%dma_start3A_123 : memref<64xi32, #tpu.memory_space<vmem>>) semaphore(%run_scoped3A_120 : memref<!tpu.dma_semaphore, #tpu.memory_space<semaphore_mem>>) {add = true}
        %dma_wait3A_127 = arith.constant 0 : i32
        %dma_wait3A_128 = tpu.memref_slice %arg7[%run_scoped3A, %run_scoped3A_72, %dma_wait3A_127] : memref<1x40x64xi32, #tpu.memory_space<vmem>> -> memref<1x1x64xi32, #tpu.memory_space<vmem>>
        %dma_wait3A_129 = tpu.memref_squeeze %dma_wait3A_128 : memref<1x1x64xi32, #tpu.memory_space<vmem>> -> memref<64xi32, #tpu.memory_space<vmem>>
        %dma_wait3A_130 = arith.constant 0 : i32
        %dma_wait3A_131 = arith.constant 0 : i32
        %dma_wait3A_132 = tpu.memref_slice %arg13[%dma_wait3A_130, %dma_wait3A_131] : memref<10064x128xf32, #tpu.memory_space<vmem_shared>> -> memref<10064x128xf32, #tpu.memory_space<vmem_shared>>
        tpu.wait_indirect_dma semaphore(%run_scoped3A_120 : memref<!tpu.dma_semaphore, #tpu.memory_space<semaphore_mem>>) src(%arg8 : memref<64x128xf32, #tpu.memory_space<vmem>>) dst(%dma_wait3A_132 : memref<10064x128xf32, #tpu.memory_space<vmem_shared>>)
        tpu.yield
      }) : () -> ()
      %lt3A_73 = arith.constant 3 : i32
      %lt3A_74 = arith.cmpi slt, %scan3A_56, %lt3A_73 : i32
      %convert_element_type3A_75 = arith.extui %lt3A_74 : i1 to i32
      %cond3A_76 = arith.constant 0 : i32
      %cond3A_77 = arith.cmpi ne, %convert_element_type3A_75, %cond3A_76 : i32
      scf.if %cond3A_77 {
        %sub3A = arith.constant 1 : i32
        %sub3A_120 = arith.subi %sub3A, %rem3A_57 : i32
        %dma_start3A_121 = arith.constant 0 : i32
        %dma_start3A_122 = arith.constant 0 : i32
        %dma_start3A_123 = tpu.memref_slice %arg6[%sub3A_120, %dma_start3A_121, %dma_start3A_122] : memref<2x40x64xi32, #tpu.memory_space<vmem>> -> memref<1x1x64xi32, #tpu.memory_space<vmem>>
        %dma_start3A_124 = tpu.memref_squeeze %dma_start3A_123 : memref<1x1x64xi32, #tpu.memory_space<vmem>> -> memref<64xi32, #tpu.memory_space<vmem>>
        %dma_start3A_125 = arith.constant 0 : i32
        %dma_start3A_126 = arith.constant 0 : i32
        %dma_start3A_127 = tpu.memref_slice %arg2[%dma_start3A_125, %dma_start3A_126] : memref<10000x128xf32, #tpu.memory_space<hbm>> -> memref<10000x128xf32, #tpu.memory_space<hbm>>
        tpu.enqueue_indirect_dma source(%dma_start3A_127 : memref<10000x128xf32, #tpu.memory_space<hbm>>) target(%arg8 : memref<64x128xf32, #tpu.memory_space<vmem>>) offsets(%dma_start3A_124 : memref<64xi32, #tpu.memory_space<vmem>>) semaphore(%arg14 : memref<!tpu.dma_semaphore, #tpu.memory_space<semaphore_mem>>)
      } else {
      }
      %dma_wait3A_78 = arith.constant 37 : i32
      %dma_wait3A_79 = arith.constant 0 : i32
      %dma_wait3A_80 = tpu.memref_slice %arg6[%rem3A_57, %dma_wait3A_78, %dma_wait3A_79] : memref<2x40x64xi32, #tpu.memory_space<vmem>> -> memref<1x1x64xi32, #tpu.memory_space<vmem>>
      %dma_wait3A_81 = tpu.memref_squeeze %dma_wait3A_80 : memref<1x1x64xi32, #tpu.memory_space<vmem>> -> memref<64xi32, #tpu.memory_space<vmem>>
      %dma_wait3A_82 = arith.constant 0 : i32
      %dma_wait3A_83 = arith.constant 0 : i32
      %dma_wait3A_84 = tpu.memref_slice %arg2[%dma_wait3A_82, %dma_wait3A_83] : memref<10000x128xf32, #tpu.memory_space<hbm>> -> memref<10000x128xf32, #tpu.memory_space<hbm>>
      tpu.wait_indirect_dma semaphore(%arg15 : memref<!tpu.dma_semaphore, #tpu.memory_space<semaphore_mem>>) src(%dma_wait3A_84 : memref<10000x128xf32, #tpu.memory_space<hbm>>) dst(%arg9 : memref<64x128xf32, #tpu.memory_space<vmem>>)
      %run_scoped3A_85 = arith.constant 0 : i32
      %run_scoped3A_86 = arith.constant 37 : i32
      "tpu.region"() ({
        %run_scoped3A_120 = tpu.sem_alloc : memref<!tpu.dma_semaphore, #tpu.memory_space<semaphore_mem>>
        %dma_start3A_121 = arith.constant 0 : i32
        %dma_start3A_122 = tpu.memref_slice %arg7[%run_scoped3A_85, %run_scoped3A_86, %dma_start3A_121] : memref<1x40x64xi32, #tpu.memory_space<vmem>> -> memref<1x1x64xi32, #tpu.memory_space<vmem>>
        %dma_start3A_123 = tpu.memref_squeeze %dma_start3A_122 : memref<1x1x64xi32, #tpu.memory_space<vmem>> -> memref<64xi32, #tpu.memory_space<vmem>>
        %dma_start3A_124 = arith.constant 0 : i32
        %dma_start3A_125 = arith.constant 0 : i32
        %dma_start3A_126 = tpu.memref_slice %arg13[%dma_start3A_124, %dma_start3A_125] : memref<10064x128xf32, #tpu.memory_space<vmem_shared>> -> memref<10064x128xf32, #tpu.memory_space<vmem_shared>>
        tpu.enqueue_indirect_dma source(%arg9 : memref<64x128xf32, #tpu.memory_space<vmem>>) target(%dma_start3A_126 : memref<10064x128xf32, #tpu.memory_space<vmem_shared>>) offsets(%dma_start3A_123 : memref<64xi32, #tpu.memory_space<vmem>>) semaphore(%run_scoped3A_120 : memref<!tpu.dma_semaphore, #tpu.memory_space<semaphore_mem>>) {add = true}
        %dma_wait3A_127 = arith.constant 0 : i32
        %dma_wait3A_128 = tpu.memref_slice %arg7[%run_scoped3A_85, %run_scoped3A_86, %dma_wait3A_127] : memref<1x40x64xi32, #tpu.memory_space<vmem>> -> memref<1x1x64xi32, #tpu.memory_space<vmem>>
        %dma_wait3A_129 = tpu.memref_squeeze %dma_wait3A_128 : memref<1x1x64xi32, #tpu.memory_space<vmem>> -> memref<64xi32, #tpu.memory_space<vmem>>
        %dma_wait3A_130 = arith.constant 0 : i32
        %dma_wait3A_131 = arith.constant 0 : i32
        %dma_wait3A_132 = tpu.memref_slice %arg13[%dma_wait3A_130, %dma_wait3A_131] : memref<10064x128xf32, #tpu.memory_space<vmem_shared>> -> memref<10064x128xf32, #tpu.memory_space<vmem_shared>>
        tpu.wait_indirect_dma semaphore(%run_scoped3A_120 : memref<!tpu.dma_semaphore, #tpu.memory_space<semaphore_mem>>) src(%arg9 : memref<64x128xf32, #tpu.memory_space<vmem>>) dst(%dma_wait3A_132 : memref<10064x128xf32, #tpu.memory_space<vmem_shared>>)
        tpu.yield
      }) : () -> ()
      %lt3A_87 = arith.constant 3 : i32
      %lt3A_88 = arith.cmpi slt, %scan3A_56, %lt3A_87 : i32
      %convert_element_type3A_89 = arith.extui %lt3A_88 : i1 to i32
      %cond3A_90 = arith.constant 0 : i32
      %cond3A_91 = arith.cmpi ne, %convert_element_type3A_89, %cond3A_90 : i32
      scf.if %cond3A_91 {
        %sub3A = arith.constant 1 : i32
        %sub3A_120 = arith.subi %sub3A, %rem3A_57 : i32
        %dma_start3A_121 = arith.constant 1 : i32
        %dma_start3A_122 = arith.constant 0 : i32
        %dma_start3A_123 = tpu.memref_slice %arg6[%sub3A_120, %dma_start3A_121, %dma_start3A_122] : memref<2x40x64xi32, #tpu.memory_space<vmem>> -> memref<1x1x64xi32, #tpu.memory_space<vmem>>
        %dma_start3A_124 = tpu.memref_squeeze %dma_start3A_123 : memref<1x1x64xi32, #tpu.memory_space<vmem>> -> memref<64xi32, #tpu.memory_space<vmem>>
        %dma_start3A_125 = arith.constant 0 : i32
        %dma_start3A_126 = arith.constant 0 : i32
        %dma_start3A_127 = tpu.memref_slice %arg2[%dma_start3A_125, %dma_start3A_126] : memref<10000x128xf32, #tpu.memory_space<hbm>> -> memref<10000x128xf32, #tpu.memory_space<hbm>>
        tpu.enqueue_indirect_dma source(%dma_start3A_127 : memref<10000x128xf32, #tpu.memory_space<hbm>>) target(%arg9 : memref<64x128xf32, #tpu.memory_space<vmem>>) offsets(%dma_start3A_124 : memref<64xi32, #tpu.memory_space<vmem>>) semaphore(%arg15 : memref<!tpu.dma_semaphore, #tpu.memory_space<semaphore_mem>>)
      } else {
      }
      %dma_wait3A_92 = arith.constant 38 : i32
      %dma_wait3A_93 = arith.constant 0 : i32
      %dma_wait3A_94 = tpu.memref_slice %arg6[%rem3A_57, %dma_wait3A_92, %dma_wait3A_93] : memref<2x40x64xi32, #tpu.memory_space<vmem>> -> memref<1x1x64xi32, #tpu.memory_space<vmem>>
      %dma_wait3A_95 = tpu.memref_squeeze %dma_wait3A_94 : memref<1x1x64xi32, #tpu.memory_space<vmem>> -> memref<64xi32, #tpu.memory_space<vmem>>
      %dma_wait3A_96 = arith.constant 0 : i32
      %dma_wait3A_97 = arith.constant 0 : i32
      %dma_wait3A_98 = tpu.memref_slice %arg2[%dma_wait3A_96, %dma_wait3A_97] : memref<10000x128xf32, #tpu.memory_space<hbm>> -> memref<10000x128xf32, #tpu.memory_space<hbm>>
      tpu.wait_indirect_dma semaphore(%arg16 : memref<!tpu.dma_semaphore, #tpu.memory_space<semaphore_mem>>) src(%dma_wait3A_98 : memref<10000x128xf32, #tpu.memory_space<hbm>>) dst(%arg10 : memref<64x128xf32, #tpu.memory_space<vmem>>)
      %run_scoped3A_99 = arith.constant 0 : i32
      %run_scoped3A_100 = arith.constant 38 : i32
      "tpu.region"() ({
        %run_scoped3A_120 = tpu.sem_alloc : memref<!tpu.dma_semaphore, #tpu.memory_space<semaphore_mem>>
        %dma_start3A_121 = arith.constant 0 : i32
        %dma_start3A_122 = tpu.memref_slice %arg7[%run_scoped3A_99, %run_scoped3A_100, %dma_start3A_121] : memref<1x40x64xi32, #tpu.memory_space<vmem>> -> memref<1x1x64xi32, #tpu.memory_space<vmem>>
        %dma_start3A_123 = tpu.memref_squeeze %dma_start3A_122 : memref<1x1x64xi32, #tpu.memory_space<vmem>> -> memref<64xi32, #tpu.memory_space<vmem>>
        %dma_start3A_124 = arith.constant 0 : i32
        %dma_start3A_125 = arith.constant 0 : i32
        %dma_start3A_126 = tpu.memref_slice %arg13[%dma_start3A_124, %dma_start3A_125] : memref<10064x128xf32, #tpu.memory_space<vmem_shared>> -> memref<10064x128xf32, #tpu.memory_space<vmem_shared>>
        tpu.enqueue_indirect_dma source(%arg10 : memref<64x128xf32, #tpu.memory_space<vmem>>) target(%dma_start3A_126 : memref<10064x128xf32, #tpu.memory_space<vmem_shared>>) offsets(%dma_start3A_123 : memref<64xi32, #tpu.memory_space<vmem>>) semaphore(%run_scoped3A_120 : memref<!tpu.dma_semaphore, #tpu.memory_space<semaphore_mem>>) {add = true}
        %dma_wait3A_127 = arith.constant 0 : i32
        %dma_wait3A_128 = tpu.memref_slice %arg7[%run_scoped3A_99, %run_scoped3A_100, %dma_wait3A_127] : memref<1x40x64xi32, #tpu.memory_space<vmem>> -> memref<1x1x64xi32, #tpu.memory_space<vmem>>
        %dma_wait3A_129 = tpu.memref_squeeze %dma_wait3A_128 : memref<1x1x64xi32, #tpu.memory_space<vmem>> -> memref<64xi32, #tpu.memory_space<vmem>>
        %dma_wait3A_130 = arith.constant 0 : i32
        %dma_wait3A_131 = arith.constant 0 : i32
        %dma_wait3A_132 = tpu.memref_slice %arg13[%dma_wait3A_130, %dma_wait3A_131] : memref<10064x128xf32, #tpu.memory_space<vmem_shared>> -> memref<10064x128xf32, #tpu.memory_space<vmem_shared>>
        tpu.wait_indirect_dma semaphore(%run_scoped3A_120 : memref<!tpu.dma_semaphore, #tpu.memory_space<semaphore_mem>>) src(%arg10 : memref<64x128xf32, #tpu.memory_space<vmem>>) dst(%dma_wait3A_132 : memref<10064x128xf32, #tpu.memory_space<vmem_shared>>)
        tpu.yield
      }) : () -> ()
      %lt3A_101 = arith.constant 3 : i32
      %lt3A_102 = arith.cmpi slt, %scan3A_56, %lt3A_101 : i32
      %convert_element_type3A_103 = arith.extui %lt3A_102 : i1 to i32
      %cond3A_104 = arith.constant 0 : i32
      %cond3A_105 = arith.cmpi ne, %convert_element_type3A_103, %cond3A_104 : i32
      scf.if %cond3A_105 {
        %sub3A = arith.constant 1 : i32
        %sub3A_120 = arith.subi %sub3A, %rem3A_57 : i32
        %dma_start3A_121 = arith.constant 2 : i32
        %dma_start3A_122 = arith.constant 0 : i32
        %dma_start3A_123 = tpu.memref_slice %arg6[%sub3A_120, %dma_start3A_121, %dma_start3A_122] : memref<2x40x64xi32, #tpu.memory_space<vmem>> -> memref<1x1x64xi32, #tpu.memory_space<vmem>>
        %dma_start3A_124 = tpu.memref_squeeze %dma_start3A_123 : memref<1x1x64xi32, #tpu.memory_space<vmem>> -> memref<64xi32, #tpu.memory_space<vmem>>
        %dma_start3A_125 = arith.constant 0 : i32
        %dma_start3A_126 = arith.constant 0 : i32
        %dma_start3A_127 = tpu.memref_slice %arg2[%dma_start3A_125, %dma_start3A_126] : memref<10000x128xf32, #tpu.memory_space<hbm>> -> memref<10000x128xf32, #tpu.memory_space<hbm>>
        tpu.enqueue_indirect_dma source(%dma_start3A_127 : memref<10000x128xf32, #tpu.memory_space<hbm>>) target(%arg10 : memref<64x128xf32, #tpu.memory_space<vmem>>) offsets(%dma_start3A_124 : memref<64xi32, #tpu.memory_space<vmem>>) semaphore(%arg16 : memref<!tpu.dma_semaphore, #tpu.memory_space<semaphore_mem>>)
      } else {
      }
      %dma_wait3A_106 = arith.constant 39 : i32
      %dma_wait3A_107 = arith.constant 0 : i32
      %dma_wait3A_108 = tpu.memref_slice %arg6[%rem3A_57, %dma_wait3A_106, %dma_wait3A_107] : memref<2x40x64xi32, #tpu.memory_space<vmem>> -> memref<1x1x64xi32, #tpu.memory_space<vmem>>
      %dma_wait3A_109 = tpu.memref_squeeze %dma_wait3A_108 : memref<1x1x64xi32, #tpu.memory_space<vmem>> -> memref<64xi32, #tpu.memory_space<vmem>>
      %dma_wait3A_110 = arith.constant 0 : i32
      %dma_wait3A_111 = arith.constant 0 : i32
      %dma_wait3A_112 = tpu.memref_slice %arg2[%dma_wait3A_110, %dma_wait3A_111] : memref<10000x128xf32, #tpu.memory_space<hbm>> -> memref<10000x128xf32, #tpu.memory_space<hbm>>
      tpu.wait_indirect_dma semaphore(%arg17 : memref<!tpu.dma_semaphore, #tpu.memory_space<semaphore_mem>>) src(%dma_wait3A_112 : memref<10000x128xf32, #tpu.memory_space<hbm>>) dst(%arg11 : memref<64x128xf32, #tpu.memory_space<vmem>>)
      %run_scoped3A_113 = arith.constant 0 : i32
      %run_scoped3A_114 = arith.constant 39 : i32
      "tpu.region"() ({
        %run_scoped3A_120 = tpu.sem_alloc : memref<!tpu.dma_semaphore, #tpu.memory_space<semaphore_mem>>
        %dma_start3A_121 = arith.constant 0 : i32
        %dma_start3A_122 = tpu.memref_slice %arg7[%run_scoped3A_113, %run_scoped3A_114, %dma_start3A_121] : memref<1x40x64xi32, #tpu.memory_space<vmem>> -> memref<1x1x64xi32, #tpu.memory_space<vmem>>
        %dma_start3A_123 = tpu.memref_squeeze %dma_start3A_122 : memref<1x1x64xi32, #tpu.memory_space<vmem>> -> memref<64xi32, #tpu.memory_space<vmem>>
        %dma_start3A_124 = arith.constant 0 : i32
        %dma_start3A_125 = arith.constant 0 : i32
        %dma_start3A_126 = tpu.memref_slice %arg13[%dma_start3A_124, %dma_start3A_125] : memref<10064x128xf32, #tpu.memory_space<vmem_shared>> -> memref<10064x128xf32, #tpu.memory_space<vmem_shared>>
        tpu.enqueue_indirect_dma source(%arg11 : memref<64x128xf32, #tpu.memory_space<vmem>>) target(%dma_start3A_126 : memref<10064x128xf32, #tpu.memory_space<vmem_shared>>) offsets(%dma_start3A_123 : memref<64xi32, #tpu.memory_space<vmem>>) semaphore(%run_scoped3A_120 : memref<!tpu.dma_semaphore, #tpu.memory_space<semaphore_mem>>) {add = true}
        %dma_wait3A_127 = arith.constant 0 : i32
        %dma_wait3A_128 = tpu.memref_slice %arg7[%run_scoped3A_113, %run_scoped3A_114, %dma_wait3A_127] : memref<1x40x64xi32, #tpu.memory_space<vmem>> -> memref<1x1x64xi32, #tpu.memory_space<vmem>>
        %dma_wait3A_129 = tpu.memref_squeeze %dma_wait3A_128 : memref<1x1x64xi32, #tpu.memory_space<vmem>> -> memref<64xi32, #tpu.memory_space<vmem>>
        %dma_wait3A_130 = arith.constant 0 : i32
        %dma_wait3A_131 = arith.constant 0 : i32
        %dma_wait3A_132 = tpu.memref_slice %arg13[%dma_wait3A_130, %dma_wait3A_131] : memref<10064x128xf32, #tpu.memory_space<vmem_shared>> -> memref<10064x128xf32, #tpu.memory_space<vmem_shared>>
        tpu.wait_indirect_dma semaphore(%run_scoped3A_120 : memref<!tpu.dma_semaphore, #tpu.memory_space<semaphore_mem>>) src(%arg11 : memref<64x128xf32, #tpu.memory_space<vmem>>) dst(%dma_wait3A_132 : memref<10064x128xf32, #tpu.memory_space<vmem_shared>>)
        tpu.yield
      }) : () -> ()
      %lt3A_115 = arith.constant 3 : i32
      %lt3A_116 = arith.cmpi slt, %scan3A_56, %lt3A_115 : i32
      %convert_element_type3A_117 = arith.extui %lt3A_116 : i1 to i32
      %cond3A_118 = arith.constant 0 : i32
      %cond3A_119 = arith.cmpi ne, %convert_element_type3A_117, %cond3A_118 : i32
      scf.if %cond3A_119 {
        %sub3A = arith.constant 1 : i32
        %sub3A_120 = arith.subi %sub3A, %rem3A_57 : i32
        %dma_start3A_121 = arith.constant 3 : i32
        %dma_start3A_122 = arith.constant 0 : i32
        %dma_start3A_123 = tpu.memref_slice %arg6[%sub3A_120, %dma_start3A_121, %dma_start3A_122] : memref<2x40x64xi32, #tpu.memory_space<vmem>> -> memref<1x1x64xi32, #tpu.memory_space<vmem>>
        %dma_start3A_124 = tpu.memref_squeeze %dma_start3A_123 : memref<1x1x64xi32, #tpu.memory_space<vmem>> -> memref<64xi32, #tpu.memory_space<vmem>>
        %dma_start3A_125 = arith.constant 0 : i32
        %dma_start3A_126 = arith.constant 0 : i32
        %dma_start3A_127 = tpu.memref_slice %arg2[%dma_start3A_125, %dma_start3A_126] : memref<10000x128xf32, #tpu.memory_space<hbm>> -> memref<10000x128xf32, #tpu.memory_space<hbm>>
        tpu.enqueue_indirect_dma source(%dma_start3A_127 : memref<10000x128xf32, #tpu.memory_space<hbm>>) target(%arg11 : memref<64x128xf32, #tpu.memory_space<vmem>>) offsets(%dma_start3A_124 : memref<64xi32, #tpu.memory_space<vmem>>) semaphore(%arg17 : memref<!tpu.dma_semaphore, #tpu.memory_space<semaphore_mem>>)
      } else {
      }
    }
    %scan3A_48 = arith.constant 4 : i32
    %barrier3A_49 = arith.constant 0 : index
    tpu.barrier barrier_id(%barrier3A_49)
    %scan3A_50 = arith.constant 0 : i32
    %scan3A_51 = arith.constant 0 : i32
    %scan3A_52 = arith.constant 40 : i32
    %scan3A_53 = arith.addi %scan3A_51, %scan3A_52 : i32
    %scan3A_54 = arith.constant 1 : i32
    scf.for %scan3A_56 = %scan3A_51 to %scan3A_53 step %scan3A_54  : i32 {
      %mul3A_57 = arith.constant 16 : i32
      %mul3A_58 = arith.muli %scan3A_56, %mul3A_57 : i32
      %add3A_59 = arith.addi %arg1, %mul3A_58 : i32
      %lt3A = arith.constant 625 : i32
      %lt3A_60 = arith.cmpi slt, %add3A_59, %lt3A : i32
      %convert_element_type3A = arith.extui %lt3A_60 : i1 to i32
      %cond3A = arith.constant 0 : i32
      %cond3A_61 = arith.cmpi ne, %convert_element_type3A, %cond3A : i32
      scf.if %cond3A_61 {
        %mul3A_62 = arith.constant 16 : i32
        %mul3A_63 = arith.muli %add3A_59, %mul3A_62 : i32
        "tpu.region"() ({
          %run_scoped3A = tpu.sem_alloc : memref<!tpu.dma_semaphore, #tpu.memory_space<semaphore_mem>>
          %dma_start3A_66 = arith.constant 0 : i32
          %dma_start3A_67 = tpu.memref_slice %arg13[%mul3A_63, %dma_start3A_66] : memref<10064x128xf32, #tpu.memory_space<vmem_shared>> -> memref<16x128xf32, #tpu.memory_space<vmem_shared>>
          %dma_start3A_68 = arith.constant 0 : i32
          %dma_start3A_69 = tpu.memref_slice %arg13[%mul3A_63, %dma_start3A_68] : memref<10064x128xf32, #tpu.memory_space<vmem_shared>> -> memref<16x128xf32, #tpu.memory_space<vmem_shared>>
          tpu.enqueue_dma source(%dma_start3A_69 : memref<16x128xf32, #tpu.memory_space<vmem_shared>>) target(%arg12 : memref<16x128xf32, #tpu.memory_space<vmem>>) target_semaphore(%run_scoped3A : memref<!tpu.dma_semaphore, #tpu.memory_space<semaphore_mem>>)
          %dma_wait3A = arith.constant 0 : i32
          %dma_wait3A_70 = tpu.memref_slice %arg13[%mul3A_63, %dma_wait3A] : memref<10064x128xf32, #tpu.memory_space<vmem_shared>> -> memref<16x128xf32, #tpu.memory_space<vmem_shared>>
          %dma_wait3A_71 = arith.constant 0 : i32
          %dma_wait3A_72 = tpu.memref_slice %arg13[%mul3A_63, %dma_wait3A_71] : memref<10064x128xf32, #tpu.memory_space<vmem_shared>> -> memref<16x128xf32, #tpu.memory_space<vmem_shared>>
          tpu.wait_dma2 semaphore(%run_scoped3A : memref<!tpu.dma_semaphore, #tpu.memory_space<semaphore_mem>>) src(%dma_wait3A_72 : memref<16x128xf32, #tpu.memory_space<vmem_shared>>) dst(%arg12 : memref<16x128xf32, #tpu.memory_space<vmem>>)
          tpu.yield
        }) : () -> ()
        %mul3A_64 = arith.constant 16 : i32
        %mul3A_65 = arith.muli %add3A_59, %mul3A_64 : i32
        "tpu.region"() ({
          %run_scoped3A = tpu.sem_alloc : memref<!tpu.dma_semaphore, #tpu.memory_space<semaphore_mem>>
          %dma_start3A_66 = arith.constant 0 : i32
          %dma_start3A_67 = tpu.memref_slice %arg5[%arg0, %mul3A_65, %dma_start3A_66] : memref<2x10000x128xf32, #tpu.memory_space<hbm>> -> memref<1x16x128xf32, #tpu.memory_space<hbm>>
          %dma_start3A_68 = tpu.memref_squeeze %dma_start3A_67 : memref<1x16x128xf32, #tpu.memory_space<hbm>> -> memref<16x128xf32, #tpu.memory_space<hbm>>
          %dma_start3A_69 = arith.constant 0 : i32
          %dma_start3A_70 = tpu.memref_slice %arg5[%arg0, %mul3A_65, %dma_start3A_69] : memref<2x10000x128xf32, #tpu.memory_space<hbm>> -> memref<1x16x128xf32, #tpu.memory_space<hbm>>
          %dma_start3A_71 = tpu.memref_squeeze %dma_start3A_70 : memref<1x16x128xf32, #tpu.memory_space<hbm>> -> memref<16x128xf32, #tpu.memory_space<hbm>>
          tpu.enqueue_dma source(%arg12 : memref<16x128xf32, #tpu.memory_space<vmem>>) target(%dma_start3A_71 : memref<16x128xf32, #tpu.memory_space<hbm>>) target_semaphore(%run_scoped3A : memref<!tpu.dma_semaphore, #tpu.memory_space<semaphore_mem>>)
          %dma_wait3A = arith.constant 0 : i32
          %dma_wait3A_72 = tpu.memref_slice %arg5[%arg0, %mul3A_65, %dma_wait3A] : memref<2x10000x128xf32, #tpu.memory_space<hbm>> -> memref<1x16x128xf32, #tpu.memory_space<hbm>>
          %dma_wait3A_73 = tpu.memref_squeeze %dma_wait3A_72 : memref<1x16x128xf32, #tpu.memory_space<hbm>> -> memref<16x128xf32, #tpu.memory_space<hbm>>
          %dma_wait3A_74 = arith.constant 0 : i32
          %dma_wait3A_75 = tpu.memref_slice %arg5[%arg0, %mul3A_65, %dma_wait3A_74] : memref<2x10000x128xf32, #tpu.memory_space<hbm>> -> memref<1x16x128xf32, #tpu.memory_space<hbm>>
          %dma_wait3A_76 = tpu.memref_squeeze %dma_wait3A_75 : memref<1x16x128xf32, #tpu.memory_space<hbm>> -> memref<16x128xf32, #tpu.memory_space<hbm>>
          tpu.wait_dma2 semaphore(%run_scoped3A : memref<!tpu.dma_semaphore, #tpu.memory_space<semaphore_mem>>) src(%arg12 : memref<16x128xf32, #tpu.memory_space<vmem>>) dst(%dma_wait3A_76 : memref<16x128xf32, #tpu.memory_space<hbm>>)
          tpu.yield
        }) : () -> ()
      } else {
      }
    }
    %scan3A_55 = arith.constant 40 : i32
    return
  }
}

module attributes {stable_mosaic.version = 14 : i64} {
  func.func @body(%arg0: i32, %arg1: memref<1000x128xf32, #tpu.memory_space<vmem>>, %arg2: memref<128x128xf32, #tpu.memory_space<vmem>>, %arg3: memref<1000x1xf32, #tpu.memory_space<vmem>>, %arg4: memref<1000x1xf32, #tpu.memory_space<vmem>>, %arg5: memref<1000x128xf32, #tpu.memory_space<vmem>>, %arg6: memref<1000x1xf32, #tpu.memory_space<vmem>>) attributes {dimension_semantics = [#tpu.dimension_semantics<arbitrary>], iteration_bounds = array<i64: 10>, scalar_prefetch = 0 : i64, scratch_operands = 0 : i64, tpu.core_type = #tpu.core_type<tc>, window_params = [{transform_indices = @transform_0, window_bounds = array<i64: 1000, 128>}, {pipeline_mode = #tpu.pipeline_mode<synchronous>, transform_indices = @transform_1, window_bounds = array<i64: 128, 128>}, {transform_indices = @transform_2, window_bounds = array<i64: 1000, 1>}, {transform_indices = @transform_3, window_bounds = array<i64: 1000, 1>}, {transform_indices = @transform_4, window_bounds = array<i64: 1000, 128>}, {transform_indices = @transform_5, window_bounds = array<i64: 1000, 1>}]} {
    %get3A = arith.constant 0 : index
    %get3A_0 = arith.constant 0 : index
    %get3A_1 = vector.load %arg3[%get3A, %get3A_0] : memref<1000x1xf32, #tpu.memory_space<vmem>>, vector<1000x1xf32>
    %get3A_2 = arith.constant 0 : index
    %get3A_3 = arith.constant 0 : index
    %get3A_4 = vector.load %arg4[%get3A_2, %get3A_3] : memref<1000x1xf32, #tpu.memory_space<vmem>>, vector<1000x1xf32>
    %add3A = arith.addf %get3A_1, %get3A_4 : vector<1000x1xf32>
    %add3A_5 = arith.constant 1.000000e+00 : f32
    %add3A_6 = vector.broadcast %add3A_5 : f32 to vector<1000x1xf32>
    %add3A_7 = arith.addf %add3A, %add3A_6 : vector<1000x1xf32>
    %rsqrt3A = math.rsqrt %add3A_7 : vector<1000x1xf32>
    %get3A_8 = arith.constant 0 : index
    %get3A_9 = arith.constant 0 : index
    %get3A_10 = vector.load %arg1[%get3A_8, %get3A_9] : memref<1000x128xf32, #tpu.memory_space<vmem>>, vector<1000x128xf32>
    %get3A_11 = arith.constant 0 : index
    %get3A_12 = arith.constant 0 : index
    %get3A_13 = vector.load %arg2[%get3A_11, %get3A_12] : memref<128x128xf32, #tpu.memory_space<vmem>>, vector<128x128xf32>
    %dot_general3A = arith.constant dense<0.000000e+00> : vector<1000x128xf32>
    %dot_general3A_14 = tpu.matmul %get3A_10, %get3A_13, %dot_general3A {dimension_numbers = #tpu.dot_dimension_numbers<[1], [0], [0], [1], [0, 0, 1, 1], [], []>, transpose_lhs_hint = false} : vector<1000x128xf32>, vector<128x128xf32>, vector<1000x128xf32> -> vector<1000x128xf32>
    %mul3A = vector.broadcast %rsqrt3A : vector<1000x1xf32> to vector<1000x128xf32>
    %mul3A_15 = arith.mulf %dot_general3A_14, %mul3A : vector<1000x128xf32>
    %swap3A = arith.constant 0 : index
    %swap3A_16 = arith.constant 0 : index
    %swap3A_17 = vector.load %arg5[%swap3A, %swap3A_16] : memref<1000x128xf32, #tpu.memory_space<vmem>>, vector<1000x128xf32>
    tpu.vector_store %arg5[%swap3A, %swap3A_16], %mul3A_15 {strides = array<i32>} : memref<1000x128xf32, #tpu.memory_space<vmem>>, vector<1000x128xf32>,
    %swap3A_18 = arith.constant 0 : index
    %swap3A_19 = arith.constant 0 : index
    %swap3A_20 = vector.load %arg6[%swap3A_18, %swap3A_19] : memref<1000x1xf32, #tpu.memory_space<vmem>>, vector<1000x1xf32>
    tpu.vector_store %arg6[%swap3A_18, %swap3A_19], %rsqrt3A {strides = array<i32>} : memref<1000x1xf32, #tpu.memory_space<vmem>>, vector<1000x1xf32>,
    return
  }
  func.func @transform_0(%arg0: i32) -> (i32, i32) {
    %c0_i32 = arith.constant 0 : i32
    %c0_i32_0 = arith.constant 0 : i32
    return %arg0, %c0_i32 : i32, i32
  }
  func.func @transform_1(%arg0: i32) -> (i32, i32) {
    %c0_i32 = arith.constant 0 : i32
    %c0_i32_0 = arith.constant 0 : i32
    %c0_i32_1 = arith.constant 0 : i32
    return %c0_i32, %c0_i32_0 : i32, i32
  }
  func.func @transform_2(%arg0: i32) -> (i32, i32) {
    %c0_i32 = arith.constant 0 : i32
    %c0_i32_0 = arith.constant 0 : i32
    return %arg0, %c0_i32 : i32, i32
  }
  func.func @transform_3(%arg0: i32) -> (i32, i32) {
    %c0_i32 = arith.constant 0 : i32
    %c0_i32_0 = arith.constant 0 : i32
    return %arg0, %c0_i32 : i32, i32
  }
  func.func @transform_4(%arg0: i32) -> (i32, i32) {
    %c0_i32 = arith.constant 0 : i32
    %c0_i32_0 = arith.constant 0 : i32
    return %arg0, %c0_i32 : i32, i32
  }
  func.func @transform_5(%arg0: i32) -> (i32, i32) {
    %c0_i32 = arith.constant 0 : i32
    %c0_i32_0 = arith.constant 0 : i32
    return %arg0, %c0_i32 : i32, i32
  }
}

module attributes {stable_mosaic.version = 14 : i64} {
  func.func @body(%arg0: i32, %arg1: memref<1000x128xf32, #tpu.memory_space<vmem>>, %arg2: memref<1000x128xf32, #tpu.memory_space<vmem>>, %arg3: memref<1000x128xf32, #tpu.memory_space<vmem>>, %arg4: memref<1000x1xf32, #tpu.memory_space<vmem>>, %arg5: memref<1x128xf32, #tpu.memory_space<vmem>>, %arg6: memref<128x128xf32, #tpu.memory_space<vmem>>, %arg7: memref<1000x128xf32, #tpu.memory_space<vmem>>) attributes {dimension_semantics = [#tpu.dimension_semantics<arbitrary>], iteration_bounds = array<i64: 10>, scalar_prefetch = 0 : i64, scratch_operands = 0 : i64, tpu.core_type = #tpu.core_type<tc>, window_params = [{transform_indices = @transform_0, window_bounds = array<i64: 1000, 128>}, {transform_indices = @transform_1, window_bounds = array<i64: 1000, 128>}, {transform_indices = @transform_2, window_bounds = array<i64: 1000, 128>}, {transform_indices = @transform_3, window_bounds = array<i64: 1000, 1>}, {pipeline_mode = #tpu.pipeline_mode<synchronous>, transform_indices = @transform_4, window_bounds = array<i64: 1, 128>}, {pipeline_mode = #tpu.pipeline_mode<synchronous>, transform_indices = @transform_5, window_bounds = array<i64: 128, 128>}, {transform_indices = @transform_6, window_bounds = array<i64: 1000, 128>}]} {
    %get3A = arith.constant 0 : index
    %get3A_0 = arith.constant 0 : index
    %get3A_1 = vector.load %arg1[%get3A, %get3A_0] : memref<1000x128xf32, #tpu.memory_space<vmem>>, vector<1000x128xf32>
    %get3A_2 = arith.constant 0 : index
    %get3A_3 = arith.constant 0 : index
    %get3A_4 = vector.load %arg2[%get3A_2, %get3A_3] : memref<1000x128xf32, #tpu.memory_space<vmem>>, vector<1000x128xf32>
    %add3A = arith.addf %get3A_1, %get3A_4 : vector<1000x128xf32>
    %get3A_5 = arith.constant 0 : index
    %get3A_6 = arith.constant 0 : index
    %get3A_7 = vector.load %arg3[%get3A_5, %get3A_6] : memref<1000x128xf32, #tpu.memory_space<vmem>>, vector<1000x128xf32>
    %add3A_8 = arith.addf %add3A, %get3A_7 : vector<1000x128xf32>
    %get3A_9 = arith.constant 0 : index
    %get3A_10 = arith.constant 0 : index
    %get3A_11 = vector.load %arg4[%get3A_9, %get3A_10] : memref<1000x1xf32, #tpu.memory_space<vmem>>, vector<1000x1xf32>
    %mul3A = vector.broadcast %get3A_11 : vector<1000x1xf32> to vector<1000x128xf32>
    %mul3A_12 = arith.mulf %mul3A, %add3A_8 : vector<1000x128xf32>
    %get3A_13 = arith.constant 0 : index
    %get3A_14 = arith.constant 0 : index
    %get3A_15 = vector.load %arg5[%get3A_13, %get3A_14] : memref<1x128xf32, #tpu.memory_space<vmem>>, vector<1x128xf32>
    %add3A_16 = vector.broadcast %get3A_15 : vector<1x128xf32> to vector<1000x128xf32>
    %add3A_17 = arith.addf %mul3A_12, %add3A_16 : vector<1000x128xf32>
    %max3A = arith.constant 0.000000e+00 : f32
    %max3A_18 = vector.broadcast %max3A : f32 to vector<1000x128xf32>
    %max3A_19 = arith.maximumf %add3A_17, %max3A_18 : vector<1000x128xf32>
    %get3A_20 = arith.constant 0 : index
    %get3A_21 = arith.constant 0 : index
    %get3A_22 = vector.load %arg4[%get3A_20, %get3A_21] : memref<1000x1xf32, #tpu.memory_space<vmem>>, vector<1000x1xf32>
    %get3A_23 = arith.constant 0 : index
    %get3A_24 = arith.constant 0 : index
    %get3A_25 = vector.load %arg6[%get3A_23, %get3A_24] : memref<128x128xf32, #tpu.memory_space<vmem>>, vector<128x128xf32>
    %dot_general3A = arith.constant dense<0.000000e+00> : vector<1000x128xf32>
    %dot_general3A_26 = tpu.matmul %max3A_19, %get3A_25, %dot_general3A {dimension_numbers = #tpu.dot_dimension_numbers<[1], [0], [0], [1], [0, 0, 1, 1], [], []>, transpose_lhs_hint = false} : vector<1000x128xf32>, vector<128x128xf32>, vector<1000x128xf32> -> vector<1000x128xf32>
    %mul3A_27 = vector.broadcast %get3A_22 : vector<1000x1xf32> to vector<1000x128xf32>
    %mul3A_28 = arith.mulf %mul3A_27, %dot_general3A_26 : vector<1000x128xf32>
    %swap3A = arith.constant 0 : index
    %swap3A_29 = arith.constant 0 : index
    %swap3A_30 = vector.load %arg7[%swap3A, %swap3A_29] : memref<1000x128xf32, #tpu.memory_space<vmem>>, vector<1000x128xf32>
    tpu.vector_store %arg7[%swap3A, %swap3A_29], %mul3A_28 {strides = array<i32>} : memref<1000x128xf32, #tpu.memory_space<vmem>>, vector<1000x128xf32>,
    return
  }
  func.func @transform_0(%arg0: i32) -> (i32, i32) {
    %c0_i32 = arith.constant 0 : i32
    %c0_i32_0 = arith.constant 0 : i32
    return %arg0, %c0_i32 : i32, i32
  }
  func.func @transform_1(%arg0: i32) -> (i32, i32) {
    %c0_i32 = arith.constant 0 : i32
    %c0_i32_0 = arith.constant 0 : i32
    return %arg0, %c0_i32 : i32, i32
  }
  func.func @transform_2(%arg0: i32) -> (i32, i32) {
    %c0_i32 = arith.constant 0 : i32
    %c0_i32_0 = arith.constant 0 : i32
    return %arg0, %c0_i32 : i32, i32
  }
  func.func @transform_3(%arg0: i32) -> (i32, i32) {
    %c0_i32 = arith.constant 0 : i32
    %c0_i32_0 = arith.constant 0 : i32
    return %arg0, %c0_i32 : i32, i32
  }
  func.func @transform_4(%arg0: i32) -> (i32, i32) {
    %c0_i32 = arith.constant 0 : i32
    %c0_i32_0 = arith.constant 0 : i32
    %c0_i32_1 = arith.constant 0 : i32
    return %c0_i32, %c0_i32_0 : i32, i32
  }
  func.func @transform_5(%arg0: i32) -> (i32, i32) {
    %c0_i32 = arith.constant 0 : i32
    %c0_i32_0 = arith.constant 0 : i32
    %c0_i32_1 = arith.constant 0 : i32
    return %c0_i32, %c0_i32_0 : i32, i32
  }
  func.func @transform_6(%arg0: i32) -> (i32, i32) {
    %c0_i32 = arith.constant 0 : i32
    %c0_i32_0 = arith.constant 0 : i32
    return %arg0, %c0_i32 : i32, i32
  }
}

module attributes {stable_mosaic.version = 14 : i64} {
  func.func @body(%arg0: i32, %arg1: memref<1000x128xf32, #tpu.memory_space<vmem>>, %arg2: memref<1000x128xf32, #tpu.memory_space<vmem>>, %arg3: memref<1000x128xf32, #tpu.memory_space<vmem>>, %arg4: memref<1000x1xf32, #tpu.memory_space<vmem>>, %arg5: memref<1x128xf32, #tpu.memory_space<vmem>>, %arg6: memref<1x1x1000xi32, #tpu.memory_space<vmem>>, %arg7: memref<128x9044xf32, #tpu.memory_space<vmem>>, %arg8: memref<1x9044xf32, #tpu.memory_space<vmem>>, %arg9: memref<64x9044xf32, #tpu.memory_space<vmem>>, %arg10: memref<64x128xf32, #tpu.memory_space<vmem>>, %arg11: memref<64x1xf32, #tpu.memory_space<vmem>>) attributes {dimension_semantics = [#tpu.dimension_semantics<arbitrary>], iteration_bounds = array<i64: 10>, scalar_prefetch = 0 : i64, scratch_operands = 2 : i64, tpu.core_type = #tpu.core_type<tc>, window_params = [{transform_indices = @transform_0, window_bounds = array<i64: 1000, 128>}, {transform_indices = @transform_1, window_bounds = array<i64: 1000, 128>}, {transform_indices = @transform_2, window_bounds = array<i64: 1000, 128>}, {transform_indices = @transform_3, window_bounds = array<i64: 1000, 1>}, {pipeline_mode = #tpu.pipeline_mode<synchronous>, transform_indices = @transform_4, window_bounds = array<i64: 1, 128>}, {transform_indices = @transform_5, window_bounds = array<i64: 1, 1, 1000>}, {pipeline_mode = #tpu.pipeline_mode<synchronous>, transform_indices = @transform_6, window_bounds = array<i64: 128, 9044>}, {pipeline_mode = #tpu.pipeline_mode<synchronous>, transform_indices = @transform_7, window_bounds = array<i64: 1, 9044>}, {pipeline_mode = #tpu.pipeline_mode<synchronous>, transform_indices = @transform_8, window_bounds = array<i64: 64, 9044>}]} {
    %eq3A = arith.constant 0 : i32
    %eq3A_0 = arith.cmpi eq, %arg0, %eq3A : i32
    %convert_element_type3A = arith.extui %eq3A_0 : i1 to i32
    %cond3A = arith.constant 0 : i32
    %cond3A_1 = arith.cmpi ne, %convert_element_type3A, %cond3A : i32
    scf.if %cond3A_1 {
      %broadcast_in_dim3A_44 = arith.constant 0.000000e+00 : f32
      %broadcast_in_dim3A_45 = vector.broadcast %broadcast_in_dim3A_44 : f32 to vector<64x128xf32>
      %swap3A_46 = arith.constant 0 : index
      %swap3A_47 = arith.constant 0 : index
      %swap3A_48 = vector.load %arg10[%swap3A_46, %swap3A_47] : memref<64x128xf32, #tpu.memory_space<vmem>>, vector<64x128xf32>
      tpu.vector_store %arg10[%swap3A_46, %swap3A_47], %broadcast_in_dim3A_45 {strides = array<i32>} : memref<64x128xf32, #tpu.memory_space<vmem>>, vector<64x128xf32>,
      %broadcast_in_dim3A_49 = arith.constant 0.000000e+00 : f32
      %broadcast_in_dim3A_50 = vector.broadcast %broadcast_in_dim3A_49 : f32 to vector<64x1xf32>
      %swap3A_51 = arith.constant 0 : index
      %swap3A_52 = arith.constant 0 : index
      %swap3A_53 = vector.load %arg11[%swap3A_51, %swap3A_52] : memref<64x1xf32, #tpu.memory_space<vmem>>, vector<64x1xf32>
      tpu.vector_store %arg11[%swap3A_51, %swap3A_52], %broadcast_in_dim3A_50 {strides = array<i32>} : memref<64x1xf32, #tpu.memory_space<vmem>>, vector<64x1xf32>,
    } else {
    }
    %get3A = arith.constant 0 : index
    %get3A_2 = arith.constant 0 : index
    %get3A_3 = vector.load %arg4[%get3A, %get3A_2] : memref<1000x1xf32, #tpu.memory_space<vmem>>, vector<1000x1xf32>
    %get3A_4 = arith.constant 0 : index
    %get3A_5 = arith.constant 0 : index
    %get3A_6 = vector.load %arg1[%get3A_4, %get3A_5] : memref<1000x128xf32, #tpu.memory_space<vmem>>, vector<1000x128xf32>
    %get3A_7 = arith.constant 0 : index
    %get3A_8 = arith.constant 0 : index
    %get3A_9 = vector.load %arg2[%get3A_7, %get3A_8] : memref<1000x128xf32, #tpu.memory_space<vmem>>, vector<1000x128xf32>
    %add3A = arith.addf %get3A_6, %get3A_9 : vector<1000x128xf32>
    %get3A_10 = arith.constant 0 : index
    %get3A_11 = arith.constant 0 : index
    %get3A_12 = vector.load %arg3[%get3A_10, %get3A_11] : memref<1000x128xf32, #tpu.memory_space<vmem>>, vector<1000x128xf32>
    %add3A_13 = arith.addf %add3A, %get3A_12 : vector<1000x128xf32>
    %mul3A = vector.broadcast %get3A_3 : vector<1000x1xf32> to vector<1000x128xf32>
    %mul3A_14 = arith.mulf %mul3A, %add3A_13 : vector<1000x128xf32>
    %get3A_15 = arith.constant 0 : index
    %get3A_16 = arith.constant 0 : index
    %get3A_17 = arith.constant 0 : index
    %get3A_18 = vector.load %arg6[%get3A_15, %get3A_16, %get3A_17] : memref<1x1x1000xi32, #tpu.memory_space<vmem>>, vector<1x1x1000xi32>
    %reshape3A = vector.shape_cast %get3A_18 : vector<1x1x1000xi32> to vector<1x1000xi32>
    %iota3A = tpu.iota {dimensions = array<i32: 0>} : vector<64x1xi32>
    %eq3A_19 = vector.broadcast %reshape3A : vector<1x1000xi32> to vector<64x1000xi32>
    %eq3A_20 = vector.broadcast %iota3A : vector<64x1xi32> to vector<64x1000xi32>
    %eq3A_21 = arith.cmpi eq, %eq3A_19, %eq3A_20 : vector<64x1000xi32>
    %convert_element_type3A_22 = arith.extui %eq3A_21 : vector<64x1000xi1> to vector<64x1000xi32>
    %convert_element_type3A_23 = arith.sitofp %convert_element_type3A_22 : vector<64x1000xi32> to vector<64x1000xf32>
    %get3A_24 = arith.constant 0 : index
    %get3A_25 = arith.constant 0 : index
    %get3A_26 = vector.load %arg10[%get3A_24, %get3A_25] : memref<64x128xf32, #tpu.memory_space<vmem>>, vector<64x128xf32>
    %dot_general3A = arith.constant dense<0.000000e+00> : vector<64x128xf32>
    %dot_general3A_27 = tpu.matmul %convert_element_type3A_23, %mul3A_14, %dot_general3A {dimension_numbers = #tpu.dot_dimension_numbers<[1], [0], [0], [1], [0, 0, 1, 1], [], []>, transpose_lhs_hint = false} : vector<64x1000xf32>, vector<1000x128xf32>, vector<64x128xf32> -> vector<64x128xf32>
    %add3A_28 = arith.addf %get3A_26, %dot_general3A_27 : vector<64x128xf32>
    %swap3A = arith.constant 0 : index
    %swap3A_29 = arith.constant 0 : index
    %swap3A_30 = vector.load %arg10[%swap3A, %swap3A_29] : memref<64x128xf32, #tpu.memory_space<vmem>>, vector<64x128xf32>
    tpu.vector_store %arg10[%swap3A, %swap3A_29], %add3A_28 {strides = array<i32>} : memref<64x128xf32, #tpu.memory_space<vmem>>, vector<64x128xf32>,
    %get3A_31 = arith.constant 0 : index
    %get3A_32 = arith.constant 0 : index
    %get3A_33 = vector.load %arg11[%get3A_31, %get3A_32] : memref<64x1xf32, #tpu.memory_space<vmem>>, vector<64x1xf32>
    %reduce_sum3A = arith.constant dense<0.000000e+00> : vector<64xf32>
    %reduce_sum3A_34 = vector.multi_reduction <add>, %convert_element_type3A_23, %reduce_sum3A [1] : vector<64x1000xf32> to vector<64xf32>
    %broadcast_in_dim3A = vector.shape_cast %reduce_sum3A_34 : vector<64xf32> to vector<64x1xf32>
    %add3A_35 = arith.addf %get3A_33, %broadcast_in_dim3A : vector<64x1xf32>
    %swap3A_36 = arith.constant 0 : index
    %swap3A_37 = arith.constant 0 : index
    %swap3A_38 = vector.load %arg11[%swap3A_36, %swap3A_37] : memref<64x1xf32, #tpu.memory_space<vmem>>, vector<64x1xf32>
    tpu.vector_store %arg11[%swap3A_36, %swap3A_37], %add3A_35 {strides = array<i32>} : memref<64x1xf32, #tpu.memory_space<vmem>>, vector<64x1xf32>,
    %eq3A_39 = arith.constant 9 : i32
    %eq3A_40 = arith.cmpi eq, %arg0, %eq3A_39 : i32
    %convert_element_type3A_41 = arith.extui %eq3A_40 : i1 to i32
    %cond3A_42 = arith.constant 0 : i32
    %cond3A_43 = arith.cmpi ne, %convert_element_type3A_41, %cond3A_42 : i32
    scf.if %cond3A_43 {
      %get3A_44 = arith.constant 0 : index
      %get3A_45 = arith.constant 0 : index
      %get3A_46 = vector.load %arg10[%get3A_44, %get3A_45] : memref<64x128xf32, #tpu.memory_space<vmem>>, vector<64x128xf32>
      %get3A_47 = arith.constant 0 : index
      %get3A_48 = arith.constant 0 : index
      %get3A_49 = vector.load %arg11[%get3A_47, %get3A_48] : memref<64x1xf32, #tpu.memory_space<vmem>>, vector<64x1xf32>
      %max3A = arith.constant 1.000000e+00 : f32
      %max3A_50 = vector.broadcast %max3A : f32 to vector<64x1xf32>
      %max3A_51 = arith.maximumf %get3A_49, %max3A_50 : vector<64x1xf32>
      %div3A = vector.broadcast %max3A_51 : vector<64x1xf32> to vector<64x128xf32>
      %div3A_52 = arith.divf %get3A_46, %div3A : vector<64x128xf32>
      %get3A_53 = arith.constant 0 : index
      %get3A_54 = arith.constant 0 : index
      %get3A_55 = vector.load %arg5[%get3A_53, %get3A_54] : memref<1x128xf32, #tpu.memory_space<vmem>>, vector<1x128xf32>
      %add3A_56 = vector.broadcast %get3A_55 : vector<1x128xf32> to vector<64x128xf32>
      %add3A_57 = arith.addf %div3A_52, %add3A_56 : vector<64x128xf32>
      %get3A_58 = arith.constant 0 : index
      %get3A_59 = arith.constant 0 : index
      %get3A_60 = vector.load %arg7[%get3A_58, %get3A_59] : memref<128x9044xf32, #tpu.memory_space<vmem>>, vector<128x9044xf32>
      %dot_general3A_61 = arith.constant dense<0.000000e+00> : vector<64x9044xf32>
      %dot_general3A_62 = tpu.matmul %add3A_57, %get3A_60, %dot_general3A_61 {dimension_numbers = #tpu.dot_dimension_numbers<[1], [0], [0], [1], [0, 0, 1, 1], [], []>, transpose_lhs_hint = false} : vector<64x128xf32>, vector<128x9044xf32>, vector<64x9044xf32> -> vector<64x9044xf32>
      %get3A_63 = arith.constant 0 : index
      %get3A_64 = arith.constant 0 : index
      %get3A_65 = vector.load %arg8[%get3A_63, %get3A_64] : memref<1x9044xf32, #tpu.memory_space<vmem>>, vector<1x9044xf32>
      %add3A_66 = vector.broadcast %get3A_65 : vector<1x9044xf32> to vector<64x9044xf32>
      %add3A_67 = arith.addf %dot_general3A_62, %add3A_66 : vector<64x9044xf32>
      %swap3A_68 = arith.constant 0 : index
      %swap3A_69 = arith.constant 0 : index
      %swap3A_70 = vector.load %arg9[%swap3A_68, %swap3A_69] : memref<64x9044xf32, #tpu.memory_space<vmem>>, vector<64x9044xf32>
      tpu.vector_store %arg9[%swap3A_68, %swap3A_69], %add3A_67 {strides = array<i32>} : memref<64x9044xf32, #tpu.memory_space<vmem>>, vector<64x9044xf32>,
    } else {
    }
    return
  }
  func.func @transform_0(%arg0: i32) -> (i32, i32) {
    %c0_i32 = arith.constant 0 : i32
    %c0_i32_0 = arith.constant 0 : i32
    return %arg0, %c0_i32 : i32, i32
  }
  func.func @transform_1(%arg0: i32) -> (i32, i32) {
    %c0_i32 = arith.constant 0 : i32
    %c0_i32_0 = arith.constant 0 : i32
    return %arg0, %c0_i32 : i32, i32
  }
  func.func @transform_2(%arg0: i32) -> (i32, i32) {
    %c0_i32 = arith.constant 0 : i32
    %c0_i32_0 = arith.constant 0 : i32
    return %arg0, %c0_i32 : i32, i32
  }
  func.func @transform_3(%arg0: i32) -> (i32, i32) {
    %c0_i32 = arith.constant 0 : i32
    %c0_i32_0 = arith.constant 0 : i32
    return %arg0, %c0_i32 : i32, i32
  }
  func.func @transform_4(%arg0: i32) -> (i32, i32) {
    %c0_i32 = arith.constant 0 : i32
    %c0_i32_0 = arith.constant 0 : i32
    %c0_i32_1 = arith.constant 0 : i32
    return %c0_i32, %c0_i32_0 : i32, i32
  }
  func.func @transform_5(%arg0: i32) -> (i32, i32, i32) {
    %c0_i32 = arith.constant 0 : i32
    %c0_i32_0 = arith.constant 0 : i32
    %c0_i32_1 = arith.constant 0 : i32
    return %arg0, %c0_i32, %c0_i32_0 : i32, i32, i32
  }
  func.func @transform_6(%arg0: i32) -> (i32, i32) {
    %c0_i32 = arith.constant 0 : i32
    %c0_i32_0 = arith.constant 0 : i32
    %c0_i32_1 = arith.constant 0 : i32
    return %c0_i32, %c0_i32_0 : i32, i32
  }
  func.func @transform_7(%arg0: i32) -> (i32, i32) {
    %c0_i32 = arith.constant 0 : i32
    %c0_i32_0 = arith.constant 0 : i32
    %c0_i32_1 = arith.constant 0 : i32
    return %c0_i32, %c0_i32_0 : i32, i32
  }
  func.func @transform_8(%arg0: i32) -> (i32, i32) {
    %c0_i32 = arith.constant 0 : i32
    %c0_i32_0 = arith.constant 0 : i32
    %c0_i32_1 = arith.constant 0 : i32
    return %c0_i32, %c0_i32_0 : i32, i32
  }
}

</mosaic_0001>

<sc_bundles>
// kernel: kernel.11.cloned.1.call-start
scs
__scs_entry_jumppad:
0x0: {  	(pc) =	sbr.rel $0x88, $3  }
0x1: {  	(tag) =	ssettag $0x0;
	lr =	simm.s32 $0x1  }
0x2: {  	[smem:$0x3F98] =	sst lr;
	_ =	strace $0xD0000000  }
0x3: {  	_ = 	snop  }
0x4: {  	_ = 	snop  }
0x5: {  	_ = 	snop  }
0x6: {  	_ = 	snop  }
0x7: {  	_ = 	snop  }
__scs_overlays_trampoline_lowered:
0x8: {  	[smem:$0x3FA7] =	sst s0  }
0x9: {  	[smem:$0x3FA8] =	sst s1  }
0xa: {  	[smem:$0x3FA9] =	sst s2  }
0xb: {  	[smem:$0x3FAA] =	sst s3  }
0xc: {  	[smem:$0x3FAB] =	sst s4  }
0xd: {  	[smem:$0x3FAC] =	sst s5  }
0xe: {  	[smem:$0x3FAD] =	sst s6  }
0xf: {  	[smem:$0x3FAE] =	sst s7  }
0x10: {  	[smem:$0x3FAF] =	sst s8  }
0x11: {  	[smem:$0x3FB0] =	sst s9;
	s0 =	simm.s32 @!p0 $0x0  }
0x12: {  	s1 =	sld [smem:$0x3F96];
	s0 =	simm.s32 @p0 $0x1  }
0x13: {  	[smem:$0x3FB1] =	sst s0;
	s0 =	simm.s32 @!p1 $0x0  }
0x14: {  	s2 =	sld [smem:$0x3F95];
	s0 =	simm.s32 @p1 $0x1  }
0x15: {  	[smem:$0x3FB2] =	sst s0;
	s0 =	simm.s32 @!p2 $0x0  }
0x16: {  	s3 =	sld [smem:$0x3FDB];
	s0 =	simm.s32 @p2 $0x1  }
0x17: {  	s4 =	simm.s32 $0x1BF5;
	[smem:$0x3FB4] =	sst s0  }
0x18: {  	s0 =	sld [smem:$0x3F97];
	_ =	swait.ge [sflag:s4], $0x0  }
0x19: {  	s7 =	sld [smem:$0x3F98]  }
0x1a: {  	s8 =	sadd.s32 $0xFFFFE003, lr  }
0x1b: {  	s9 =	sadd.s32 $0xFFFFFEF7, lr;
	s5 =	simm.s32 $0xFFFFFFFF;
	p2 =	slt.u32 s8, $0xFFFFF086  }
0x1c: {  	p1 =	slt.u32 s9, $0xF7A;
	s5 =	simm.s32 @!p2 $0x0  }
0x1d: {  	s5 =	simm.s32 @p1 $0x1;
	p0 =	seq.s32 s7, s2  }
0x1e: {  	s7 =	smul.u32 @!p0 $0xF7A, s2;
	p2 =	seq.s32 @!p0 s5, $0x0  }
0x1f: {  	s9 =	smul.u32 $0xF7A, s1;
	s8 =	simm.s32 @!p0 $0x1BF5;
	p2 =	por !p2, p0  }
0x20: {  	[sflag:s8] =	ssyncset.s32 @!p0 $0xFFFFF086;
	s6 =	sadd.s32 @!p0 s3, s7;
	s7 =	simm.s32 @!p0 $0x108  }
0x21: {  	s3 =	sadd.s32 s3, s9;
	s6 =	sadd.s32 @!p0 $0x88, s6;
	s7 =	simm.s32 @p2 $0x1082  }
0x22: {  	[simem:s7], [sflag:s8] =	dma.local @!p0 [hbm:s6], $0xF7A  }
0x23: {  	s9 =	sor.u32 $0xD0000000, s2;
	s6 =	simm.s32 $0x108;
	_ =	swait.ge @!p0 [sflag:s8], $0x0  }
0x24: {  	s3 =	sadd.s32 $0x88, s3;
	s6 =	simm.s32 @!p1 $0x1082;
	[sflag:s4] =	ssyncset.s32 $0xFFFFF086  }
0x25: {  	[simem:s6], [sflag:s4] =	dma.local [hbm:s3], $0xF7A  }
0x26: {  	[smem:$0x3F98] =	sst s1;
	(tag) =	ssettag s2;
	_ =	strace s9  }
0x27: {  	s1 =	sld [smem:$0x3FA8]  }
0x28: {  	s2 =	sld [smem:$0x3FA9]  }
0x29: {  	s4 =	sld [smem:$0x3FAB]  }
0x2a: {  	p0 =	seq.s32 s5, $0x0;
	s5 =	sld [smem:$0x3FAC]  }
0x2b: {  	s6 =	sld [smem:$0x3FAD]  }
0x2c: {  	s7 =	sld [smem:$0x3FAE]  }
0x2d: {  	s3 =	simm.s32 $0x108;
	s8 =	sld [smem:$0x3FAF]  }
0x2e: {  	s3 =	simm.s32 @!p0 $0x1082;
	s9 =	sld [smem:$0x3FB0]  }
0x2f: {  	lr =	sadd.s32 s0, s3;
	s0 =	sld [smem:$0x3FA7]  }
0x30: {  	s3 =	sld [smem:$0x3FAA]  }
0x31: {  	[smem:$0x3FB3] =	sst s10  }
0x32: {  	s10 =	sld [smem:$0x3FB1];
	_ =	sdelay $0x3  }
0x33: {  	p0 =	seq.s32 s10, $0x1;
	s10 =	sld [smem:$0x3FB3];
	_ =	sdelay $0x3  }
0x34: {  	[smem:$0x3FB3] =	sst s10  }
0x35: {  	s10 =	sld [smem:$0x3FB2];
	_ =	sdelay $0x3  }
0x36: {  	p1 =	seq.s32 s10, $0x1;
	s10 =	sld [smem:$0x3FB3];
	_ =	sdelay $0x3  }
0x37: {  	[smem:$0x3FB3] =	sst s10  }
0x38: {  	s10 =	sld [smem:$0x3FB4]  }
0x39: {  	_ = 	snop;
	(pc) =	sbr.ind lr, $3  }
0x3a: {  	_ = 	snop  }
0x3b: {  	_ = 	snop  }
0x3c: {  	p2 =	seq.s32 s10, $0x1;
	s10 =	sld [smem:$0x3FB3]  }
0x3d: {  	_ =	shalt  }
0x3e: {  	_ =	shalt  }
0x3f: {  	_ =	shalt  }
0x40: {  	_ =	shalt  }
0x41: {  	_ =	shalt  }
0x42: {  	_ =	shalt  }
0x43: {  	_ =	shalt  }
0x44: {  	_ =	shalt  }
0x45: {  	_ =	shalt  }
0x46: {  	_ =	shalt  }
0x47: {  	_ =	shalt  }
0x48: {  	_ =	shalt  }
0x49: {  	_ =	shalt  }
0x4a: {  	_ =	shalt  }
0x4b: {  	_ =	shalt  }
0x4c: {  	_ =	shalt  }
0x4d: {  	_ =	shalt  }
0x4e: {  	_ =	shalt  }
0x4f: {  	_ =	shalt  }
0x50: {  	_ =	shalt  }
0x51: {  	_ =	shalt  }
0x52: {  	_ =	shalt  }
0x53: {  	_ =	shalt  }
0x54: {  	_ =	shalt  }
0x55: {  	_ =	shalt  }
0x56: {  	_ =	shalt  }
0x57: {  	_ =	shalt  }
0x58: {  	_ =	shalt  }
0x59: {  	_ =	shalt  }
0x5a: {  	_ =	shalt  }
0x5b: {  	_ =	shalt  }
0x5c: {  	_ =	shalt  }
0x5d: {  	_ =	shalt  }
0x5e: {  	_ =	shalt  }
0x5f: {  	_ =	shalt  }
0x60: {  	_ =	shalt  }
0x61: {  	_ =	shalt  }
0x62: {  	_ =	shalt  }
0x63: {  	_ =	shalt  }
0x64: {  	_ =	shalt  }
0x65: {  	_ =	shalt  }
0x66: {  	_ =	shalt  }
0x67: {  	_ =	shalt  }
0x68: {  	_ =	shalt  }
0x69: {  	_ =	shalt  }
0x6a: {  	_ =	shalt  }
0x6b: {  	_ =	shalt  }
0x6c: {  	_ =	shalt  }
0x6d: {  	_ =	shalt  }
0x6e: {  	_ =	shalt  }
0x6f: {  	_ =	shalt  }
0x70: {  	_ =	shalt  }
0x71: {  	_ =	shalt  }
0x72: {  	_ =	shalt  }
0x73: {  	_ =	shalt  }
0x74: {  	_ =	shalt  }
0x75: {  	_ =	shalt  }
0x76: {  	_ =	shalt  }
0x77: {  	_ =	shalt  }
0x78: {  	_ =	shalt  }
0x79: {  	_ =	shalt  }
0x7a: {  	_ =	shalt  }
0x7b: {  	_ =	shalt  }
0x7c: {  	_ =	shalt  }
0x7d: {  	_ =	shalt  }
0x7e: {  	_ =	shalt  }
0x7f: {  	_ =	shalt  }
0x80: {  	_ =	shalt  }
0x81: {  	_ =	shalt  }
0x82: {  	_ =	shalt  }
0x83: {  	_ =	shalt  }
0x84: {  	_ =	shalt  }
0x85: {  	_ =	shalt  }
0x86: {  	_ =	shalt  }
0x87: {  	_ =	shalt  }
.Lfunc_end0:
.L_simem_size_0:
called_computation.1_lowered:
.L_overlay_start_0:
0x88: {  	s2 =	sld [smem:$0x3FD9]  }
0x89: {  	s3 =	sld [smem:$0x3FFE];
	_ =	sdelay $0x1  }
0x8a: {  	s1 =	srdreg.scid  }
0x8b: {  	s0 =	sand.u32 $0x1, s1  }
0x8c: {  	s16 =	sshll.u32 s0, $0xA;
	s2 =	sadd.s32 s3, s2  }
0x8d: {  	s2 =	sadd.s32 s2, s16  }
0x8e: {  	[smem:$0x3FBF] =	sst s2  }
0x8f: {  	_ = 	snop  }
0x90: {  	(tm) =	ssettm $0x1  }
0x91: {  	s17 =	sld [smem:$0x3FFB];
	_ =	sdelay $0x3  }
0x92: {  	_ =	strace s17  }
0x93: {  	s2 =	sld [smem:$0x3FFC];
	_ =	sdelay $0x3  }
0x94: {  	_ =	strace s2  }
0x95: {  	s2 =	sld [smem:$0x3FFD];
	_ =	sdelay $0x3  }
0x96: {  	_ =	strace s2  }
0x97: {  	_ =	strace $0x8FFFFFFF  }
0x98: {  	s18 =	sld [smem:$0x3FDB];
	_ =	sdelay $0x1  }
0x99: {  	s19 =	simm.s32 $_scs_section_size  }
0x9a: {  	s4 =	simm.s32 $_size__tile_overlayer_lowered;
	s5 =	simm.s32 $_tile_overlayer_lowered  }
0x9b: {  	s22 =	simm.s32 $0x1BFF;
	s21 =	sshll.u32 s5, $0x1;
	s2 =	sadd.s32 s19, s18  }
0x9c: {  	s6 =	simm.s32 $0x0;
	s20 =	sshll.u32 s4, $0x1;
	s4 =	sadd.s32 s21, s2  }
0x9d: {  	[timem:s6], [sflag:s22] =	dma.local [hbm:s4], s20  }
0x9e: {  	_ =	swait.ge [sflag:s22], s20  }
0x9f: {  	s3 =	ssub.s32 $0x0, s20;
	[sflag:s22] =	ssyncset.done $0x0  }
0xa0: {  	[sflag:s22] =	ssyncadd.s32 s3;
	_ =	sdelay $0x1  }
0xa1: {  	s23 =	simm.s32 $0x1B8B  }
0xa2: {  	_ =	swait.ge [sflag:s23], $0x1  }
0xa3: {  	[sflag:s23] =	ssyncset.done $0x0  }
0xa4: {  	s25 =	simm.s32 $0x1B8E;
	s24 =	sld [smem:$0x3FFE];
	[sflag:s23] =	ssyncadd.s32 $0xFFFFFFFF  }
0xa5: {  	s26 =	simm.s32 $execute0_lowered;
	[smem:$0x3FD2] =	sst s25  }
0xa6: {  	s4 =	sshll.u32 s26, $0x1;
	_ =	strace $0x80000049;
	[dreg:$0x1] =	wrdreg $0xFFFFFFFF  }
0xa7: {  	s28 =	simm.s32 $_size_execute0_lowered;
	s2 =	sadd.s32 s2, s4;
	[dreg:$0x0] =	wrdreg $0x0  }
0xa8: {  	s4 =	sshll.u32 s28, $0x1;
	[dreg:$0x2] =	wrdreg s2  }
0xa9: {  	[dreg:$0x3] =	wrdreg s4  }
0xaa: {  	[dreg:$0x4] =	wrdreg $0xC0  }
0xab: {  	_ =	task [dreg:s6], $0x5FFFF  }
0xac: {  	[dreg:$0x1] =	wrdreg $0xFFFFFFFF  }
0xad: {  	[dreg:$0x0] =	wrdreg $0x60  }
0xae: {  	[dreg:$0x2] =	wrdreg s24  }
0xaf: {  	[dreg:$0x3] =	wrdreg $0xC4000  }
0xb0: {  	[dreg:$0x4] =	wrdreg $0x9  }
0xb1: {  	_ =	task.clear_ibuf [dreg:s6], $0x5FFFF;
	_ =	strace $0x90000049  }
0xb2: {  	s29 =	simm.s32 $0x9;
	_ =	strace $0x8000004B  }
0xb3: {  	_ =	swait.ge [sflag:s29], $0x1  }
0xb4: {  	[sflag:s29] =	ssyncadd.s32 $0xFFFFFFFF  }
0xb5: {  	_ =	strace $0x9000004B  }
0xb6: {  	_ =	sfence  }
0xb7: {  	s30 =	sld [smem:$0x0];
	_ =	sdelay $0x2  }
0xb8: {  	s31 =	sshll.u32 s1, $0xD;
	s1 =	sshrl.u32 s1, $0x2  }
0xb9: {  	s3 =	sand.u32 $0x4000, s31;
	s1 =	sadd.s32 s1, s30  }
0xba: {  	s0 =	sor.u32 s3, s0;
	s1 =	sshll.u32 s1, $0x11  }
0xbb: {  	s0 =	sor.u32 s1, s0  }
0xbc: {  	s0 =	sadd.s32 $0x8F2B, s0  }
0xbd: {  	[sflag:s0] =	ssyncadd.remote.s32 $0x1  }
0xbe: {  	_ =	sfence.sel $0xFFFF  }
0xbf: {  	[dreg:$0x0] =	wrdreg $0xFFFFFFFF;
	(pc) =	sbr.abs _section_cstart, $3  }
0xc0: {  	[dreg:$0x1] =	wrdreg $0xFFFFFFFF  }
0xc1: {  	_ =	task.clear_ibuf [dreg:s6], $0x2FFFF;
	_ =	strace $0x9FFFFFFF  }
0xc2: {  	(tm) =	ssettm $0x7FFFFFFF  }
0xc3: {  	_ =	shalt  }
tec
execute0_lowered:
.L_overlay_start_1:
0x0: {  	(tag) =	ssettag $0x1  }
0x1: {  	s0 =	rddreg [dreg:$0x0]  }
0x2: {  	s1 =	rddreg [dreg:$0x1];
	s3 =	simm.s32 $0x0;
	s4 =	srdreg.scid  }
0x3: {  	s2 =	stileid.u32;
	s13 =	simm.s32 $0x5;
	s14 =	simm.s32 $0x40  }
0x4: {  	s15 =	simm.s32 $0x3C00;
	s17 =	simm.s32 $0x5C00;
	s19 =	simm.s32 $0x7C00  }
0x5: {  	s21 =	simm.s32 $0x9C00;
	s22 =	simm.s32 $0x1;
	s23 =	simm.s32 $0x2800  }
0x6: {  	s28 =	simm.s32 $0x3A80;
	s29 =	simm.s32 $0x3B80;
	s30 =	simm.s32 $0x0  }
0x7: {  	[smem:$0x7FF] =	sst s3;
	s6 =	sand.u32 $0x1, s4;
	s4 =	sadd.s32 $0x2C200, s0  }
0x8: {  	s8 =	sshll.u32 s2, $0x1;
	s5 =	sadd.s32 $0x18200, s0;
	s11 =	sshll.u32 s2, $0xB  }
0x9: {  	_ =	strace $0x8000004A;
	s7 =	smul.u32 $0x138800, s6;
	s8 =	sor.u32 s6, s8  }
0xa: {  	s10 =	ssub.s32 $0x2, s6;
	s20 =	sadd.s32 s11, s1;
	s6 =	smul.u32 $0x5000, s8  }
0xb: {  	s25 =	sshrl.u32 s10, $0x1;
	[dreg:$0x5] =	wrdreg s20;
	s9 =	sadd.s32 s11, s7  }
0xc: {  	s7 =	sadd.s32 $0x4200, s0;
	s26 =	ssub.s32 s10, s25;
	s25 =	simm.s32 $0x3  }
0xd: {  	s24 =	sshrl.u32 s9, $0x3;
	s31 =	sshrl.u32 s6, $0x3;
	s8 =	smax.u32 s26, $0x1  }
0xe: {  	s0 =	sadd.s32 s24, s0;
	s9 =	sadd.s32 s5, s31;
	[dreg:$0x4] =	wrdreg s8  }
0xf: {  	s26 =	simm.s32 $0x4;
	[dreg:$0x3] =	wrdreg s9;
	s0 =	sadd.s32 $0x7A600, s0  }
0x10: {  	v0 =	vimm.f32 $0.0e+00;
	s24 =	simm.s32 $0x2;
	s9 =	sadd.s32 $0x1400, s6;
	[dreg:$0x6] =	wrdreg s0  }
.LBB2_1:
0x11: {  	s0 =	simm.s32 $0x0;
	s8 =	simm.s32 $0x200  }
.LBB2_2:
0x12: {  	p0 =	sne.s32 s8, $0x1E00;
	[tilespmem:s0+$0xBC70] =	vst v0  }
0x13: {  	[tilespmem:s0+$0xBC00] =	vst v0  }
0x14: {  	[tilespmem:s0+$0xBC10] =	vst v0  }
.Ltmp0:
0x15: {  	[tilespmem:s0+$0xBC20] =	vst v0;
	(pc) =	sbr.rel @p0 .LBB2_2-.Ltmp0, $4  }
0x16: {  	[tilespmem:s0+$0xBC30] =	vst v0  }
0x17: {  	[tilespmem:s0+$0xBC40] =	vst v0  }
0x18: {  	[tilespmem:s0+$0xBC50] =	vst v0  }
0x19: {  	[tilespmem:s0+$0xBC60] =	vst v0;
	s0 =	sshra.s32 s8, $0x2;
	s8 =	sadd.s32 $0x200, s8  }
0x1a: {  	[tilespmem:s0+$0xBC70] =	vst v0  }
0x1b: {  	[tilespmem:s0+$0xBC00] =	vst v0  }
0x1c: {  	[tilespmem:s0+$0xBC10] =	vst v0  }
0x1d: {  	[tilespmem:s0+$0xBC20] =	vst v0  }
0x1e: {  	[tilespmem:s0+$0xBC30] =	vst v0  }
0x1f: {  	[tilespmem:s0+$0xBC40] =	vst v0;
	s8 =	sadd.s32 $0x0, s2  }
0x20: {  	[tilespmem:s0+$0xBC50] =	vst v0;
	p0 =	sgt.u32 s8, $0x270  }
0x21: {  	[tilespmem:s0+$0xBC60] =	vst v0;
	s0 =	simm.s32 @!p0 $0xBC00;
	s18 =	simm.s32 @!p0 $0x5  }
0x22: {  	[spmem:s20] =	stream.linear.scatter @!p0 [tilespmem:s0], [sflag:$0x5], $0x800, $0x38;
	[tilespmem:$0x1FE80] =	vst v63  }
0x23: {  	s16 =	simm.s32 $0x20;
	_ =	swait.ge @!p0 [sflag:s18], $0x800  }
0x24: {  	s8 =	simm.s32 $0x10;
	s0 =	sadd.s32 $0x8000, s20;
	[sflag:s18] =	ssyncset.done @!p0 $0x0  }
.LBB2_4:
0x25: {  	s20 =	sadd.s32 s8, s2;
	s8 =	smov.u32 s16;
	s16 =	sadd.s32 $0x10, s16  }
0x26: {  	[sflag:s18] =	ssyncadd.s32 @!p0 $0xFFFFF800;
	p1 =	sne.s32 s16, $0x280  }
.Ltmp1:
0x27: {  	p0 =	sgt.u32 s20, $0x270;
	(pc) =	sbr.rel @p1 .LBB2_4-.Ltmp1, $4  }
0x28: {  	s20 =	simm.s32 @!p0 $0xBC00;
	s18 =	simm.s32 @!p0 $0x5  }
0x29: {  	[spmem:s0] =	stream.linear.scatter @!p0 [tilespmem:s20], [sflag:$0x5], $0x800, $0x38;
	[tilespmem:$0x1FE80] =	vst v63  }
0x2a: {  	_ =	swait.ge @!p0 [sflag:s18], $0x800  }
0x2b: {  	s0 =	sadd.s32 $0x8000, s0;
	[sflag:s18] =	ssyncset.done @!p0 $0x0  }
0x2c: {  	s8 =	sadd.s32 s8, s2  }
0x2d: {  	p1 =	sgt.u32 s8, $0x270  }
0x2e: {  	[sflag:s18] =	ssyncadd.s32 @!p0 $0xFFFFF800;
	s8 =	simm.s32 @!p1 $0xBC00;
	s16 =	simm.s32 @!p1 $0x5  }
0x2f: {  	[spmem:s0] =	stream.linear.scatter @!p1 [tilespmem:s8], [sflag:$0x5], $0x800, $0x38;
	[tilespmem:$0x1FE80] =	vst v63  }
0x30: {  	_ =	swait.ge @!p1 [sflag:s16], $0x800  }
0x31: {  	[sflag:s16] =	ssyncset.done @!p1 $0x0  }
0x32: {  	s12 =	rddreg [dreg:$0x3];
	[sflag:s16] =	ssyncadd.s32 @!p1 $0xFFFFF800  }
0x33: {  	[tilespmem:s30], [sflag:$0x5] =	stream.linear.gather [hbm4b:s12+s30], $0x1400, $0x38;
	[tilespmem:$0x1FE80] =	vst v63  }
0x34: {  	_ =	swait.ge [sflag:s13], $0x1400  }
0x35: {  	[sflag:s13] =	ssyncset.done $0x0  }
0x36: {  	[sflag:s13] =	ssyncadd.s32 $0xFFFFEC00  }
0x37: {  	[tilespmem:s15], [sflag:$0x1] =	stream.indirect.gather [hbm4b:s4+s14], $0x80, s30, s14, $0xb8;
	[tilespmem:$0x1FE80] =	vst v63  }
0x38: {  	s16 =	simm.s32 $0x80  }
0x39: {  	[tilespmem:s17], [sflag:$0x2] =	stream.indirect.gather [hbm4b:s4+s14], $0x80, s16, s14, $0xb8;
	[tilespmem:$0x1FE80] =	vst v63  }
0x3a: {  	s18 =	simm.s32 $0x100  }
0x3b: {  	[tilespmem:s19], [sflag:$0x3] =	stream.indirect.gather [hbm4b:s4+s14], $0x80, s18, s14, $0xb8;
	[tilespmem:$0x1FE80] =	vst v63  }
0x3c: {  	s20 =	simm.s32 $0x180  }
0x3d: {  	[tilespmem:s21], [sflag:$0x4] =	stream.indirect.gather [hbm4b:s4+s14], $0x80, s20, s14, $0xb8;
	[tilespmem:$0x1FE80] =	vst v63  }
0x3e: {  	p0 =	por $0x0, $0x0;
	s31 =	simm.s32 $0x0;
	[bflag:$0x0] =	sbarrier.arrive $0xFFFF  }
.LBB2_6:
0x3f: {  	s16 =	smul.u32 $0x1400, s31;
	_ =	sdelay $0x1  }
0x40: {  	s0 =	sadd.s32 s6, s16  }
0x41: {  	s0 =	sshrl.u32 s0, $0x3  }
0x42: {  	s0 =	sadd.s32 s7, s0  }
0x43: {  	[tilespmem:s23], [sflag:$0x5] =	stream.linear.gather [hbm4b:s0+s30], $0x1400, $0x38;
	[tilespmem:$0x1FE80] =	vst v63  }
0x44: {  	_ =	swait.ge [sflag:s13], $0x1400  }
0x45: {  	[sflag:s13] =	ssyncset.done $0x0  }
0x46: {  	[sflag:s13] =	ssyncadd.s32 $0xFFFFEC00  }
0x47: {  	s0 =	simm.s32 $0x1;
	_ =	swait.ge [sflag:s22], $0x2000  }
0x48: {  	s0 =	simm.s32 @!p0 $0x0;
	[sflag:s22] =	ssyncset.done $0x0  }
0x49: {  	s8 =	simm.s32 $0x2800;
	s0 =	smul.u32 $0x5000, s0;
	[sflag:s22] =	ssyncadd.s32 $0xFFFFE000  }
0x4a: {  	[spmem:s1] =	stream.indirect.scatter.add.f32 [tilespmem:s15], [sflag:$0x5], $0x80, s8, s14, $0xb8;
	[tilespmem:$0x1FE80] =	vst v63  }
0x4b: {  	s18 =	sshrl.u32 s0, $0x2;
	_ =	swait.ge [sflag:s13], $0x2000  }
0x4c: {  	s8 =	sadd.s32 $0x0, s18;
	[sflag:s13] =	ssyncset.done $0x0  }
0x4d: {  	s12 =	sadd.s32 $0x200, s8;
	[sflag:s13] =	ssyncadd.s32 $0xFFFFE000  }
0x4e: {  	[tilespmem:s15], [sflag:$0x1] =	stream.indirect.gather [hbm4b:s4+s14], $0x80, s12, s14, $0xb8;
	[tilespmem:$0x1FE80] =	vst v63  }
0x4f: {  	_ =	swait.ge [sflag:s24], $0x2000  }
0x50: {  	[sflag:s24] =	ssyncset.done $0x0  }
0x51: {  	s20 =	simm.s32 $0x2880;
	[sflag:s24] =	ssyncadd.s32 $0xFFFFE000  }
0x52: {  	[spmem:s1] =	stream.indirect.scatter.add.f32 [tilespmem:s17], [sflag:$0x5], $0x80, s20, s14, $0xb8;
	[tilespmem:$0x1FE80] =	vst v63  }
0x53: {  	_ =	swait.ge [sflag:s13], $0x2000  }
0x54: {  	[sflag:s13] =	ssyncset.done $0x0  }
0x55: {  	s10 =	sadd.s32 $0x280, s8;
	[sflag:s13] =	ssyncadd.s32 $0xFFFFE000  }
0x56: {  	[tilespmem:s17], [sflag:$0x2] =	stream.indirect.gather [hbm4b:s4+s14], $0x80, s10, s14, $0xb8;
	[tilespmem:$0x1FE80] =	vst v63  }
0x57: {  	_ =	swait.ge [sflag:s25], $0x2000  }
0x58: {  	[sflag:s25] =	ssyncset.done $0x0  }
0x59: {  	s11 =	simm.s32 $0x2900;
	[sflag:s25] =	ssyncadd.s32 $0xFFFFE000  }
0x5a: {  	[spmem:s1] =	stream.indirect.scatter.add.f32 [tilespmem:s19], [sflag:$0x5], $0x80, s11, s14, $0xb8;
	[tilespmem:$0x1FE80] =	vst v63  }
0x5b: {  	_ =	swait.ge [sflag:s13], $0x2000  }
0x5c: {  	[sflag:s13] =	ssyncset.done $0x0  }
0x5d: {  	s12 =	sadd.s32 $0x300, s8;
	[sflag:s13] =	ssyncadd.s32 $0xFFFFE000  }
0x5e: {  	[tilespmem:s19], [sflag:$0x3] =	stream.indirect.gather [hbm4b:s4+s14], $0x80, s12, s14, $0xb8;
	[tilespmem:$0x1FE80] =	vst v63  }
0x5f: {  	_ =	swait.ge [sflag:s26], $0x2000  }
0x60: {  	[sflag:s26] =	ssyncset.done $0x0  }
0x61: {  	s20 =	simm.s32 $0x2980;
	[sflag:s26] =	ssyncadd.s32 $0xFFFFE000  }
0x62: {  	[spmem:s1] =	stream.indirect.scatter.add.f32 [tilespmem:s21], [sflag:$0x5], $0x80, s20, s14, $0xb8;
	[tilespmem:$0x1FE80] =	vst v63  }
0x63: {  	_ =	swait.ge [sflag:s13], $0x2000  }
0x64: {  	s0 =	sand.u32 $0x1, s31;
	[sflag:s13] =	ssyncset.done $0x0  }
0x65: {  	s8 =	sadd.s32 $0x380, s8;
	s20 =	simm.s32 $0x800;
	[sflag:s13] =	ssyncadd.s32 $0xFFFFE000  }
.LBB2_7:
0x66: {  	[tilespmem:s21], [sflag:$0x4] =	stream.indirect.gather [hbm4b:s4+s14], $0x80, s8, s14, $0xb8;
	[tilespmem:$0x1FE80] =	vst v63  }
0x67: {  	s8 =	smov.u32 s20  }
0x68: {  	p1 =	sne.s32 s20, $0x4000;
	s20 =	sadd.s32 $0x800, s20;
	_ =	swait.ge [sflag:s22], $0x2000  }
0x69: {  	s10 =	sshra.s32 s8, $0x2;
	[sflag:s22] =	ssyncset.done $0x0  }
0x6a: {  	s12 =	sadd.s32 $0x2800, s10;
	s8 =	sadd.s32 s10, s18;
	[sflag:s22] =	ssyncadd.s32 $0xFFFFE000  }
0x6b: {  	[spmem:s1] =	stream.indirect.scatter.add.f32 [tilespmem:s15], [sflag:$0x5], $0x80, s12, s14, $0xb8;
	[tilespmem:$0x1FE80] =	vst v63  }
0x6c: {  	_ =	swait.ge [sflag:s13], $0x2000  }
0x6d: {  	[sflag:s13] =	ssyncset.done $0x0  }
0x6e: {  	s12 =	sadd.s32 $0x200, s8;
	[sflag:s13] =	ssyncadd.s32 $0xFFFFE000  }
0x6f: {  	[tilespmem:s15], [sflag:$0x1] =	stream.indirect.gather [hbm4b:s4+s14], $0x80, s12, s14, $0xb8;
	[tilespmem:$0x1FE80] =	vst v63  }
0x70: {  	_ =	swait.ge [sflag:s24], $0x2000  }
0x71: {  	[sflag:s24] =	ssyncset.done $0x0  }
0x72: {  	s12 =	sadd.s32 $0x2880, s10;
	[sflag:s24] =	ssyncadd.s32 $0xFFFFE000  }
0x73: {  	[spmem:s1] =	stream.indirect.scatter.add.f32 [tilespmem:s17], [sflag:$0x5], $0x80, s12, s14, $0xb8;
	[tilespmem:$0x1FE80] =	vst v63  }
0x74: {  	_ =	swait.ge [sflag:s13], $0x2000  }
0x75: {  	[sflag:s13] =	ssyncset.done $0x0  }
0x76: {  	s12 =	sadd.s32 $0x280, s8;
	[sflag:s13] =	ssyncadd.s32 $0xFFFFE000  }
0x77: {  	[tilespmem:s17], [sflag:$0x2] =	stream.indirect.gather [hbm4b:s4+s14], $0x80, s12, s14, $0xb8;
	[tilespmem:$0x1FE80] =	vst v63  }
0x78: {  	_ =	swait.ge [sflag:s25], $0x2000  }
0x79: {  	[sflag:s25] =	ssyncset.done $0x0  }
0x7a: {  	s12 =	sadd.s32 $0x2900, s10;
	[sflag:s25] =	ssyncadd.s32 $0xFFFFE000  }
0x7b: {  	[spmem:s1] =	stream.indirect.scatter.add.f32 [tilespmem:s19], [sflag:$0x5], $0x80, s12, s14, $0xb8;
	[tilespmem:$0x1FE80] =	vst v63  }
0x7c: {  	_ =	swait.ge [sflag:s13], $0x2000  }
0x7d: {  	[sflag:s13] =	ssyncset.done $0x0  }
0x7e: {  	s12 =	sadd.s32 $0x300, s8;
	[sflag:s13] =	ssyncadd.s32 $0xFFFFE000  }
0x7f: {  	[tilespmem:s19], [sflag:$0x3] =	stream.indirect.gather [hbm4b:s4+s14], $0x80, s12, s14, $0xb8;
	[tilespmem:$0x1FE80] =	vst v63  }
0x80: {  	_ =	swait.ge [sflag:s26], $0x2000  }
0x81: {  	[sflag:s26] =	ssyncset.done $0x0  }
.Ltmp2:
0x82: {  	s10 =	sadd.s32 $0x2980, s10;
	[sflag:s26] =	ssyncadd.s32 $0xFFFFE000;
	(pc) =	sbr.rel @p1 .LBB2_7-.Ltmp2, $4  }
0x83: {  	[spmem:s1] =	stream.indirect.scatter.add.f32 [tilespmem:s21], [sflag:$0x5], $0x80, s10, s14, $0xb8;
	[tilespmem:$0x1FE80] =	vst v63  }
0x84: {  	_ =	swait.ge [sflag:s13], $0x2000  }
0x85: {  	[sflag:s13] =	ssyncset.done $0x0  }
0x86: {  	s8 =	sadd.s32 $0x380, s8;
	[sflag:s13] =	ssyncadd.s32 $0xFFFFE000  }
0x87: {  	[tilespmem:s21], [sflag:$0x4] =	stream.indirect.gather [hbm4b:s4+s14], $0x80, s8, s14, $0xb8;
	[tilespmem:$0x1FE80] =	vst v63  }
0x88: {  	p1 =	seq.s32 s31, $0x3  }
0x89: {  	s8 =	simm.s32 @p1 $0x1  }
0x8a: {  	_ =	swait.ge @p1 [sflag:s8], $0x2000  }
0x8b: {  	s10 =	simm.s32 @p1 $0x3A00;
	[sflag:s8] =	ssyncset.done @p1 $0x0  }
0x8c: {  	s12 =	simm.s32 @p1 $0x3C00;
	[sflag:s8] =	ssyncadd.s32 @p1 $0xFFFFE000;
	s8 =	simm.s32 @p1 $0x40  }
0x8d: {  	[spmem:s1] =	stream.indirect.scatter.add.f32 @p1 [tilespmem:s12], [sflag:$0x5], $0x80, s10, s8, $0xb8;
	[tilespmem:$0x1FE80] =	vst v63  }
0x8e: {  	s10 =	simm.s32 @p1 $0x5;
	s12 =	sxor.u32 @!p1 $0x1, s0  }
0x8f: {  	s16 =	sadd.s32 @!p1 s16, s9;
	_ =	swait.ge @p1 [sflag:s10], $0x2000;
	s12 =	smul.u32 @!p1 $0x5000, s12  }
0x90: {  	s18 =	simm.s32 @!p1 $0x0;
	s16 =	sshrl.u32 @!p1 s16, $0x3;
	[sflag:s10] =	ssyncset.done @p1 $0x0  }
0x91: {  	s16 =	sadd.s32 @!p1 s5, s16;
	[sflag:s10] =	ssyncadd.s32 @p1 $0xFFFFE000;
	s12 =	sshrl.u32 @!p1 s12, $0x2  }
0x92: {  	[tilespmem:s12], [sflag:$0x5] =	stream.linear.gather @!p1 [hbm4b:s16+s18], $0x1400, $0x38;
	[tilespmem:$0x1FE80] =	vst v63  }
0x93: {  	s16 =	simm.s32 @!p1 $0x5  }
0x94: {  	_ =	swait.ge @!p1 [sflag:s16], $0x1400  }
0x95: {  	[sflag:s16] =	ssyncset.done @!p1 $0x0  }
0x96: {  	s18 =	simm.s32 @!p1 $0x1;
	[sflag:s16] =	ssyncadd.s32 @!p1 $0xFFFFEC00  }
0x97: {  	_ =	swait.ge @!p1 [sflag:s18], $0x2000  }
0x98: {  	s20 =	simm.s32 @!p1 $0x3A00;
	[sflag:s18] =	ssyncset.done @!p1 $0x0  }
0x99: {  	s11 =	simm.s32 @!p1 $0x3C00;
	[sflag:s18] =	ssyncadd.s32 @!p1 $0xFFFFE000;
	s18 =	simm.s32 @!p1 $0x40  }
0x9a: {  	[spmem:s1] =	stream.indirect.scatter.add.f32 @!p1 [tilespmem:s11], [sflag:$0x5], $0x80, s20, s18, $0xb8;
	[tilespmem:$0x1FE80] =	vst v63  }
0x9b: {  	_ =	swait.ge @!p1 [sflag:s16], $0x2000  }
0x9c: {  	[sflag:s16] =	ssyncset.done @!p1 $0x0  }
0x9d: {  	[sflag:s16] =	ssyncadd.s32 @!p1 $0xFFFFE000  }
0x9e: {  	[tilespmem:s11], [sflag:$0x1] =	stream.indirect.gather @!p1 [hbm4b:s4+s18], $0x80, s12, s18, $0xb8;
	[tilespmem:$0x1FE80] =	vst v63  }
0x9f: {  	_ =	swait.ge [sflag:s24], $0x2000  }
0xa0: {  	[sflag:s24] =	ssyncset.done $0x0  }
0xa1: {  	[sflag:s24] =	ssyncadd.s32 $0xFFFFE000  }
0xa2: {  	[spmem:s1] =	stream.indirect.scatter.add.f32 [tilespmem:s17], [sflag:$0x5], $0x80, s28, s14, $0xb8;
	[tilespmem:$0x1FE80] =	vst v63  }
0xa3: {  	_ =	swait.ge [sflag:s13], $0x2000  }
0xa4: {  	[sflag:s13] =	ssyncset.done $0x0  }
0xa5: {  	s11 =	simm.s32 @p1 $0x3;
	[sflag:s13] =	ssyncadd.s32 $0xFFFFE000  }
0xa6: {  	_ =	swait.ge @p1 [sflag:s11], $0x2000  }
0xa7: {  	[sflag:s11] =	ssyncset.done @p1 $0x0  }
0xa8: {  	s20 =	simm.s32 @p1 $0x7C00;
	[sflag:s11] =	ssyncadd.s32 @p1 $0xFFFFE000;
	s11 =	simm.s32 @p1 $0x3B00  }
0xa9: {  	[spmem:s1] =	stream.indirect.scatter.add.f32 @p1 [tilespmem:s20], [sflag:$0x5], $0x80, s11, s8, $0xb8;
	[tilespmem:$0x1FE80] =	vst v63  }
0xaa: {  	_ =	swait.ge @p1 [sflag:s10], $0x2000  }
0xab: {  	[sflag:s10] =	ssyncset.done @p1 $0x0  }
0xac: {  	s8 =	sor.u32 @!p1 $0x80, s12;
	[sflag:s10] =	ssyncadd.s32 @p1 $0xFFFFE000;
	s10 =	simm.s32 @!p1 $0x5C00  }
0xad: {  	[tilespmem:s10], [sflag:$0x2] =	stream.indirect.gather @!p1 [hbm4b:s4+s18], $0x80, s8, s18, $0xb8;
	[tilespmem:$0x1FE80] =	vst v63  }
0xae: {  	s8 =	simm.s32 @!p1 $0x3  }
0xaf: {  	_ =	swait.ge @!p1 [sflag:s8], $0x2000  }
0xb0: {  	[sflag:s8] =	ssyncset.done @!p1 $0x0  }
0xb1: {  	s10 =	simm.s32 @!p1 $0x7C00;
	[sflag:s8] =	ssyncadd.s32 @!p1 $0xFFFFE000;
	s8 =	simm.s32 @!p1 $0x3B00  }
0xb2: {  	[spmem:s1] =	stream.indirect.scatter.add.f32 @!p1 [tilespmem:s10], [sflag:$0x5], $0x80, s8, s18, $0xb8;
	[tilespmem:$0x1FE80] =	vst v63  }
0xb3: {  	_ =	swait.ge @!p1 [sflag:s16], $0x2000  }
0xb4: {  	[sflag:s16] =	ssyncset.done @!p1 $0x0  }
0xb5: {  	s8 =	sor.u32 @!p1 $0x100, s12;
	[sflag:s16] =	ssyncadd.s32 @!p1 $0xFFFFE000  }
0xb6: {  	[tilespmem:s10], [sflag:$0x3] =	stream.indirect.gather @!p1 [hbm4b:s4+s18], $0x80, s8, s18, $0xb8;
	[tilespmem:$0x1FE80] =	vst v63  }
0xb7: {  	_ =	swait.ge [sflag:s26], $0x2000  }
0xb8: {  	[sflag:s26] =	ssyncset.done $0x0  }
.Ltmp3:
0xb9: {  	[sflag:s26] =	ssyncadd.s32 $0xFFFFE000;
	(pc) =	sbr.rel @p1 .LBB2_10-.Ltmp3, $4  }
0xba: {  	[spmem:s1] =	stream.indirect.scatter.add.f32 [tilespmem:s21], [sflag:$0x5], $0x80, s29, s14, $0xb8;
	[tilespmem:$0x1FE80] =	vst v63  }
0xbb: {  	_ =	swait.ge [sflag:s13], $0x2000  }
0xbc: {  	[sflag:s13] =	ssyncset.done $0x0  }
0xbd: {  	[sflag:s13] =	ssyncadd.s32 $0xFFFFE000  }
0xbe: {  	s0 =	sxor.u32 $0x1, s0  }
0xbf: {  	s0 =	smul.u32 $0x5000, s0  }
.Ltmp4:
0xc0: {  	_ = 	snop;
	(pc) =	sbr.rel .LBB2_6-.Ltmp4, $4  }
0xc1: {  	_ = 	snop  }
0xc2: {  	s0 =	sshrl.u32 s0, $0x2  }
0xc3: {  	s31 =	sadd.s32 $0x1, s31;
	p0 =	por !p0, !p0;
	s0 =	sor.u32 $0x180, s0  }
0xc4: {  	[tilespmem:s21], [sflag:$0x4] =	stream.indirect.gather [hbm4b:s4+s14], $0x80, s0, s14, $0xb8;
	[tilespmem:$0x1FE80] =	vst v63  }
.LBB2_10:
0xc5: {  	s0 =	sadd.s32 $0x0, s2;
	[bflag:$0x0] =	sbarrier.arrive $0xFFFF  }
0xc6: {  	p0 =	sgt.u32 s0, $0x270;
	s20 =	rddreg [dreg:$0x5]  }
0xc7: {  	s0 =	simm.s32 @!p0 $0xBC00;
	s10 =	simm.s32 @!p0 $0x6;
	p0 =	por p0, p0  }
0xc8: {  	[tilespmem:s0], [sflag:$0x6] =	stream.linear.gather @!p0 [spmem:s20], $0x800, $0x38;
	[tilespmem:$0x1FE80] =	vst v63  }
0xc9: {  	_ =	swait.ge @!p0 [sflag:s10], $0x800  }
0xca: {  	s31 =	sadd.s32 $0x10, s2;
	s18 =	simm.s32 @!p0 $0x5;
	[sflag:s10] =	ssyncset.done @!p0 $0x0  }
0xcb: {  	s11 =	rddreg [dreg:$0x6];
	[sflag:s10] =	ssyncadd.s32 @!p0 $0xFFFFF800;
	s10 =	simm.s32 @!p0 $0x0  }
0xcc: {  	[hbm4b:s11+s10] =	stream.linear.scatter @!p0 [tilespmem:s0], [sflag:$0x5], $0x800, $0x38;
	[tilespmem:$0x1FE80] =	vst v63  }
0xcd: {  	s8 =	simm.s32 $0x20;
	p1 =	sgt.u32 s31, $0x270;
	_ =	swait.ge @!p0 [sflag:s18], $0x800  }
0xce: {  	s16 =	sadd.s32 $0x8000, s20;
	s0 =	sadd.s32 $0x1000, s11;
	[sflag:s18] =	ssyncset.done @!p0 $0x0  }
.LBB2_11:
0xcf: {  	s10 =	simm.s32 @!p1 $0xBC00;
	s11 =	simm.s32 @!p1 $0x6;
	[sflag:s18] =	ssyncadd.s32 @!p0 $0xFFFFF800  }
0xd0: {  	s12 =	smov.u32 s8;
	p0 =	por p1, p1;
	s8 =	sadd.s32 $0x10, s8  }
0xd1: {  	[tilespmem:s10], [sflag:$0x6] =	stream.linear.gather @!p0 [spmem:s16], $0x800, $0x38;
	[tilespmem:$0x1FE80] =	vst v63  }
0xd2: {  	p2 =	sne.s32 s8, $0x280;
	_ =	swait.ge @!p0 [sflag:s11], $0x800  }
.Ltmp5:
0xd3: {  	[sflag:s11] =	ssyncset.done @!p0 $0x0;
	(pc) =	sbr.rel @p2 .LBB2_11-.Ltmp5, $4  }
0xd4: {  	s18 =	simm.s32 @!p0 $0x5;
	[sflag:s11] =	ssyncadd.s32 @!p0 $0xFFFFF800;
	s11 =	simm.s32 @!p0 $0x0  }
0xd5: {  	[hbm4b:s0+s11] =	stream.linear.scatter @!p0 [tilespmem:s10], [sflag:$0x5], $0x800, $0x38;
	[tilespmem:$0x1FE80] =	vst v63  }
0xd6: {  	s10 =	sadd.s32 s12, s2;
	s0 =	sadd.s32 $0x1000, s0;
	_ =	swait.ge @!p0 [sflag:s18], $0x800  }
0xd7: {  	s16 =	sadd.s32 $0x8000, s16;
	p1 =	sgt.u32 s10, $0x270;
	[sflag:s18] =	ssyncset.done @!p0 $0x0  }
0xd8: {  	s8 =	simm.s32 @!p1 $0xBC00  }
0xd9: {  	s10 =	simm.s32 @!p1 $0x6;
	[sflag:s18] =	ssyncadd.s32 @!p0 $0xFFFFF800;
	p0 =	por p1, p1  }
0xda: {  	[tilespmem:s8], [sflag:$0x6] =	stream.linear.gather @!p0 [spmem:s16], $0x800, $0x38;
	[tilespmem:$0x1FE80] =	vst v63  }
0xdb: {  	_ =	swait.ge @!p0 [sflag:s10], $0x800  }
0xdc: {  	[sflag:s10] =	ssyncset.done @!p0 $0x0  }
0xdd: {  	s11 =	simm.s32 @!p0 $0x5;
	[sflag:s10] =	ssyncadd.s32 @!p0 $0xFFFFF800;
	s10 =	simm.s32 @!p0 $0x0  }
0xde: {  	[hbm4b:s0+s10] =	stream.linear.scatter @!p0 [tilespmem:s8], [sflag:$0x5], $0x800, $0x38;
	[tilespmem:$0x1FE80] =	vst v63  }
0xdf: {  	_ =	swait.ge @!p0 [sflag:s11], $0x800  }
0xe0: {  	s3 =	sadd.s32 $0x1, s3;
	s31 =	rddreg [dreg:$0x4]  }
0xe1: {  	p1 =	sne.s32 s3, s31  }
.Ltmp6:
0xe2: {  	_ = 	snop;
	(pc) =	sbr.rel @p1 .LBB2_1-.Ltmp6, $3  }
0xe3: {  	_ =	sdelay $0x1  }
0xe4: {  	[sflag:s11] =	ssyncset.done @!p0 $0x0  }
0xe5: {  	[sflag:s11] =	ssyncadd.s32 @!p0 $0xFFFFF800  }
0xe6: {  	_ =	sfence.sel $0x180000  }
0xe7: {  	[bflag:$0x0] =	sbarrier.arrive $0xFFFF  }
0xe8: {  	_ =	strace $0x9000004A  }
0xe9: {  	[bflag:$0x2] =	sbarrier.arrive $0xFFFF  }
0xea: {  	p0 =	sne.s32 s2, $0x0;
	s0 =	rddreg [dreg:$0x2]  }
0xeb: {  	s0 =	sadd.s32 @!p0 $0x100000, s0  }
0xec: {  	[sflag:s0] =	ssyncadd.tile.s32 @!p0 $0x1;
	_ =	shalt  }
.Lfunc_end2:
_tile_overlayer_lowered:
.L_overlay_start_2:
0xed: {  	(tag) =	ssettag $0x2  }
0xee: {  	s0 =	rddreg [dreg:$0x0];
	s2 =	stileid.u32  }
0xef: {  	s1 =	rddreg [dreg:$0x1];
	p0 =	sne.s32 s2, $0x0  }
0xf0: {  	s3 =	rddreg [dreg:$0x2];
	[bflag:$0x3] =	sbarrier.arrive $0xFFFF;
	s2 =	simm.s32 @!p0 $0x1C05  }
0xf1: {  	[timem:s3], [sflag:s2] =	dma.local @!p0 [hbm:s0], s1  }
0xf2: {  	s0 =	simm.s32 @!p0 $0x5  }
0xf3: {  	_ =	swait.ge @!p0 [sflag:s0], s1  }
0xf4: {  	s1 =	ssub.s32 @!p0 $0x0, s1;
	[sflag:s0] =	ssyncset.done @!p0 $0x0  }
0xf5: {  	[sflag:s0] =	ssyncadd.s32 @!p0 s1  }
0xf6: {  	[bflag:$0x3] =	sbarrier.arrive $0xFFFF  }
0xf7: {  	_ =	shalt  }

// kernel: kernel.14.cloned.1.call-start
scs
__scs_entry_jumppad:
0x0: {  	(pc) =	sbr.rel $0x88, $3  }
0x1: {  	(tag) =	ssettag $0x0;
	lr =	simm.s32 $0x1  }
0x2: {  	[smem:$0x3F98] =	sst lr;
	_ =	strace $0xD0000000  }
0x3: {  	_ = 	snop  }
0x4: {  	_ = 	snop  }
0x5: {  	_ = 	snop  }
0x6: {  	_ = 	snop  }
0x7: {  	_ = 	snop  }
__scs_overlays_trampoline_lowered:
0x8: {  	[smem:$0x3FA7] =	sst s0  }
0x9: {  	[smem:$0x3FA8] =	sst s1  }
0xa: {  	[smem:$0x3FA9] =	sst s2  }
0xb: {  	[smem:$0x3FAA] =	sst s3  }
0xc: {  	[smem:$0x3FAB] =	sst s4  }
0xd: {  	[smem:$0x3FAC] =	sst s5  }
0xe: {  	[smem:$0x3FAD] =	sst s6  }
0xf: {  	[smem:$0x3FAE] =	sst s7  }
0x10: {  	[smem:$0x3FAF] =	sst s8  }
0x11: {  	[smem:$0x3FB0] =	sst s9;
	s0 =	simm.s32 @!p0 $0x0  }
0x12: {  	s1 =	sld [smem:$0x3F96];
	s0 =	simm.s32 @p0 $0x1  }
0x13: {  	[smem:$0x3FB1] =	sst s0;
	s0 =	simm.s32 @!p1 $0x0  }
0x14: {  	s2 =	sld [smem:$0x3F95];
	s0 =	simm.s32 @p1 $0x1  }
0x15: {  	[smem:$0x3FB2] =	sst s0;
	s0 =	simm.s32 @!p2 $0x0  }
0x16: {  	s3 =	sld [smem:$0x3FDB];
	s0 =	simm.s32 @p2 $0x1  }
0x17: {  	s4 =	simm.s32 $0x1BF5;
	[smem:$0x3FB4] =	sst s0  }
0x18: {  	s0 =	sld [smem:$0x3F97];
	_ =	swait.ge [sflag:s4], $0x0  }
0x19: {  	s7 =	sld [smem:$0x3F98]  }
0x1a: {  	s8 =	sadd.s32 $0xFFFFE003, lr  }
0x1b: {  	s9 =	sadd.s32 $0xFFFFFEF7, lr;
	s5 =	simm.s32 $0xFFFFFFFF;
	p2 =	slt.u32 s8, $0xFFFFF086  }
0x1c: {  	p1 =	slt.u32 s9, $0xF7A;
	s5 =	simm.s32 @!p2 $0x0  }
0x1d: {  	s5 =	simm.s32 @p1 $0x1;
	p0 =	seq.s32 s7, s2  }
0x1e: {  	s7 =	smul.u32 @!p0 $0xF7A, s2;
	p2 =	seq.s32 @!p0 s5, $0x0  }
0x1f: {  	s9 =	smul.u32 $0xF7A, s1;
	s8 =	simm.s32 @!p0 $0x1BF5;
	p2 =	por !p2, p0  }
0x20: {  	[sflag:s8] =	ssyncset.s32 @!p0 $0xFFFFF086;
	s6 =	sadd.s32 @!p0 s3, s7;
	s7 =	simm.s32 @!p0 $0x108  }
0x21: {  	s3 =	sadd.s32 s3, s9;
	s6 =	sadd.s32 @!p0 $0x88, s6;
	s7 =	simm.s32 @p2 $0x1082  }
0x22: {  	[simem:s7], [sflag:s8] =	dma.local @!p0 [hbm:s6], $0xF7A  }
0x23: {  	s9 =	sor.u32 $0xD0000000, s2;
	s6 =	simm.s32 $0x108;
	_ =	swait.ge @!p0 [sflag:s8], $0x0  }
0x24: {  	s3 =	sadd.s32 $0x88, s3;
	s6 =	simm.s32 @!p1 $0x1082;
	[sflag:s4] =	ssyncset.s32 $0xFFFFF086  }
0x25: {  	[simem:s6], [sflag:s4] =	dma.local [hbm:s3], $0xF7A  }
0x26: {  	[smem:$0x3F98] =	sst s1;
	(tag) =	ssettag s2;
	_ =	strace s9  }
0x27: {  	s1 =	sld [smem:$0x3FA8]  }
0x28: {  	s2 =	sld [smem:$0x3FA9]  }
0x29: {  	s4 =	sld [smem:$0x3FAB]  }
0x2a: {  	p0 =	seq.s32 s5, $0x0;
	s5 =	sld [smem:$0x3FAC]  }
0x2b: {  	s6 =	sld [smem:$0x3FAD]  }
0x2c: {  	s7 =	sld [smem:$0x3FAE]  }
0x2d: {  	s3 =	simm.s32 $0x108;
	s8 =	sld [smem:$0x3FAF]  }
0x2e: {  	s3 =	simm.s32 @!p0 $0x1082;
	s9 =	sld [smem:$0x3FB0]  }
0x2f: {  	lr =	sadd.s32 s0, s3;
	s0 =	sld [smem:$0x3FA7]  }
0x30: {  	s3 =	sld [smem:$0x3FAA]  }
0x31: {  	[smem:$0x3FB3] =	sst s10  }
0x32: {  	s10 =	sld [smem:$0x3FB1];
	_ =	sdelay $0x3  }
0x33: {  	p0 =	seq.s32 s10, $0x1;
	s10 =	sld [smem:$0x3FB3];
	_ =	sdelay $0x3  }
0x34: {  	[smem:$0x3FB3] =	sst s10  }
0x35: {  	s10 =	sld [smem:$0x3FB2];
	_ =	sdelay $0x3  }
0x36: {  	p1 =	seq.s32 s10, $0x1;
	s10 =	sld [smem:$0x3FB3];
	_ =	sdelay $0x3  }
0x37: {  	[smem:$0x3FB3] =	sst s10  }
0x38: {  	s10 =	sld [smem:$0x3FB4]  }
0x39: {  	_ = 	snop;
	(pc) =	sbr.ind lr, $3  }
0x3a: {  	_ = 	snop  }
0x3b: {  	_ = 	snop  }
0x3c: {  	p2 =	seq.s32 s10, $0x1;
	s10 =	sld [smem:$0x3FB3]  }
0x3d: {  	_ =	shalt  }
0x3e: {  	_ =	shalt  }
0x3f: {  	_ =	shalt  }
0x40: {  	_ =	shalt  }
0x41: {  	_ =	shalt  }
0x42: {  	_ =	shalt  }
0x43: {  	_ =	shalt  }
0x44: {  	_ =	shalt  }
0x45: {  	_ =	shalt  }
0x46: {  	_ =	shalt  }
0x47: {  	_ =	shalt  }
0x48: {  	_ =	shalt  }
0x49: {  	_ =	shalt  }
0x4a: {  	_ =	shalt  }
0x4b: {  	_ =	shalt  }
0x4c: {  	_ =	shalt  }
0x4d: {  	_ =	shalt  }
0x4e: {  	_ =	shalt  }
0x4f: {  	_ =	shalt  }
0x50: {  	_ =	shalt  }
0x51: {  	_ =	shalt  }
0x52: {  	_ =	shalt  }
0x53: {  	_ =	shalt  }
0x54: {  	_ =	shalt  }
0x55: {  	_ =	shalt  }
0x56: {  	_ =	shalt  }
0x57: {  	_ =	shalt  }
0x58: {  	_ =	shalt  }
0x59: {  	_ =	shalt  }
0x5a: {  	_ =	shalt  }
0x5b: {  	_ =	shalt  }
0x5c: {  	_ =	shalt  }
0x5d: {  	_ =	shalt  }
0x5e: {  	_ =	shalt  }
0x5f: {  	_ =	shalt  }
0x60: {  	_ =	shalt  }
0x61: {  	_ =	shalt  }
0x62: {  	_ =	shalt  }
0x63: {  	_ =	shalt  }
0x64: {  	_ =	shalt  }
0x65: {  	_ =	shalt  }
0x66: {  	_ =	shalt  }
0x67: {  	_ =	shalt  }
0x68: {  	_ =	shalt  }
0x69: {  	_ =	shalt  }
0x6a: {  	_ =	shalt  }
0x6b: {  	_ =	shalt  }
0x6c: {  	_ =	shalt  }
0x6d: {  	_ =	shalt  }
0x6e: {  	_ =	shalt  }
0x6f: {  	_ =	shalt  }
0x70: {  	_ =	shalt  }
0x71: {  	_ =	shalt  }
0x72: {  	_ =	shalt  }
0x73: {  	_ =	shalt  }
0x74: {  	_ =	shalt  }
0x75: {  	_ =	shalt  }
0x76: {  	_ =	shalt  }
0x77: {  	_ =	shalt  }
0x78: {  	_ =	shalt  }
0x79: {  	_ =	shalt  }
0x7a: {  	_ =	shalt  }
0x7b: {  	_ =	shalt  }
0x7c: {  	_ =	shalt  }
0x7d: {  	_ =	shalt  }
0x7e: {  	_ =	shalt  }
0x7f: {  	_ =	shalt  }
0x80: {  	_ =	shalt  }
0x81: {  	_ =	shalt  }
0x82: {  	_ =	shalt  }
0x83: {  	_ =	shalt  }
0x84: {  	_ =	shalt  }
0x85: {  	_ =	shalt  }
0x86: {  	_ =	shalt  }
0x87: {  	_ =	shalt  }
.Lfunc_end0:
.L_simem_size_0:
called_computation.2_lowered:
.L_overlay_start_0:
0x88: {  	s2 =	sld [smem:$0x3FD9]  }
0x89: {  	s3 =	sld [smem:$0x3FFE];
	_ =	sdelay $0x1  }
0x8a: {  	s1 =	srdreg.scid  }
0x8b: {  	s0 =	sand.u32 $0x1, s1  }
0x8c: {  	s16 =	sshll.u32 s0, $0xA;
	s2 =	sadd.s32 s3, s2  }
0x8d: {  	s2 =	sadd.s32 s2, s16  }
0x8e: {  	[smem:$0x3FBF] =	sst s2  }
0x8f: {  	_ = 	snop  }
0x90: {  	(tm) =	ssettm $0x1  }
0x91: {  	s17 =	sld [smem:$0x3FFB];
	_ =	sdelay $0x3  }
0x92: {  	_ =	strace s17  }
0x93: {  	s2 =	sld [smem:$0x3FFC];
	_ =	sdelay $0x3  }
0x94: {  	_ =	strace s2  }
0x95: {  	s2 =	sld [smem:$0x3FFD];
	_ =	sdelay $0x3  }
0x96: {  	_ =	strace s2  }
0x97: {  	_ =	strace $0x8FFFFFFF  }
0x98: {  	s18 =	sld [smem:$0x3FDB];
	_ =	sdelay $0x1  }
0x99: {  	s19 =	simm.s32 $_scs_section_size  }
0x9a: {  	s4 =	simm.s32 $_size__tile_overlayer_lowered;
	s5 =	simm.s32 $_tile_overlayer_lowered  }
0x9b: {  	s22 =	simm.s32 $0x1BFF;
	s21 =	sshll.u32 s5, $0x1;
	s2 =	sadd.s32 s19, s18  }
0x9c: {  	s6 =	simm.s32 $0x0;
	s20 =	sshll.u32 s4, $0x1;
	s4 =	sadd.s32 s21, s2  }
0x9d: {  	[timem:s6], [sflag:s22] =	dma.local [hbm:s4], s20  }
0x9e: {  	_ =	swait.ge [sflag:s22], s20  }
0x9f: {  	s3 =	ssub.s32 $0x0, s20;
	[sflag:s22] =	ssyncset.done $0x0  }
0xa0: {  	[sflag:s22] =	ssyncadd.s32 s3;
	_ =	sdelay $0x1  }
0xa1: {  	s23 =	simm.s32 $0x1B8B  }
0xa2: {  	_ =	swait.ge [sflag:s23], $0x1  }
0xa3: {  	[sflag:s23] =	ssyncset.done $0x0  }
0xa4: {  	s25 =	simm.s32 $0x1B8E;
	s24 =	sld [smem:$0x3FFE];
	[sflag:s23] =	ssyncadd.s32 $0xFFFFFFFF  }
0xa5: {  	s26 =	simm.s32 $execute0_lowered;
	[smem:$0x3FD2] =	sst s25  }
0xa6: {  	s4 =	sshll.u32 s26, $0x1;
	_ =	strace $0x8000004C;
	[dreg:$0x1] =	wrdreg $0xFFFFFFFF  }
0xa7: {  	s28 =	simm.s32 $_size_execute0_lowered;
	s2 =	sadd.s32 s2, s4;
	[dreg:$0x0] =	wrdreg $0x0  }
0xa8: {  	s4 =	sshll.u32 s28, $0x1;
	[dreg:$0x2] =	wrdreg s2  }
0xa9: {  	[dreg:$0x3] =	wrdreg s4  }
0xaa: {  	[dreg:$0x4] =	wrdreg $0xC0  }
0xab: {  	_ =	task [dreg:s6], $0x5FFFF  }
0xac: {  	[dreg:$0x1] =	wrdreg $0xFFFFFFFF  }
0xad: {  	[dreg:$0x0] =	wrdreg $0x60  }
0xae: {  	[dreg:$0x2] =	wrdreg s24  }
0xaf: {  	[dreg:$0x3] =	wrdreg $0xC4000  }
0xb0: {  	[dreg:$0x4] =	wrdreg $0x9  }
0xb1: {  	_ =	task.clear_ibuf [dreg:s6], $0x5FFFF;
	_ =	strace $0x9000004C  }
0xb2: {  	s29 =	simm.s32 $0x9;
	_ =	strace $0x8000004E  }
0xb3: {  	_ =	swait.ge [sflag:s29], $0x1  }
0xb4: {  	[sflag:s29] =	ssyncadd.s32 $0xFFFFFFFF  }
0xb5: {  	_ =	strace $0x9000004E  }
0xb6: {  	_ =	sfence  }
0xb7: {  	s30 =	sld [smem:$0x0];
	_ =	sdelay $0x2  }
0xb8: {  	s31 =	sshll.u32 s1, $0xD;
	s1 =	sshrl.u32 s1, $0x2  }
0xb9: {  	s3 =	sand.u32 $0x4000, s31;
	s1 =	sadd.s32 s1, s30  }
0xba: {  	s0 =	sor.u32 s3, s0;
	s1 =	sshll.u32 s1, $0x11  }
0xbb: {  	s0 =	sor.u32 s1, s0  }
0xbc: {  	s0 =	sadd.s32 $0x8F2B, s0  }
0xbd: {  	[sflag:s0] =	ssyncadd.remote.s32 $0x1  }
0xbe: {  	_ =	sfence.sel $0xFFFF  }
0xbf: {  	[dreg:$0x0] =	wrdreg $0xFFFFFFFF;
	(pc) =	sbr.abs _section_cstart, $3  }
0xc0: {  	[dreg:$0x1] =	wrdreg $0xFFFFFFFF  }
0xc1: {  	_ =	task.clear_ibuf [dreg:s6], $0x2FFFF;
	_ =	strace $0x9FFFFFFF  }
0xc2: {  	(tm) =	ssettm $0x7FFFFFFF  }
0xc3: {  	_ =	shalt  }
tec
execute0_lowered:
.L_overlay_start_1:
0x0: {  	(tag) =	ssettag $0x1  }
0x1: {  	s0 =	rddreg [dreg:$0x0]  }
0x2: {  	s1 =	rddreg [dreg:$0x1];
	s3 =	simm.s32 $0x0;
	s4 =	srdreg.scid  }
0x3: {  	s2 =	stileid.u32;
	s13 =	simm.s32 $0x5;
	s14 =	simm.s32 $0x40  }
0x4: {  	s15 =	simm.s32 $0x3C00;
	s17 =	simm.s32 $0x5C00;
	s19 =	simm.s32 $0x7C00  }
0x5: {  	s21 =	simm.s32 $0x9C00;
	s22 =	simm.s32 $0x1;
	s23 =	simm.s32 $0x2800  }
0x6: {  	s28 =	simm.s32 $0x3A80;
	s29 =	simm.s32 $0x3B80;
	s30 =	simm.s32 $0x0  }
0x7: {  	[smem:$0x7FF] =	sst s3;
	s6 =	sand.u32 $0x1, s4;
	s4 =	sadd.s32 $0x2C200, s0  }
0x8: {  	s8 =	sshll.u32 s2, $0x1;
	s5 =	sadd.s32 $0x18200, s0;
	s11 =	sshll.u32 s2, $0xB  }
0x9: {  	_ =	strace $0x8000004D;
	s7 =	smul.u32 $0x138800, s6;
	s8 =	sor.u32 s6, s8  }
0xa: {  	s10 =	ssub.s32 $0x2, s6;
	s20 =	sadd.s32 s11, s1;
	s6 =	smul.u32 $0x5000, s8  }
0xb: {  	s25 =	sshrl.u32 s10, $0x1;
	[dreg:$0x5] =	wrdreg s20;
	s9 =	sadd.s32 s11, s7  }
0xc: {  	s7 =	sadd.s32 $0x4200, s0;
	s26 =	ssub.s32 s10, s25;
	s25 =	simm.s32 $0x3  }
0xd: {  	s24 =	sshrl.u32 s9, $0x3;
	s31 =	sshrl.u32 s6, $0x3;
	s8 =	smax.u32 s26, $0x1  }
0xe: {  	s0 =	sadd.s32 s24, s0;
	s9 =	sadd.s32 s5, s31;
	[dreg:$0x4] =	wrdreg s8  }
0xf: {  	s26 =	simm.s32 $0x4;
	[dreg:$0x3] =	wrdreg s9;
	s0 =	sadd.s32 $0x7A600, s0  }
0x10: {  	v0 =	vimm.f32 $0.0e+00;
	s24 =	simm.s32 $0x2;
	s9 =	sadd.s32 $0x1400, s6;
	[dreg:$0x6] =	wrdreg s0  }
.LBB2_1:
0x11: {  	s0 =	simm.s32 $0x0;
	s8 =	simm.s32 $0x200  }
.LBB2_2:
0x12: {  	p0 =	sne.s32 s8, $0x1E00;
	[tilespmem:s0+$0xBC70] =	vst v0  }
0x13: {  	[tilespmem:s0+$0xBC00] =	vst v0  }
0x14: {  	[tilespmem:s0+$0xBC10] =	vst v0  }
.Ltmp0:
0x15: {  	[tilespmem:s0+$0xBC20] =	vst v0;
	(pc) =	sbr.rel @p0 .LBB2_2-.Ltmp0, $4  }
0x16: {  	[tilespmem:s0+$0xBC30] =	vst v0  }
0x17: {  	[tilespmem:s0+$0xBC40] =	vst v0  }
0x18: {  	[tilespmem:s0+$0xBC50] =	vst v0  }
0x19: {  	[tilespmem:s0+$0xBC60] =	vst v0;
	s0 =	sshra.s32 s8, $0x2;
	s8 =	sadd.s32 $0x200, s8  }
0x1a: {  	[tilespmem:s0+$0xBC70] =	vst v0  }
0x1b: {  	[tilespmem:s0+$0xBC00] =	vst v0  }
0x1c: {  	[tilespmem:s0+$0xBC10] =	vst v0  }
0x1d: {  	[tilespmem:s0+$0xBC20] =	vst v0  }
0x1e: {  	[tilespmem:s0+$0xBC30] =	vst v0  }
0x1f: {  	[tilespmem:s0+$0xBC40] =	vst v0;
	s8 =	sadd.s32 $0x0, s2  }
0x20: {  	[tilespmem:s0+$0xBC50] =	vst v0;
	p0 =	sgt.u32 s8, $0x270  }
0x21: {  	[tilespmem:s0+$0xBC60] =	vst v0;
	s0 =	simm.s32 @!p0 $0xBC00;
	s18 =	simm.s32 @!p0 $0x5  }
0x22: {  	[spmem:s20] =	stream.linear.scatter @!p0 [tilespmem:s0], [sflag:$0x5], $0x800, $0x38;
	[tilespmem:$0x1FE80] =	vst v63  }
0x23: {  	s16 =	simm.s32 $0x20;
	_ =	swait.ge @!p0 [sflag:s18], $0x800  }
0x24: {  	s8 =	simm.s32 $0x10;
	s0 =	sadd.s32 $0x8000, s20;
	[sflag:s18] =	ssyncset.done @!p0 $0x0  }
.LBB2_4:
0x25: {  	s20 =	sadd.s32 s8, s2;
	s8 =	smov.u32 s16;
	s16 =	sadd.s32 $0x10, s16  }
0x26: {  	[sflag:s18] =	ssyncadd.s32 @!p0 $0xFFFFF800;
	p1 =	sne.s32 s16, $0x280  }
.Ltmp1:
0x27: {  	p0 =	sgt.u32 s20, $0x270;
	(pc) =	sbr.rel @p1 .LBB2_4-.Ltmp1, $4  }
0x28: {  	s20 =	simm.s32 @!p0 $0xBC00;
	s18 =	simm.s32 @!p0 $0x5  }
0x29: {  	[spmem:s0] =	stream.linear.scatter @!p0 [tilespmem:s20], [sflag:$0x5], $0x800, $0x38;
	[tilespmem:$0x1FE80] =	vst v63  }
0x2a: {  	_ =	swait.ge @!p0 [sflag:s18], $0x800  }
0x2b: {  	s0 =	sadd.s32 $0x8000, s0;
	[sflag:s18] =	ssyncset.done @!p0 $0x0  }
0x2c: {  	s8 =	sadd.s32 s8, s2  }
0x2d: {  	p1 =	sgt.u32 s8, $0x270  }
0x2e: {  	[sflag:s18] =	ssyncadd.s32 @!p0 $0xFFFFF800;
	s8 =	simm.s32 @!p1 $0xBC00;
	s16 =	simm.s32 @!p1 $0x5  }
0x2f: {  	[spmem:s0] =	stream.linear.scatter @!p1 [tilespmem:s8], [sflag:$0x5], $0x800, $0x38;
	[tilespmem:$0x1FE80] =	vst v63  }
0x30: {  	_ =	swait.ge @!p1 [sflag:s16], $0x800  }
0x31: {  	[sflag:s16] =	ssyncset.done @!p1 $0x0  }
0x32: {  	s12 =	rddreg [dreg:$0x3];
	[sflag:s16] =	ssyncadd.s32 @!p1 $0xFFFFF800  }
0x33: {  	[tilespmem:s30], [sflag:$0x5] =	stream.linear.gather [hbm4b:s12+s30], $0x1400, $0x38;
	[tilespmem:$0x1FE80] =	vst v63  }
0x34: {  	_ =	swait.ge [sflag:s13], $0x1400  }
0x35: {  	[sflag:s13] =	ssyncset.done $0x0  }
0x36: {  	[sflag:s13] =	ssyncadd.s32 $0xFFFFEC00  }
0x37: {  	[tilespmem:s15], [sflag:$0x1] =	stream.indirect.gather [hbm4b:s4+s14], $0x80, s30, s14, $0xb8;
	[tilespmem:$0x1FE80] =	vst v63  }
0x38: {  	s16 =	simm.s32 $0x80  }
0x39: {  	[tilespmem:s17], [sflag:$0x2] =	stream.indirect.gather [hbm4b:s4+s14], $0x80, s16, s14, $0xb8;
	[tilespmem:$0x1FE80] =	vst v63  }
0x3a: {  	s18 =	simm.s32 $0x100  }
0x3b: {  	[tilespmem:s19], [sflag:$0x3] =	stream.indirect.gather [hbm4b:s4+s14], $0x80, s18, s14, $0xb8;
	[tilespmem:$0x1FE80] =	vst v63  }
0x3c: {  	s20 =	simm.s32 $0x180  }
0x3d: {  	[tilespmem:s21], [sflag:$0x4] =	stream.indirect.gather [hbm4b:s4+s14], $0x80, s20, s14, $0xb8;
	[tilespmem:$0x1FE80] =	vst v63  }
0x3e: {  	p0 =	por $0x0, $0x0;
	s31 =	simm.s32 $0x0;
	[bflag:$0x0] =	sbarrier.arrive $0xFFFF  }
.LBB2_6:
0x3f: {  	s16 =	smul.u32 $0x1400, s31;
	_ =	sdelay $0x1  }
0x40: {  	s0 =	sadd.s32 s6, s16  }
0x41: {  	s0 =	sshrl.u32 s0, $0x3  }
0x42: {  	s0 =	sadd.s32 s7, s0  }
0x43: {  	[tilespmem:s23], [sflag:$0x5] =	stream.linear.gather [hbm4b:s0+s30], $0x1400, $0x38;
	[tilespmem:$0x1FE80] =	vst v63  }
0x44: {  	_ =	swait.ge [sflag:s13], $0x1400  }
0x45: {  	[sflag:s13] =	ssyncset.done $0x0  }
0x46: {  	[sflag:s13] =	ssyncadd.s32 $0xFFFFEC00  }
0x47: {  	s0 =	simm.s32 $0x1;
	_ =	swait.ge [sflag:s22], $0x2000  }
0x48: {  	s0 =	simm.s32 @!p0 $0x0;
	[sflag:s22] =	ssyncset.done $0x0  }
0x49: {  	s8 =	simm.s32 $0x2800;
	s0 =	smul.u32 $0x5000, s0;
	[sflag:s22] =	ssyncadd.s32 $0xFFFFE000  }
0x4a: {  	[spmem:s1] =	stream.indirect.scatter.add.f32 [tilespmem:s15], [sflag:$0x5], $0x80, s8, s14, $0xb8;
	[tilespmem:$0x1FE80] =	vst v63  }
0x4b: {  	s18 =	sshrl.u32 s0, $0x2;
	_ =	swait.ge [sflag:s13], $0x2000  }
0x4c: {  	s8 =	sadd.s32 $0x0, s18;
	[sflag:s13] =	ssyncset.done $0x0  }
0x4d: {  	s12 =	sadd.s32 $0x200, s8;
	[sflag:s13] =	ssyncadd.s32 $0xFFFFE000  }
0x4e: {  	[tilespmem:s15], [sflag:$0x1] =	stream.indirect.gather [hbm4b:s4+s14], $0x80, s12, s14, $0xb8;
	[tilespmem:$0x1FE80] =	vst v63  }
0x4f: {  	_ =	swait.ge [sflag:s24], $0x2000  }
0x50: {  	[sflag:s24] =	ssyncset.done $0x0  }
0x51: {  	s20 =	simm.s32 $0x2880;
	[sflag:s24] =	ssyncadd.s32 $0xFFFFE000  }
0x52: {  	[spmem:s1] =	stream.indirect.scatter.add.f32 [tilespmem:s17], [sflag:$0x5], $0x80, s20, s14, $0xb8;
	[tilespmem:$0x1FE80] =	vst v63  }
0x53: {  	_ =	swait.ge [sflag:s13], $0x2000  }
0x54: {  	[sflag:s13] =	ssyncset.done $0x0  }
0x55: {  	s10 =	sadd.s32 $0x280, s8;
	[sflag:s13] =	ssyncadd.s32 $0xFFFFE000  }
0x56: {  	[tilespmem:s17], [sflag:$0x2] =	stream.indirect.gather [hbm4b:s4+s14], $0x80, s10, s14, $0xb8;
	[tilespmem:$0x1FE80] =	vst v63  }
0x57: {  	_ =	swait.ge [sflag:s25], $0x2000  }
0x58: {  	[sflag:s25] =	ssyncset.done $0x0  }
0x59: {  	s11 =	simm.s32 $0x2900;
	[sflag:s25] =	ssyncadd.s32 $0xFFFFE000  }
0x5a: {  	[spmem:s1] =	stream.indirect.scatter.add.f32 [tilespmem:s19], [sflag:$0x5], $0x80, s11, s14, $0xb8;
	[tilespmem:$0x1FE80] =	vst v63  }
0x5b: {  	_ =	swait.ge [sflag:s13], $0x2000  }
0x5c: {  	[sflag:s13] =	ssyncset.done $0x0  }
0x5d: {  	s12 =	sadd.s32 $0x300, s8;
	[sflag:s13] =	ssyncadd.s32 $0xFFFFE000  }
0x5e: {  	[tilespmem:s19], [sflag:$0x3] =	stream.indirect.gather [hbm4b:s4+s14], $0x80, s12, s14, $0xb8;
	[tilespmem:$0x1FE80] =	vst v63  }
0x5f: {  	_ =	swait.ge [sflag:s26], $0x2000  }
0x60: {  	[sflag:s26] =	ssyncset.done $0x0  }
0x61: {  	s20 =	simm.s32 $0x2980;
	[sflag:s26] =	ssyncadd.s32 $0xFFFFE000  }
0x62: {  	[spmem:s1] =	stream.indirect.scatter.add.f32 [tilespmem:s21], [sflag:$0x5], $0x80, s20, s14, $0xb8;
	[tilespmem:$0x1FE80] =	vst v63  }
0x63: {  	_ =	swait.ge [sflag:s13], $0x2000  }
0x64: {  	s0 =	sand.u32 $0x1, s31;
	[sflag:s13] =	ssyncset.done $0x0  }
0x65: {  	s8 =	sadd.s32 $0x380, s8;
	s20 =	simm.s32 $0x800;
	[sflag:s13] =	ssyncadd.s32 $0xFFFFE000  }
.LBB2_7:
0x66: {  	[tilespmem:s21], [sflag:$0x4] =	stream.indirect.gather [hbm4b:s4+s14], $0x80, s8, s14, $0xb8;
	[tilespmem:$0x1FE80] =	vst v63  }
0x67: {  	s8 =	smov.u32 s20  }
0x68: {  	p1 =	sne.s32 s20, $0x4000;
	s20 =	sadd.s32 $0x800, s20;
	_ =	swait.ge [sflag:s22], $0x2000  }
0x69: {  	s10 =	sshra.s32 s8, $0x2;
	[sflag:s22] =	ssyncset.done $0x0  }
0x6a: {  	s12 =	sadd.s32 $0x2800, s10;
	s8 =	sadd.s32 s10, s18;
	[sflag:s22] =	ssyncadd.s32 $0xFFFFE000  }
0x6b: {  	[spmem:s1] =	stream.indirect.scatter.add.f32 [tilespmem:s15], [sflag:$0x5], $0x80, s12, s14, $0xb8;
	[tilespmem:$0x1FE80] =	vst v63  }
0x6c: {  	_ =	swait.ge [sflag:s13], $0x2000  }
0x6d: {  	[sflag:s13] =	ssyncset.done $0x0  }
0x6e: {  	s12 =	sadd.s32 $0x200, s8;
	[sflag:s13] =	ssyncadd.s32 $0xFFFFE000  }
0x6f: {  	[tilespmem:s15], [sflag:$0x1] =	stream.indirect.gather [hbm4b:s4+s14], $0x80, s12, s14, $0xb8;
	[tilespmem:$0x1FE80] =	vst v63  }
0x70: {  	_ =	swait.ge [sflag:s24], $0x2000  }
0x71: {  	[sflag:s24] =	ssyncset.done $0x0  }
0x72: {  	s12 =	sadd.s32 $0x2880, s10;
	[sflag:s24] =	ssyncadd.s32 $0xFFFFE000  }
0x73: {  	[spmem:s1] =	stream.indirect.scatter.add.f32 [tilespmem:s17], [sflag:$0x5], $0x80, s12, s14, $0xb8;
	[tilespmem:$0x1FE80] =	vst v63  }
0x74: {  	_ =	swait.ge [sflag:s13], $0x2000  }
0x75: {  	[sflag:s13] =	ssyncset.done $0x0  }
0x76: {  	s12 =	sadd.s32 $0x280, s8;
	[sflag:s13] =	ssyncadd.s32 $0xFFFFE000  }
0x77: {  	[tilespmem:s17], [sflag:$0x2] =	stream.indirect.gather [hbm4b:s4+s14], $0x80, s12, s14, $0xb8;
	[tilespmem:$0x1FE80] =	vst v63  }
0x78: {  	_ =	swait.ge [sflag:s25], $0x2000  }
0x79: {  	[sflag:s25] =	ssyncset.done $0x0  }
0x7a: {  	s12 =	sadd.s32 $0x2900, s10;
	[sflag:s25] =	ssyncadd.s32 $0xFFFFE000  }
0x7b: {  	[spmem:s1] =	stream.indirect.scatter.add.f32 [tilespmem:s19], [sflag:$0x5], $0x80, s12, s14, $0xb8;
	[tilespmem:$0x1FE80] =	vst v63  }
0x7c: {  	_ =	swait.ge [sflag:s13], $0x2000  }
0x7d: {  	[sflag:s13] =	ssyncset.done $0x0  }
0x7e: {  	s12 =	sadd.s32 $0x300, s8;
	[sflag:s13] =	ssyncadd.s32 $0xFFFFE000  }
0x7f: {  	[tilespmem:s19], [sflag:$0x3] =	stream.indirect.gather [hbm4b:s4+s14], $0x80, s12, s14, $0xb8;
	[tilespmem:$0x1FE80] =	vst v63  }
0x80: {  	_ =	swait.ge [sflag:s26], $0x2000  }
0x81: {  	[sflag:s26] =	ssyncset.done $0x0  }
.Ltmp2:
0x82: {  	s10 =	sadd.s32 $0x2980, s10;
	[sflag:s26] =	ssyncadd.s32 $0xFFFFE000;
	(pc) =	sbr.rel @p1 .LBB2_7-.Ltmp2, $4  }
0x83: {  	[spmem:s1] =	stream.indirect.scatter.add.f32 [tilespmem:s21], [sflag:$0x5], $0x80, s10, s14, $0xb8;
	[tilespmem:$0x1FE80] =	vst v63  }
0x84: {  	_ =	swait.ge [sflag:s13], $0x2000  }
0x85: {  	[sflag:s13] =	ssyncset.done $0x0  }
0x86: {  	s8 =	sadd.s32 $0x380, s8;
	[sflag:s13] =	ssyncadd.s32 $0xFFFFE000  }
0x87: {  	[tilespmem:s21], [sflag:$0x4] =	stream.indirect.gather [hbm4b:s4+s14], $0x80, s8, s14, $0xb8;
	[tilespmem:$0x1FE80] =	vst v63  }
0x88: {  	p1 =	seq.s32 s31, $0x3  }
0x89: {  	s8 =	simm.s32 @p1 $0x1  }
0x8a: {  	_ =	swait.ge @p1 [sflag:s8], $0x2000  }
0x8b: {  	s10 =	simm.s32 @p1 $0x3A00;
	[sflag:s8] =	ssyncset.done @p1 $0x0  }
0x8c: {  	s12 =	simm.s32 @p1 $0x3C00;
	[sflag:s8] =	ssyncadd.s32 @p1 $0xFFFFE000;
	s8 =	simm.s32 @p1 $0x40  }
0x8d: {  	[spmem:s1] =	stream.indirect.scatter.add.f32 @p1 [tilespmem:s12], [sflag:$0x5], $0x80, s10, s8, $0xb8;
	[tilespmem:$0x1FE80] =	vst v63  }
0x8e: {  	s10 =	simm.s32 @p1 $0x5;
	s12 =	sxor.u32 @!p1 $0x1, s0  }
0x8f: {  	s16 =	sadd.s32 @!p1 s16, s9;
	_ =	swait.ge @p1 [sflag:s10], $0x2000;
	s12 =	smul.u32 @!p1 $0x5000, s12  }
0x90: {  	s18 =	simm.s32 @!p1 $0x0;
	s16 =	sshrl.u32 @!p1 s16, $0x3;
	[sflag:s10] =	ssyncset.done @p1 $0x0  }
0x91: {  	s16 =	sadd.s32 @!p1 s5, s16;
	[sflag:s10] =	ssyncadd.s32 @p1 $0xFFFFE000;
	s12 =	sshrl.u32 @!p1 s12, $0x2  }
0x92: {  	[tilespmem:s12], [sflag:$0x5] =	stream.linear.gather @!p1 [hbm4b:s16+s18], $0x1400, $0x38;
	[tilespmem:$0x1FE80] =	vst v63  }
0x93: {  	s16 =	simm.s32 @!p1 $0x5  }
0x94: {  	_ =	swait.ge @!p1 [sflag:s16], $0x1400  }
0x95: {  	[sflag:s16] =	ssyncset.done @!p1 $0x0  }
0x96: {  	s18 =	simm.s32 @!p1 $0x1;
	[sflag:s16] =	ssyncadd.s32 @!p1 $0xFFFFEC00  }
0x97: {  	_ =	swait.ge @!p1 [sflag:s18], $0x2000  }
0x98: {  	s20 =	simm.s32 @!p1 $0x3A00;
	[sflag:s18] =	ssyncset.done @!p1 $0x0  }
0x99: {  	s11 =	simm.s32 @!p1 $0x3C00;
	[sflag:s18] =	ssyncadd.s32 @!p1 $0xFFFFE000;
	s18 =	simm.s32 @!p1 $0x40  }
0x9a: {  	[spmem:s1] =	stream.indirect.scatter.add.f32 @!p1 [tilespmem:s11], [sflag:$0x5], $0x80, s20, s18, $0xb8;
	[tilespmem:$0x1FE80] =	vst v63  }
0x9b: {  	_ =	swait.ge @!p1 [sflag:s16], $0x2000  }
0x9c: {  	[sflag:s16] =	ssyncset.done @!p1 $0x0  }
0x9d: {  	[sflag:s16] =	ssyncadd.s32 @!p1 $0xFFFFE000  }
0x9e: {  	[tilespmem:s11], [sflag:$0x1] =	stream.indirect.gather @!p1 [hbm4b:s4+s18], $0x80, s12, s18, $0xb8;
	[tilespmem:$0x1FE80] =	vst v63  }
0x9f: {  	_ =	swait.ge [sflag:s24], $0x2000  }
0xa0: {  	[sflag:s24] =	ssyncset.done $0x0  }
0xa1: {  	[sflag:s24] =	ssyncadd.s32 $0xFFFFE000  }
0xa2: {  	[spmem:s1] =	stream.indirect.scatter.add.f32 [tilespmem:s17], [sflag:$0x5], $0x80, s28, s14, $0xb8;
	[tilespmem:$0x1FE80] =	vst v63  }
0xa3: {  	_ =	swait.ge [sflag:s13], $0x2000  }
0xa4: {  	[sflag:s13] =	ssyncset.done $0x0  }
0xa5: {  	s11 =	simm.s32 @p1 $0x3;
	[sflag:s13] =	ssyncadd.s32 $0xFFFFE000  }
0xa6: {  	_ =	swait.ge @p1 [sflag:s11], $0x2000  }
0xa7: {  	[sflag:s11] =	ssyncset.done @p1 $0x0  }
0xa8: {  	s20 =	simm.s32 @p1 $0x7C00;
	[sflag:s11] =	ssyncadd.s32 @p1 $0xFFFFE000;
	s11 =	simm.s32 @p1 $0x3B00  }
0xa9: {  	[spmem:s1] =	stream.indirect.scatter.add.f32 @p1 [tilespmem:s20], [sflag:$0x5], $0x80, s11, s8, $0xb8;
	[tilespmem:$0x1FE80] =	vst v63  }
0xaa: {  	_ =	swait.ge @p1 [sflag:s10], $0x2000  }
0xab: {  	[sflag:s10] =	ssyncset.done @p1 $0x0  }
0xac: {  	s8 =	sor.u32 @!p1 $0x80, s12;
	[sflag:s10] =	ssyncadd.s32 @p1 $0xFFFFE000;
	s10 =	simm.s32 @!p1 $0x5C00  }
0xad: {  	[tilespmem:s10], [sflag:$0x2] =	stream.indirect.gather @!p1 [hbm4b:s4+s18], $0x80, s8, s18, $0xb8;
	[tilespmem:$0x1FE80] =	vst v63  }
0xae: {  	s8 =	simm.s32 @!p1 $0x3  }
0xaf: {  	_ =	swait.ge @!p1 [sflag:s8], $0x2000  }
0xb0: {  	[sflag:s8] =	ssyncset.done @!p1 $0x0  }
0xb1: {  	s10 =	simm.s32 @!p1 $0x7C00;
	[sflag:s8] =	ssyncadd.s32 @!p1 $0xFFFFE000;
	s8 =	simm.s32 @!p1 $0x3B00  }
0xb2: {  	[spmem:s1] =	stream.indirect.scatter.add.f32 @!p1 [tilespmem:s10], [sflag:$0x5], $0x80, s8, s18, $0xb8;
	[tilespmem:$0x1FE80] =	vst v63  }
0xb3: {  	_ =	swait.ge @!p1 [sflag:s16], $0x2000  }
0xb4: {  	[sflag:s16] =	ssyncset.done @!p1 $0x0  }
0xb5: {  	s8 =	sor.u32 @!p1 $0x100, s12;
	[sflag:s16] =	ssyncadd.s32 @!p1 $0xFFFFE000  }
0xb6: {  	[tilespmem:s10], [sflag:$0x3] =	stream.indirect.gather @!p1 [hbm4b:s4+s18], $0x80, s8, s18, $0xb8;
	[tilespmem:$0x1FE80] =	vst v63  }
0xb7: {  	_ =	swait.ge [sflag:s26], $0x2000  }
0xb8: {  	[sflag:s26] =	ssyncset.done $0x0  }
.Ltmp3:
0xb9: {  	[sflag:s26] =	ssyncadd.s32 $0xFFFFE000;
	(pc) =	sbr.rel @p1 .LBB2_10-.Ltmp3, $4  }
0xba: {  	[spmem:s1] =	stream.indirect.scatter.add.f32 [tilespmem:s21], [sflag:$0x5], $0x80, s29, s14, $0xb8;
	[tilespmem:$0x1FE80] =	vst v63  }
0xbb: {  	_ =	swait.ge [sflag:s13], $0x2000  }
0xbc: {  	[sflag:s13] =	ssyncset.done $0x0  }
0xbd: {  	[sflag:s13] =	ssyncadd.s32 $0xFFFFE000  }
0xbe: {  	s0 =	sxor.u32 $0x1, s0  }
0xbf: {  	s0 =	smul.u32 $0x5000, s0  }
.Ltmp4:
0xc0: {  	_ = 	snop;
	(pc) =	sbr.rel .LBB2_6-.Ltmp4, $4  }
0xc1: {  	_ = 	snop  }
0xc2: {  	s0 =	sshrl.u32 s0, $0x2  }
0xc3: {  	s31 =	sadd.s32 $0x1, s31;
	p0 =	por !p0, !p0;
	s0 =	sor.u32 $0x180, s0  }
0xc4: {  	[tilespmem:s21], [sflag:$0x4] =	stream.indirect.gather [hbm4b:s4+s14], $0x80, s0, s14, $0xb8;
	[tilespmem:$0x1FE80] =	vst v63  }
.LBB2_10:
0xc5: {  	s0 =	sadd.s32 $0x0, s2;
	[bflag:$0x0] =	sbarrier.arrive $0xFFFF  }
0xc6: {  	p0 =	sgt.u32 s0, $0x270;
	s20 =	rddreg [dreg:$0x5]  }
0xc7: {  	s0 =	simm.s32 @!p0 $0xBC00;
	s10 =	simm.s32 @!p0 $0x6;
	p0 =	por p0, p0  }
0xc8: {  	[tilespmem:s0], [sflag:$0x6] =	stream.linear.gather @!p0 [spmem:s20], $0x800, $0x38;
	[tilespmem:$0x1FE80] =	vst v63  }
0xc9: {  	_ =	swait.ge @!p0 [sflag:s10], $0x800  }
0xca: {  	s31 =	sadd.s32 $0x10, s2;
	s18 =	simm.s32 @!p0 $0x5;
	[sflag:s10] =	ssyncset.done @!p0 $0x0  }
0xcb: {  	s11 =	rddreg [dreg:$0x6];
	[sflag:s10] =	ssyncadd.s32 @!p0 $0xFFFFF800;
	s10 =	simm.s32 @!p0 $0x0  }
0xcc: {  	[hbm4b:s11+s10] =	stream.linear.scatter @!p0 [tilespmem:s0], [sflag:$0x5], $0x800, $0x38;
	[tilespmem:$0x1FE80] =	vst v63  }
0xcd: {  	s8 =	simm.s32 $0x20;
	p1 =	sgt.u32 s31, $0x270;
	_ =	swait.ge @!p0 [sflag:s18], $0x800  }
0xce: {  	s16 =	sadd.s32 $0x8000, s20;
	s0 =	sadd.s32 $0x1000, s11;
	[sflag:s18] =	ssyncset.done @!p0 $0x0  }
.LBB2_11:
0xcf: {  	s10 =	simm.s32 @!p1 $0xBC00;
	s11 =	simm.s32 @!p1 $0x6;
	[sflag:s18] =	ssyncadd.s32 @!p0 $0xFFFFF800  }
0xd0: {  	s12 =	smov.u32 s8;
	p0 =	por p1, p1;
	s8 =	sadd.s32 $0x10, s8  }
0xd1: {  	[tilespmem:s10], [sflag:$0x6] =	stream.linear.gather @!p0 [spmem:s16], $0x800, $0x38;
	[tilespmem:$0x1FE80] =	vst v63  }
0xd2: {  	p2 =	sne.s32 s8, $0x280;
	_ =	swait.ge @!p0 [sflag:s11], $0x800  }
.Ltmp5:
0xd3: {  	[sflag:s11] =	ssyncset.done @!p0 $0x0;
	(pc) =	sbr.rel @p2 .LBB2_11-.Ltmp5, $4  }
0xd4: {  	s18 =	simm.s32 @!p0 $0x5;
	[sflag:s11] =	ssyncadd.s32 @!p0 $0xFFFFF800;
	s11 =	simm.s32 @!p0 $0x0  }
0xd5: {  	[hbm4b:s0+s11] =	stream.linear.scatter @!p0 [tilespmem:s10], [sflag:$0x5], $0x800, $0x38;
	[tilespmem:$0x1FE80] =	vst v63  }
0xd6: {  	s10 =	sadd.s32 s12, s2;
	s0 =	sadd.s32 $0x1000, s0;
	_ =	swait.ge @!p0 [sflag:s18], $0x800  }
0xd7: {  	s16 =	sadd.s32 $0x8000, s16;
	p1 =	sgt.u32 s10, $0x270;
	[sflag:s18] =	ssyncset.done @!p0 $0x0  }
0xd8: {  	s8 =	simm.s32 @!p1 $0xBC00  }
0xd9: {  	s10 =	simm.s32 @!p1 $0x6;
	[sflag:s18] =	ssyncadd.s32 @!p0 $0xFFFFF800;
	p0 =	por p1, p1  }
0xda: {  	[tilespmem:s8], [sflag:$0x6] =	stream.linear.gather @!p0 [spmem:s16], $0x800, $0x38;
	[tilespmem:$0x1FE80] =	vst v63  }
0xdb: {  	_ =	swait.ge @!p0 [sflag:s10], $0x800  }
0xdc: {  	[sflag:s10] =	ssyncset.done @!p0 $0x0  }
0xdd: {  	s11 =	simm.s32 @!p0 $0x5;
	[sflag:s10] =	ssyncadd.s32 @!p0 $0xFFFFF800;
	s10 =	simm.s32 @!p0 $0x0  }
0xde: {  	[hbm4b:s0+s10] =	stream.linear.scatter @!p0 [tilespmem:s8], [sflag:$0x5], $0x800, $0x38;
	[tilespmem:$0x1FE80] =	vst v63  }
0xdf: {  	_ =	swait.ge @!p0 [sflag:s11], $0x800  }
0xe0: {  	s3 =	sadd.s32 $0x1, s3;
	s31 =	rddreg [dreg:$0x4]  }
0xe1: {  	p1 =	sne.s32 s3, s31  }
.Ltmp6:
0xe2: {  	_ = 	snop;
	(pc) =	sbr.rel @p1 .LBB2_1-.Ltmp6, $3  }
0xe3: {  	_ =	sdelay $0x1  }
0xe4: {  	[sflag:s11] =	ssyncset.done @!p0 $0x0  }
0xe5: {  	[sflag:s11] =	ssyncadd.s32 @!p0 $0xFFFFF800  }
0xe6: {  	_ =	sfence.sel $0x180000  }
0xe7: {  	[bflag:$0x0] =	sbarrier.arrive $0xFFFF  }
0xe8: {  	_ =	strace $0x9000004D  }
0xe9: {  	[bflag:$0x2] =	sbarrier.arrive $0xFFFF  }
0xea: {  	p0 =	sne.s32 s2, $0x0;
	s0 =	rddreg [dreg:$0x2]  }
0xeb: {  	s0 =	sadd.s32 @!p0 $0x100000, s0  }
0xec: {  	[sflag:s0] =	ssyncadd.tile.s32 @!p0 $0x1;
	_ =	shalt  }
.Lfunc_end2:
_tile_overlayer_lowered:
.L_overlay_start_2:
0xed: {  	(tag) =	ssettag $0x2  }
0xee: {  	s0 =	rddreg [dreg:$0x0];
	s2 =	stileid.u32  }
0xef: {  	s1 =	rddreg [dreg:$0x1];
	p0 =	sne.s32 s2, $0x0  }
0xf0: {  	s3 =	rddreg [dreg:$0x2];
	[bflag:$0x3] =	sbarrier.arrive $0xFFFF;
	s2 =	simm.s32 @!p0 $0x1C05  }
0xf1: {  	[timem:s3], [sflag:s2] =	dma.local @!p0 [hbm:s0], s1  }
0xf2: {  	s0 =	simm.s32 @!p0 $0x5  }
0xf3: {  	_ =	swait.ge @!p0 [sflag:s0], s1  }
0xf4: {  	s1 =	ssub.s32 @!p0 $0x0, s1;
	[sflag:s0] =	ssyncset.done @!p0 $0x0  }
0xf5: {  	[sflag:s0] =	ssyncadd.s32 @!p0 s1  }
0xf6: {  	[bflag:$0x3] =	sbarrier.arrive $0xFFFF  }
0xf7: {  	_ =	shalt  }

// kernel: kernel.8.cloned.1.call-start
scs
__scs_entry_jumppad:
0x0: {  	(pc) =	sbr.rel $0x88, $3  }
0x1: {  	(tag) =	ssettag $0x0;
	lr =	simm.s32 $0x1  }
0x2: {  	[smem:$0x3F98] =	sst lr;
	_ =	strace $0xD0000000  }
0x3: {  	_ = 	snop  }
0x4: {  	_ = 	snop  }
0x5: {  	_ = 	snop  }
0x6: {  	_ = 	snop  }
0x7: {  	_ = 	snop  }
__scs_overlays_trampoline_lowered:
0x8: {  	[smem:$0x3FA7] =	sst s0  }
0x9: {  	[smem:$0x3FA8] =	sst s1  }
0xa: {  	[smem:$0x3FA9] =	sst s2  }
0xb: {  	[smem:$0x3FAA] =	sst s3  }
0xc: {  	[smem:$0x3FAB] =	sst s4  }
0xd: {  	[smem:$0x3FAC] =	sst s5  }
0xe: {  	[smem:$0x3FAD] =	sst s6  }
0xf: {  	[smem:$0x3FAE] =	sst s7  }
0x10: {  	[smem:$0x3FAF] =	sst s8  }
0x11: {  	[smem:$0x3FB0] =	sst s9;
	s0 =	simm.s32 @!p0 $0x0  }
0x12: {  	s1 =	sld [smem:$0x3F96];
	s0 =	simm.s32 @p0 $0x1  }
0x13: {  	[smem:$0x3FB1] =	sst s0;
	s0 =	simm.s32 @!p1 $0x0  }
0x14: {  	s2 =	sld [smem:$0x3F95];
	s0 =	simm.s32 @p1 $0x1  }
0x15: {  	[smem:$0x3FB2] =	sst s0;
	s0 =	simm.s32 @!p2 $0x0  }
0x16: {  	s3 =	sld [smem:$0x3FDB];
	s0 =	simm.s32 @p2 $0x1  }
0x17: {  	s4 =	simm.s32 $0x1BF5;
	[smem:$0x3FB4] =	sst s0  }
0x18: {  	s0 =	sld [smem:$0x3F97];
	_ =	swait.ge [sflag:s4], $0x0  }
0x19: {  	s7 =	sld [smem:$0x3F98]  }
0x1a: {  	s8 =	sadd.s32 $0xFFFFE003, lr  }
0x1b: {  	s9 =	sadd.s32 $0xFFFFFEF7, lr;
	s5 =	simm.s32 $0xFFFFFFFF;
	p2 =	slt.u32 s8, $0xFFFFF086  }
0x1c: {  	p1 =	slt.u32 s9, $0xF7A;
	s5 =	simm.s32 @!p2 $0x0  }
0x1d: {  	s5 =	simm.s32 @p1 $0x1;
	p0 =	seq.s32 s7, s2  }
0x1e: {  	s7 =	smul.u32 @!p0 $0xF7A, s2;
	p2 =	seq.s32 @!p0 s5, $0x0  }
0x1f: {  	s9 =	smul.u32 $0xF7A, s1;
	s8 =	simm.s32 @!p0 $0x1BF5;
	p2 =	por !p2, p0  }
0x20: {  	[sflag:s8] =	ssyncset.s32 @!p0 $0xFFFFF086;
	s6 =	sadd.s32 @!p0 s3, s7;
	s7 =	simm.s32 @!p0 $0x108  }
0x21: {  	s3 =	sadd.s32 s3, s9;
	s6 =	sadd.s32 @!p0 $0x88, s6;
	s7 =	simm.s32 @p2 $0x1082  }
0x22: {  	[simem:s7], [sflag:s8] =	dma.local @!p0 [hbm:s6], $0xF7A  }
0x23: {  	s9 =	sor.u32 $0xD0000000, s2;
	s6 =	simm.s32 $0x108;
	_ =	swait.ge @!p0 [sflag:s8], $0x0  }
0x24: {  	s3 =	sadd.s32 $0x88, s3;
	s6 =	simm.s32 @!p1 $0x1082;
	[sflag:s4] =	ssyncset.s32 $0xFFFFF086  }
0x25: {  	[simem:s6], [sflag:s4] =	dma.local [hbm:s3], $0xF7A  }
0x26: {  	[smem:$0x3F98] =	sst s1;
	(tag) =	ssettag s2;
	_ =	strace s9  }
0x27: {  	s1 =	sld [smem:$0x3FA8]  }
0x28: {  	s2 =	sld [smem:$0x3FA9]  }
0x29: {  	s4 =	sld [smem:$0x3FAB]  }
0x2a: {  	p0 =	seq.s32 s5, $0x0;
	s5 =	sld [smem:$0x3FAC]  }
0x2b: {  	s6 =	sld [smem:$0x3FAD]  }
0x2c: {  	s7 =	sld [smem:$0x3FAE]  }
0x2d: {  	s3 =	simm.s32 $0x108;
	s8 =	sld [smem:$0x3FAF]  }
0x2e: {  	s3 =	simm.s32 @!p0 $0x1082;
	s9 =	sld [smem:$0x3FB0]  }
0x2f: {  	lr =	sadd.s32 s0, s3;
	s0 =	sld [smem:$0x3FA7]  }
0x30: {  	s3 =	sld [smem:$0x3FAA]  }
0x31: {  	[smem:$0x3FB3] =	sst s10  }
0x32: {  	s10 =	sld [smem:$0x3FB1];
	_ =	sdelay $0x3  }
0x33: {  	p0 =	seq.s32 s10, $0x1;
	s10 =	sld [smem:$0x3FB3];
	_ =	sdelay $0x3  }
0x34: {  	[smem:$0x3FB3] =	sst s10  }
0x35: {  	s10 =	sld [smem:$0x3FB2];
	_ =	sdelay $0x3  }
0x36: {  	p1 =	seq.s32 s10, $0x1;
	s10 =	sld [smem:$0x3FB3];
	_ =	sdelay $0x3  }
0x37: {  	[smem:$0x3FB3] =	sst s10  }
0x38: {  	s10 =	sld [smem:$0x3FB4]  }
0x39: {  	_ = 	snop;
	(pc) =	sbr.ind lr, $3  }
0x3a: {  	_ = 	snop  }
0x3b: {  	_ = 	snop  }
0x3c: {  	p2 =	seq.s32 s10, $0x1;
	s10 =	sld [smem:$0x3FB3]  }
0x3d: {  	_ =	shalt  }
0x3e: {  	_ =	shalt  }
0x3f: {  	_ =	shalt  }
0x40: {  	_ =	shalt  }
0x41: {  	_ =	shalt  }
0x42: {  	_ =	shalt  }
0x43: {  	_ =	shalt  }
0x44: {  	_ =	shalt  }
0x45: {  	_ =	shalt  }
0x46: {  	_ =	shalt  }
0x47: {  	_ =	shalt  }
0x48: {  	_ =	shalt  }
0x49: {  	_ =	shalt  }
0x4a: {  	_ =	shalt  }
0x4b: {  	_ =	shalt  }
0x4c: {  	_ =	shalt  }
0x4d: {  	_ =	shalt  }
0x4e: {  	_ =	shalt  }
0x4f: {  	_ =	shalt  }
0x50: {  	_ =	shalt  }
0x51: {  	_ =	shalt  }
0x52: {  	_ =	shalt  }
0x53: {  	_ =	shalt  }
0x54: {  	_ =	shalt  }
0x55: {  	_ =	shalt  }
0x56: {  	_ =	shalt  }
0x57: {  	_ =	shalt  }
0x58: {  	_ =	shalt  }
0x59: {  	_ =	shalt  }
0x5a: {  	_ =	shalt  }
0x5b: {  	_ =	shalt  }
0x5c: {  	_ =	shalt  }
0x5d: {  	_ =	shalt  }
0x5e: {  	_ =	shalt  }
0x5f: {  	_ =	shalt  }
0x60: {  	_ =	shalt  }
0x61: {  	_ =	shalt  }
0x62: {  	_ =	shalt  }
0x63: {  	_ =	shalt  }
0x64: {  	_ =	shalt  }
0x65: {  	_ =	shalt  }
0x66: {  	_ =	shalt  }
0x67: {  	_ =	shalt  }
0x68: {  	_ =	shalt  }
0x69: {  	_ =	shalt  }
0x6a: {  	_ =	shalt  }
0x6b: {  	_ =	shalt  }
0x6c: {  	_ =	shalt  }
0x6d: {  	_ =	shalt  }
0x6e: {  	_ =	shalt  }
0x6f: {  	_ =	shalt  }
0x70: {  	_ =	shalt  }
0x71: {  	_ =	shalt  }
0x72: {  	_ =	shalt  }
0x73: {  	_ =	shalt  }
0x74: {  	_ =	shalt  }
0x75: {  	_ =	shalt  }
0x76: {  	_ =	shalt  }
0x77: {  	_ =	shalt  }
0x78: {  	_ =	shalt  }
0x79: {  	_ =	shalt  }
0x7a: {  	_ =	shalt  }
0x7b: {  	_ =	shalt  }
0x7c: {  	_ =	shalt  }
0x7d: {  	_ =	shalt  }
0x7e: {  	_ =	shalt  }
0x7f: {  	_ =	shalt  }
0x80: {  	_ =	shalt  }
0x81: {  	_ =	shalt  }
0x82: {  	_ =	shalt  }
0x83: {  	_ =	shalt  }
0x84: {  	_ =	shalt  }
0x85: {  	_ =	shalt  }
0x86: {  	_ =	shalt  }
0x87: {  	_ =	shalt  }
.Lfunc_end0:
.L_simem_size_0:
called_computation_lowered:
.L_overlay_start_0:
0x88: {  	s2 =	sld [smem:$0x3FD9]  }
0x89: {  	s3 =	sld [smem:$0x3FFE];
	_ =	sdelay $0x1  }
0x8a: {  	s1 =	srdreg.scid  }
0x8b: {  	s0 =	sand.u32 $0x1, s1  }
0x8c: {  	s17 =	sshll.u32 s0, $0xA;
	s2 =	sadd.s32 s3, s2  }
0x8d: {  	s2 =	sadd.s32 s2, s17  }
0x8e: {  	[smem:$0x3FBF] =	sst s2  }
0x8f: {  	_ = 	snop  }
0x90: {  	s2 =	sld [smem:$0x3FD0];
	(tm) =	ssettm $0x1  }
0x91: {  	s18 =	sld [smem:$0x3FFB];
	_ =	sdelay $0x3  }
0x92: {  	_ =	strace s18  }
0x93: {  	s3 =	sld [smem:$0x3FFC];
	_ =	sdelay $0x3  }
0x94: {  	_ =	strace s3  }
0x95: {  	s3 =	sld [smem:$0x3FFD];
	_ =	sdelay $0x3  }
0x96: {  	_ =	strace s3  }
0x97: {  	_ =	strace $0x8FFFFFFF  }
0x98: {  	s19 =	sld [smem:$0x3FDB];
	_ =	sdelay $0x1  }
0x99: {  	s4 =	simm.s32 $_scs_section_size  }
0x9a: {  	s5 =	simm.s32 $_size__tile_overlayer_lowered;
	s6 =	simm.s32 $_tile_overlayer_lowered  }
0x9b: {  	s22 =	simm.s32 $0x1BFF;
	s21 =	sshll.u32 s6, $0x1;
	s3 =	sadd.s32 s4, s19  }
0x9c: {  	s7 =	simm.s32 $0x0;
	s20 =	sshll.u32 s5, $0x1;
	s5 =	sadd.s32 s21, s3  }
0x9d: {  	[timem:s7], [sflag:s22] =	dma.local [hbm:s5], s20  }
0x9e: {  	_ =	swait.ge [sflag:s22], s20  }
0x9f: {  	s4 =	ssub.s32 $0x0, s20;
	[sflag:s22] =	ssyncset.done $0x0  }
0xa0: {  	[sflag:s22] =	ssyncadd.s32 s4;
	_ =	sdelay $0x1  }
0xa1: {  	s23 =	simm.s32 $0x1B8B  }
0xa2: {  	_ =	swait.ge [sflag:s23], $0x1  }
0xa3: {  	[sflag:s23] =	ssyncset.done $0x0  }
0xa4: {  	s25 =	simm.s32 $0x1B8E;
	s24 =	sld [smem:$0x3FFE];
	[sflag:s23] =	ssyncadd.s32 $0xFFFFFFFF  }
0xa5: {  	s26 =	simm.s32 $execute0_lowered;
	[smem:$0x3FD2] =	sst s25  }
0xa6: {  	s5 =	sshll.u32 s26, $0x1;
	_ =	strace $0x80000046;
	[dreg:$0x1] =	wrdreg $0xFFFFFFFF  }
0xa7: {  	s28 =	simm.s32 $_size_execute0_lowered;
	s3 =	sadd.s32 s3, s5;
	[dreg:$0x0] =	wrdreg $0x0  }
0xa8: {  	s5 =	sshll.u32 s28, $0x1;
	[dreg:$0x2] =	wrdreg s3  }
0xa9: {  	[dreg:$0x3] =	wrdreg s5  }
0xaa: {  	[dreg:$0x4] =	wrdreg $0xC0  }
0xab: {  	_ =	task [dreg:s7], $0x5FFFF  }
0xac: {  	[dreg:$0x1] =	wrdreg $0xFFFFFFFF  }
0xad: {  	[dreg:$0x0] =	wrdreg $0x60  }
0xae: {  	[dreg:$0x2] =	wrdreg s24  }
0xaf: {  	[dreg:$0x3] =	wrdreg s2  }
0xb0: {  	[dreg:$0x4] =	wrdreg $0x57000  }
0xb1: {  	[dreg:$0x5] =	wrdreg $0x9  }
0xb2: {  	_ =	task.clear_ibuf [dreg:s7], $0x6FFFF;
	_ =	strace $0x90000046  }
0xb3: {  	s29 =	simm.s32 $0x9;
	_ =	strace $0x80000048  }
0xb4: {  	_ =	swait.ge [sflag:s29], $0x1  }
0xb5: {  	[sflag:s29] =	ssyncadd.s32 $0xFFFFFFFF  }
0xb6: {  	_ =	strace $0x90000048  }
0xb7: {  	_ =	sfence  }
0xb8: {  	s30 =	sld [smem:$0x0];
	_ =	sdelay $0x2  }
0xb9: {  	s31 =	sshll.u32 s1, $0xD;
	s1 =	sshrl.u32 s1, $0x2  }
0xba: {  	s3 =	sand.u32 $0x4000, s31;
	s1 =	sadd.s32 s1, s30  }
0xbb: {  	s0 =	sor.u32 s3, s0;
	s1 =	sshll.u32 s1, $0x11  }
0xbc: {  	s0 =	sor.u32 s1, s0  }
0xbd: {  	s0 =	sadd.s32 $0x8F2B, s0  }
0xbe: {  	[sflag:s0] =	ssyncadd.remote.s32 $0x1  }
0xbf: {  	_ =	sfence.sel $0xFFFF  }
0xc0: {  	[dreg:$0x0] =	wrdreg $0xFFFFFFFF;
	(pc) =	sbr.abs _section_cstart, $3  }
0xc1: {  	[dreg:$0x1] =	wrdreg $0xFFFFFFFF  }
0xc2: {  	_ =	task.clear_ibuf [dreg:s7], $0x2FFFF;
	_ =	strace $0x9FFFFFFF  }
0xc3: {  	(tm) =	ssettm $0x7FFFFFFF  }
tec
execute0_lowered:
.L_overlay_start_1:
0x0: {  	(tag) =	ssettag $0x1  }
0x1: {  	s1 =	srdreg.scid;
	s5 =	rddreg [dreg:$0x0]  }
0x2: {  	s0 =	stileid.u32;
	s7 =	rddreg [dreg:$0x1]  }
0x3: {  	s2 =	rddreg [dreg:$0x2];
	s3 =	simm.s32 $0x0;
	s11 =	simm.s32 $0x40  }
0x4: {  	s12 =	simm.s32 $0x5000;
	s13 =	simm.s32 $0x0;
	s8 =	smul.u32 $0xA00, s0  }
0x5: {  	s4 =	sand.u32 $0x1, s1;
	s28 =	sshll.u32 s0, $0x1;
	s9 =	smul.u32 $0x3E8, s0  }
0x6: {  	s1 =	sor.u32 s4, s28;
	s10 =	ssub.s32 $0x2, s4;
	s4 =	smul.u32 $0x2710, s4  }
0x7: {  	[smem:$0x7FF] =	sst s3;
	p0 =	sgt.u32 s0, $0x9;
	s6 =	smul.u32 $0xA00, s1  }
0x8: {  	s1 =	rddreg [dreg:$0x3];
	_ =	strace $0x80000047;
	s29 =	sshrl.u32 s10, $0x1  }
0x9: {  	s30 =	sshrl.u32 s8, $0x2;
	s10 =	ssub.s32 s10, s29;
	s31 =	sadd.s32 s9, s4  }
0xa: {  	s4 =	sadd.s32 s30, s2;
	s5 =	sadd.s32 s6, s5;
	s8 =	sshrl.u32 s31, $0x3  }
0xb: {  	s6 =	sadd.s32 s9, s2;
	s9 =	simm.s32 $0x5080;
	s5 =	sadd.s32 $0x4200, s5  }
0xc: {  	v0 =	vimm.f32 $1.000000000e+00;
	v1 =	vimm.f32 $0.0e+00;
	s7 =	sadd.s32 s7, s8;
	s8 =	smax.u32 s10, $0x1;
	s10 =	simm.s32 $0x1  }
.LBB2_1:
0xd: {  	[tilespmem:$0x5000] =	vst v0  }
0xe: {  	[tilespmem:$0x5010] =	vst v0  }
0xf: {  	[tilespmem:$0x5020] =	vst v0  }
0x10: {  	[tilespmem:$0x5030] =	vst v0  }
0x11: {  	[tilespmem:$0x5080] =	vst v1  }
0x12: {  	[tilespmem:$0x5090] =	vst v1  }
0x13: {  	[tilespmem:$0x50A0] =	vst v1  }
0x14: {  	[tilespmem:$0x50B0] =	vst v1  }
0x15: {  	[tilespmem:$0x50C0] =	vst v1  }
0x16: {  	[tilespmem:$0x50D0] =	vst v1  }
0x17: {  	[tilespmem:$0x50E0] =	vst v1  }
0x18: {  	[tilespmem:$0x50F0] =	vst v1  }
0x19: {  	[tilespmem:$0x5100] =	vst v1  }
0x1a: {  	[tilespmem:$0x5110] =	vst v1  }
0x1b: {  	[tilespmem:$0x5120] =	vst v1  }
0x1c: {  	[tilespmem:$0x5130] =	vst v1  }
0x1d: {  	[tilespmem:$0x5140] =	vst v1  }
0x1e: {  	[tilespmem:$0x5150] =	vst v1  }
0x1f: {  	[tilespmem:$0x5160] =	vst v1  }
0x20: {  	[tilespmem:$0x5170] =	vst v1  }
0x21: {  	[tilespmem:$0x5180] =	vst v1  }
0x22: {  	[tilespmem:$0x5190] =	vst v1  }
0x23: {  	[tilespmem:$0x51A0] =	vst v1  }
0x24: {  	[tilespmem:$0x51B0] =	vst v1  }
0x25: {  	[tilespmem:$0x51C0] =	vst v1  }
0x26: {  	[tilespmem:$0x51D0] =	vst v1  }
0x27: {  	[tilespmem:$0x51E0] =	vst v1  }
0x28: {  	[tilespmem:$0x51F0] =	vst v1  }
0x29: {  	[tilespmem:$0x5200] =	vst v1  }
0x2a: {  	[tilespmem:$0x5210] =	vst v1  }
0x2b: {  	[tilespmem:$0x5220] =	vst v1  }
0x2c: {  	[tilespmem:$0x5230] =	vst v1  }
0x2d: {  	[tilespmem:$0x5240] =	vst v1  }
0x2e: {  	[tilespmem:$0x5250] =	vst v1  }
0x2f: {  	[tilespmem:$0x5260] =	vst v1  }
0x30: {  	[tilespmem:$0x5270] =	vst v1  }
0x31: {  	[tilespmem:$0x5280] =	vst v1  }
0x32: {  	[tilespmem:$0x5290] =	vst v1  }
0x33: {  	[tilespmem:$0x52A0] =	vst v1  }
0x34: {  	[tilespmem:$0x52B0] =	vst v1  }
0x35: {  	[tilespmem:$0x52C0] =	vst v1  }
0x36: {  	[tilespmem:$0x52D0] =	vst v1  }
0x37: {  	[tilespmem:$0x52E0] =	vst v1  }
0x38: {  	[tilespmem:$0x52F0] =	vst v1  }
0x39: {  	[spmem:s4] =	stream.linear.scatter [tilespmem:s9], [sflag:$0x1], $0x280, $0x38;
	[tilespmem:$0x5980] =	vst v63  }
0x3a: {  	_ =	swait.ge [sflag:s10], $0x280  }
0x3b: {  	[sflag:s10] =	ssyncset.done $0x0  }
0x3c: {  	[sflag:s10] =	ssyncadd.s32 $0xFFFFFD80  }
0x3d: {  	[bflag:$0x0] =	sbarrier.arrive $0xFFFF  }
0x3e: {  	[tilespmem:s3], [sflag:$0x1] =	stream.linear.gather [hbm4b:s5+s3], $0x5000, $0x38;
	[tilespmem:$0x5980] =	vst v63  }
0x3f: {  	_ =	swait.ge [sflag:s10], $0x5000  }
0x40: {  	[sflag:s10] =	ssyncset.done $0x0  }
0x41: {  	s14 =	simm.s32 $0x0;
	[sflag:s10] =	ssyncadd.s32 $0xFFFFB000  }
0x42: {  	[spmem:s2] =	stream.indirect.scatter.add.f32 [tilespmem:s12], [sflag:$0x1], $0x1, s14, s11, $0xb8;
	[tilespmem:$0x5980] =	vst v63  }
0x43: {  	_ =	swait.ge [sflag:s10], $0x40  }
0x44: {  	s14 =	simm.s32 $0x200;
	[sflag:s10] =	ssyncset.done $0x0  }
.LBB2_2:
0x45: {  	s15 =	sshra.s32 s14, $0x2;
	[sflag:s10] =	ssyncadd.s32 $0xFFFFFFC0;
	p1 =	sne.s32 s14, $0x4E00  }
0x46: {  	[spmem:s2] =	stream.indirect.scatter.add.f32 [tilespmem:s12], [sflag:$0x1], $0x1, s15, s11, $0xb8;
	[tilespmem:$0x5980] =	vst v63  }
.Ltmp0:
0x47: {  	_ = 	snop;
	(pc) =	sbr.rel @p1 .LBB2_2-.Ltmp0, $4  }
0x48: {  	_ = 	snop  }
0x49: {  	s14 =	sadd.s32 $0x200, s14  }
0x4a: {  	_ =	swait.ge [sflag:s10], $0x40  }
0x4b: {  	[sflag:s10] =	ssyncset.done $0x0  }
0x4c: {  	[sflag:s10] =	ssyncadd.s32 $0xFFFFFFC0;
	s14 =	simm.s32 $0x1400  }
0x4d: {  	[spmem:s2] =	stream.indirect.scatter.add.f32 [tilespmem:s12], [sflag:$0x1], $0x1, s14, s11, $0xb8;
	[tilespmem:$0x5980] =	vst v63  }
0x4e: {  	s14 =	simm.s32 $0x200;
	_ =	swait.ge [sflag:s10], $0x40  }
.LBB2_4:
0x4f: {  	s15 =	sshra.s32 s14, $0x2;
	[sflag:s10] =	ssyncset.done $0x0;
	p1 =	sne.s32 s14, $0x4E00  }
.Ltmp1:
0x50: {  	s15 =	sadd.s32 $0x1400, s15;
	[sflag:s10] =	ssyncadd.s32 $0xFFFFFFC0;
	(pc) =	sbr.rel @p1 .LBB2_4-.Ltmp1, $3  }
0x51: {  	[spmem:s2] =	stream.indirect.scatter.add.f32 [tilespmem:s12], [sflag:$0x1], $0x1, s15, s11, $0xb8;
	[tilespmem:$0x5980] =	vst v63  }
0x52: {  	s14 =	sadd.s32 $0x200, s14;
	_ =	sdelay $0x1  }
0x53: {  	_ =	swait.ge [sflag:s10], $0x40  }
0x54: {  	[sflag:s10] =	ssyncset.done $0x0  }
0x55: {  	s14 =	simm.s32 $0x2800;
	[sflag:s10] =	ssyncadd.s32 $0xFFFFFFC0  }
0x56: {  	[spmem:s2] =	stream.indirect.scatter.add.f32 [tilespmem:s12], [sflag:$0x1], $0x1, s14, s11, $0xb8;
	[tilespmem:$0x5980] =	vst v63  }
0x57: {  	s14 =	simm.s32 $0x200;
	_ =	swait.ge [sflag:s10], $0x40  }
.LBB2_6:
0x58: {  	s15 =	sshra.s32 s14, $0x2;
	[sflag:s10] =	ssyncset.done $0x0;
	p1 =	sne.s32 s14, $0x4E00  }
.Ltmp2:
0x59: {  	s15 =	sadd.s32 $0x2800, s15;
	[sflag:s10] =	ssyncadd.s32 $0xFFFFFFC0;
	(pc) =	sbr.rel @p1 .LBB2_6-.Ltmp2, $3  }
0x5a: {  	[spmem:s2] =	stream.indirect.scatter.add.f32 [tilespmem:s12], [sflag:$0x1], $0x1, s15, s11, $0xb8;
	[tilespmem:$0x5980] =	vst v63  }
0x5b: {  	s14 =	sadd.s32 $0x200, s14;
	_ =	sdelay $0x1  }
0x5c: {  	_ =	swait.ge [sflag:s10], $0x40  }
0x5d: {  	[sflag:s10] =	ssyncset.done $0x0  }
0x5e: {  	s14 =	simm.s32 $0x3C00;
	[sflag:s10] =	ssyncadd.s32 $0xFFFFFFC0  }
0x5f: {  	[spmem:s2] =	stream.indirect.scatter.add.f32 [tilespmem:s12], [sflag:$0x1], $0x1, s14, s11, $0xb8;
	[tilespmem:$0x5980] =	vst v63  }
0x60: {  	s14 =	simm.s32 $0x200;
	_ =	swait.ge [sflag:s10], $0x40  }
.LBB2_8:
0x61: {  	s15 =	sshra.s32 s14, $0x2;
	[sflag:s10] =	ssyncset.done $0x0;
	p1 =	sne.s32 s14, $0x4E00  }
.Ltmp3:
0x62: {  	s15 =	sadd.s32 $0x3C00, s15;
	[sflag:s10] =	ssyncadd.s32 $0xFFFFFFC0;
	(pc) =	sbr.rel @p1 .LBB2_8-.Ltmp3, $3  }
0x63: {  	[spmem:s2] =	stream.indirect.scatter.add.f32 [tilespmem:s12], [sflag:$0x1], $0x1, s15, s11, $0xb8;
	[tilespmem:$0x5980] =	vst v63  }
0x64: {  	s14 =	sadd.s32 $0x200, s14;
	_ =	sdelay $0x1  }
0x65: {  	_ =	swait.ge [sflag:s10], $0x40  }
0x66: {  	[sflag:s10] =	ssyncset.done $0x0  }
0x67: {  	[sflag:s10] =	ssyncadd.s32 $0xFFFFFFC0  }
0x68: {  	s14 =	simm.s32 @!p0 $0x5300;
	s15 =	simm.s32 @!p0 $0x1;
	[bflag:$0x0] =	sbarrier.arrive $0xFFFF  }
0x69: {  	[tilespmem:s14], [sflag:$0x1] =	stream.linear.gather @!p0 [spmem:s6], $0x3E8, $0x38;
	[tilespmem:$0x5980] =	vst v63  }
0x6a: {  	s13 =	sadd.s32 $0x1, s13;
	_ =	swait.ge @!p0 [sflag:s15], $0x3E8  }
0x6b: {  	p1 =	sne.s32 s13, s8;
	[sflag:s15] =	ssyncset.done @!p0 $0x0  }
.Ltmp4:
0x6c: {  	s16 =	simm.s32 @!p0 $0x0;
	[sflag:s15] =	ssyncadd.s32 @!p0 $0xFFFFFC18;
	(pc) =	sbr.rel @p1 .LBB2_1-.Ltmp4, $4  }
0x6d: {  	[hbm4b:s7+s16] =	stream.linear.scatter @!p0 [tilespmem:s14], [sflag:$0x1], $0x3E8, $0x38;
	[tilespmem:$0x5980] =	vst v63  }
0x6e: {  	_ =	swait.ge @!p0 [sflag:s15], $0x3E8  }
0x6f: {  	[sflag:s15] =	ssyncset.done @!p0 $0x0  }
0x70: {  	[sflag:s15] =	ssyncadd.s32 @!p0 $0xFFFFFC18  }
0x71: {  	_ =	sfence.sel $0x180000  }
0x72: {  	[bflag:$0x0] =	sbarrier.arrive $0xFFFF  }
0x73: {  	p0 =	sne.s32 s0, $0x0;
	_ =	strace $0x90000047  }
0x74: {  	s0 =	sadd.s32 @!p0 $0x100000, s1;
	[bflag:$0x2] =	sbarrier.arrive $0xFFFF  }
0x75: {  	[sflag:s0] =	ssyncadd.tile.s32 @!p0 $0x1;
	_ =	shalt  }
.Lfunc_end2:
_tile_overlayer_lowered:
.L_overlay_start_2:
0x76: {  	(tag) =	ssettag $0x2  }
0x77: {  	s0 =	rddreg [dreg:$0x0];
	s2 =	stileid.u32  }
0x78: {  	s1 =	rddreg [dreg:$0x1];
	p0 =	sne.s32 s2, $0x0  }
0x79: {  	s3 =	rddreg [dreg:$0x2];
	[bflag:$0x3] =	sbarrier.arrive $0xFFFF;
	s2 =	simm.s32 @!p0 $0x1C01  }
0x7a: {  	[timem:s3], [sflag:s2] =	dma.local @!p0 [hbm:s0], s1  }
0x7b: {  	s0 =	simm.s32 @!p0 $0x1  }
0x7c: {  	_ =	swait.ge @!p0 [sflag:s0], s1  }
0x7d: {  	s1 =	ssub.s32 @!p0 $0x0, s1;
	[sflag:s0] =	ssyncset.done @!p0 $0x0  }
0x7e: {  	[sflag:s0] =	ssyncadd.s32 @!p0 s1  }
0x7f: {  	[bflag:$0x3] =	sbarrier.arrive $0xFFFF  }
0x80: {  	_ =	shalt  }

</sc_bundles>
